<compile_context>
chip_gen: v7x
topology: tpu7x:2x2x1
jax: 0.10.2.dev20260603
libtpu: 0.0.44.dev20260713+nightly
codegen_flags: <defaults>
</compile_context>

<pallas_src>
import functools

import jax
import jax.numpy as jnp
from jax import lax
from jax.experimental import pallas as pl
from jax.experimental.pallas import tpu as pltpu
from jax.experimental.pallas import tpu_sc as plsc

N = 10000
E = 320000
DIM = 128
LAYERS = 5

NC = 2
NS = 16
NW = NC * NS
EPW = E // NW
CHUNK = 120
NCHUNK = 84
EPP = NCHUNK * CHUNK
NROW = 3
NED = 6
RPS = 624
TAIL = N - NS * RPS



def _propagate_body(h_hbm, edata_hbm, zero_hbm, out_hbm, *refs):
    ebuf = refs[:NED]
    rows = refs[NED:NED + NROW]
    seme = refs[NED + NROW:2 * NED + NROW]
    semg = refs[2 * NED + NROW:2 * NED + 2 * NROW]
    sems = refs[2 * NED + 2 * NROW:2 * NED + 3 * NROW]
    acc = refs[-1]

    c = lax.axis_index("c")
    s = lax.axis_index("s")
    wid = c * NS + s

    pltpu.sync_copy(zero_hbm.at[pl.ds(s * RPS, RPS)], acc.at[pl.ds(s * RPS, RPS)])

    @pl.when(s == NS - 1)
    def _zero_tail():
        pltpu.sync_copy(zero_hbm.at[pl.ds(NS * RPS, TAIL)],
                        acc.at[pl.ds(NS * RPS, TAIL)])

    plsc.subcore_barrier()

    def fire_edata(g, m):
        pltpu.async_copy(edata_hbm.at[wid, g], ebuf[m], seme[m])

    def wait_edata(g, m):
        pltpu.make_async_copy(edata_hbm.at[wid, g], ebuf[m], seme[m]).wait()

    def fire_gather(g, k, m):
        pltpu.async_copy(h_hbm.at[ebuf[m].at[0]], rows[k], semg[k])

    def wait_gather(g, k, m):
        pltpu.make_async_copy(h_hbm.at[ebuf[m].at[0]], rows[k], semg[k]).wait()

    def fire_scatter(g, k, m):
        pltpu.async_copy(rows[k], acc.at[ebuf[m].at[1]], sems[k], add=True)

    def wait_scatter(g, k, m):
        pltpu.make_async_copy(rows[k], acc.at[ebuf[m].at[1]], sems[k]).wait()

    two16 = jnp.full((16,), 2, jnp.int32)
    zero16 = jnp.full((16,), 0, jnp.int32)

    def scale(k, m):
        r = rows[k]
        eb = ebuf[m]

        def body(e, _):
            nb = plsc.bitcast(plsc.load_gather(eb, [two16, zero16 + e]),
                              jnp.float32)
            for j in range(DIM // 16):
                r[e, pl.ds(j * 16, 16)] = r[e, pl.ds(j * 16, 16)] * nb
            return 0

        lax.fori_loop(0, CHUNK, body, 0, unroll=2)

    for m in range(NED - 1):
        fire_edata(m, m)
    for j in range(NROW - 1):
        wait_edata(j, j)
        fire_gather(j, j, j)

    def octet(q, _):
        for i in range(NED):
            g = q * NED + i
            k = i % NROW
            m = i
            kn = (i + NROW - 1) % NROW
            mn = (i + NED - 1) % NED
            wait_gather(g, k, m)
            scale(k, m)

            @pl.when(g >= 1)
            def _ws():
                wait_scatter(g - 1, kn, mn)

            fire_scatter(g, k, m)

            @pl.when(g + NED - 1 < NCHUNK)
            def _fe():
                fire_edata(g + NED - 1, mn)

            @pl.when(g + NROW - 1 < NCHUNK)
            def _fg():
                wait_edata(g + NROW - 1, (i + NROW - 1) % NED)
                fire_gather(g + NROW - 1, kn, (i + NROW - 1) % NED)
        return 0

    lax.fori_loop(0, NCHUNK // NED, octet, 0)
    wait_scatter(NCHUNK - 1, (NCHUNK - 1) % NROW, (NCHUNK - 1) % NED)

    plsc.subcore_barrier()
    pltpu.sync_copy(acc.at[pl.ds(s * RPS, RPS)], out_hbm.at[c, pl.ds(s * RPS, RPS)])

    @pl.when(s == NS - 1)
    def _out_tail():
        pltpu.sync_copy(acc.at[pl.ds(NS * RPS, TAIL)],
                        out_hbm.at[c, pl.ds(NS * RPS, TAIL)])


def _propagate(h, edata, zeros):
    mesh = plsc.VectorSubcoreMesh(core_axis_name="c", subcore_axis_name="s")
    f = pl.kernel(
        _propagate_body,
        out_type=jax.ShapeDtypeStruct((NC, N, DIM), jnp.float32),
        mesh=mesh,
        compiler_params=pltpu.CompilerParams(needs_layout_passes=False),
        scratch_types=(
            [pltpu.VMEM((3, CHUNK), jnp.int32)] * NED
            + [pltpu.VMEM((CHUNK, DIM), jnp.float32)] * NROW
            + [pltpu.SemaphoreType.DMA] * (NED + 2 * NROW)
            + [pltpu.VMEM_SHARED((N, DIM), jnp.float32)]
        ),
    )
    return f(h, edata, zeros)



_RB = 2000


def _encode_body(x_ref, w_ref, o_ref):
    h = jnp.maximum(jnp.dot(x_ref[...], w_ref[...],
                            preferred_element_type=jnp.float32), 0.0)
    nn = jnp.sqrt(jnp.sum(h * h, axis=1, keepdims=True))
    o_ref[...] = h / jnp.maximum(nn, 1e-12)


def _encode(xp, wt):
    grid = (N // _RB,)
    return pl.pallas_call(
        _encode_body,
        grid=grid,
        in_specs=[
            pl.BlockSpec((_RB, 8), lambda i: (i, 0)),
            pl.BlockSpec((8, DIM), lambda i: (0, 0)),
        ],
        out_specs=pl.BlockSpec((_RB, DIM), lambda i: (i, 0)),
        out_shape=jax.ShapeDtypeStruct((N, DIM), jnp.float32),
    )(xp, wt)


def _gru_body(p_ref, h_ref, z_ref, wih_ref, whh_ref, bih_ref, bhh_ref,
              hn_ref, zn_ref):
    agg = p_ref[0] + p_ref[1]
    h = h_ref[...]
    gi = jnp.dot(agg, wih_ref[...], preferred_element_type=jnp.float32) + bih_ref[...]
    gh = jnp.dot(h, whh_ref[...], preferred_element_type=jnp.float32) + bhh_ref[...]
    r = jax.nn.sigmoid(gi[:, :DIM] + gh[:, :DIM])
    zg = jax.nn.sigmoid(gi[:, DIM:2 * DIM] + gh[:, DIM:2 * DIM])
    n = jnp.tanh(gi[:, 2 * DIM:] + r * gh[:, 2 * DIM:])
    hn = (1.0 - zg) * n + zg * h
    nn = jnp.sqrt(jnp.sum(hn * hn, axis=1, keepdims=True))
    hn = hn / jnp.maximum(nn, 1e-12)
    hn_ref[...] = hn
    zn_ref[...] = jnp.maximum(z_ref[...], hn)


def _gru(parts, h, z, wih_t, whh_t, bih, bhh):
    grid = (N // _RB,)
    return pl.pallas_call(
        _gru_body,
        grid=grid,
        in_specs=[
            pl.BlockSpec((NC, _RB, DIM), lambda i: (0, i, 0)),
            pl.BlockSpec((_RB, DIM), lambda i: (i, 0)),
            pl.BlockSpec((_RB, DIM), lambda i: (i, 0)),
            pl.BlockSpec((DIM, 3 * DIM), lambda i: (0, 0)),
            pl.BlockSpec((DIM, 3 * DIM), lambda i: (0, 0)),
            pl.BlockSpec((1, 3 * DIM), lambda i: (0, 0)),
            pl.BlockSpec((1, 3 * DIM), lambda i: (0, 0)),
        ],
        out_specs=[
            pl.BlockSpec((_RB, DIM), lambda i: (i, 0)),
            pl.BlockSpec((_RB, DIM), lambda i: (i, 0)),
        ],
        out_shape=[
            jax.ShapeDtypeStruct((N, DIM), jnp.float32),
            jax.ShapeDtypeStruct((N, DIM), jnp.float32),
        ],
    )(parts, h, z, wih_t, whh_t, bih, bhh)


def _decode_body(z_ref, w1_ref, w2_ref, o_ref):
    t = jnp.maximum(jnp.dot(z_ref[...], w1_ref[...],
                            preferred_element_type=jnp.float32), 0.0)
    o_ref[...] = jnp.sum(t * w2_ref[...], axis=1).reshape(1, 1, _RB)


def _decode(z, w1t, w2row):
    grid = (N // _RB,)
    out = pl.pallas_call(
        _decode_body,
        grid=grid,
        in_specs=[
            pl.BlockSpec((_RB, DIM), lambda i: (i, 0)),
            pl.BlockSpec((DIM, DIM // 2), lambda i: (0, 0)),
            pl.BlockSpec((1, DIM // 2), lambda i: (0, 0)),
        ],
        out_specs=pl.BlockSpec((1, 1, _RB), lambda i: (i, 0, 0)),
        out_shape=jax.ShapeDtypeStruct((N // _RB, 1, _RB), jnp.float32),
    )(z, w1t, w2row)
    return out.reshape(-1)




def kernel(x, edge_index, norm, W_enc, W_ih, W_hh, b_ih, b_hh, W_dec1, W_dec2):
    xp = jnp.pad(x, ((0, 0), (0, 5)))
    w_enc_t = jnp.pad(W_enc, ((0, 0), (0, 5))).T
    wih_t = W_ih.T
    whh_t = W_hh.T
    bih = b_ih.reshape(1, -1)
    bhh = b_hh.reshape(1, -1)
    w1t = W_dec1.T
    w2row = W_dec2.reshape(1, -1)
    pad = ((0, 0), (0, EPP - EPW))
    src2 = jnp.pad(edge_index[0].reshape(NW, EPW), pad)
    dst2 = jnp.pad(edge_index[1].reshape(NW, EPW), pad)
    nrm2 = jnp.pad(lax.bitcast_convert_type(norm, jnp.int32).reshape(NW, EPW),
                   pad)
    edata = jnp.stack([src2.reshape(NW, NCHUNK, CHUNK),
                       dst2.reshape(NW, NCHUNK, CHUNK),
                       nrm2.reshape(NW, NCHUNK, CHUNK)], axis=2)
    zeros = jnp.zeros((N, DIM), jnp.float32)

    h = _encode(xp, w_enc_t)
    z = h

    def layer(_, hz):
        h, z = hz
        parts = _propagate(h, edata, zeros)
        return _gru(parts, h, z, wih_t, whh_t, bih, bhh)

    h, z = lax.fori_loop(0, LAYERS - 1, layer, (h, z))
    y = _decode(z, w1t, w2row)
    return y

# --- scband reference (transcript-rebuilt; emitter-appended) ---
"""Pipeline reference for scband-dr-bc-87754771792511 (READ-ONLY COPY).

The authoritative reference and input builder live on the scoring server;
editing this copy changes nothing except your own understanding.
"""

import jax, jax.numpy as jnp
import numpy as np

N = 10000
E = 320000
DIM = 128
LAYERS = 5


def setup_inputs(seed: int = 0) -> dict:
    key = jax.random.key(seed)
    ks = jax.random.split(key, 10)
    x = jax.random.uniform(ks[0], (N, 3), dtype=jnp.float32)
    edge_index = jax.random.randint(ks[1], (2, E), 0, N, dtype=jnp.int32)
    norm = jax.random.uniform(ks[2], (E,), dtype=jnp.float32)
    # learned params
    W_enc = jax.random.normal(ks[3], (DIM, 3), dtype=jnp.float32) * 0.05
    W_ih = jax.random.normal(ks[4], (3 * DIM, DIM), dtype=jnp.float32) * 0.05
    W_hh = jax.random.normal(ks[5], (3 * DIM, DIM), dtype=jnp.float32) * 0.05
    b_ih = jnp.full((3 * DIM,), 0.01, dtype=jnp.float32)
    b_hh = jnp.full((3 * DIM,), 0.01, dtype=jnp.float32)
    W_dec1 = jax.random.normal(ks[6], (DIM // 2, DIM), dtype=jnp.float32) * 0.05
    W_dec2 = jax.random.normal(ks[7], (1, DIM // 2), dtype=jnp.float32) * 0.05
    return {"x": x, "edge_index": edge_index, "norm": norm, "W_enc": W_enc,
            "W_ih": W_ih, "W_hh": W_hh, "b_ih": b_ih, "b_hh": b_hh,
            "W_dec1": W_dec1, "W_dec2": W_dec2}


def _l2norm(h):
    return h / jnp.maximum(jnp.linalg.norm(h, axis=1, keepdims=True), 1e-12)


def _gru_cell(inp, h, W_ih, W_hh, b_ih, b_hh):
    gi = inp @ W_ih.T + b_ih
    gh = h @ W_hh.T + b_hh
    i_r, i_z, i_n = jnp.split(gi, 3, axis=1)
    h_r, h_z, h_n = jnp.split(gh, 3, axis=1)
    r = jax.nn.sigmoid(i_r + h_r)
    z = jax.nn.sigmoid(i_z + h_z)
    n = jnp.tanh(i_n + r * h_n)
    return (1.0 - z) * n + z * h


def reference(x, edge_index, norm, W_enc, W_ih, W_hh, b_ih, b_hh, W_dec1, W_dec2):
    # encode
    h = jax.nn.relu(x @ W_enc.T)
    h = _l2norm(h)
    h_list = [h]
    src = edge_index[0]
    dst = edge_index[1]
    for _ in range(LAYERS - 1):
        # message: norm * x_j gathered from source nodes; aggr='add' at dst
        msgs = norm[:, None] * h[src]
        agg = jax.ops.segment_sum(msgs, dst, num_segments=N)
        h = _gru_cell(agg, h, W_ih, W_hh, b_ih, b_hh)
        h = _l2norm(h)
        h_list.append(h)
    stacked = jnp.stack(h_list, axis=1)
    z = jnp.max(stacked, axis=1)
    # decode
    y = jax.nn.relu(z @ W_dec1.T)
    y = y @ W_dec2.T
    return y.reshape(-1)

if __name__ == "__main__":
    import jax
    _d = setup_inputs()
    print(jax.jit(kernel)(*tuple(_d.values())))

</pallas_src>

<mosaic_0001>
#map = affine_map<(d0, d1) -> (0, 0)>
#map1 = affine_map<(d0, d1) -> (0, 0, 0, 0)>
#map2 = affine_map<(d0, d1) -> (0, 0, 0)>
module attributes {stable_mosaic.version = 14 : i64} {
  func.func @_propagate_body(%arg0: i32, %arg1: i32, %arg2: memref<10000x128xf32, #tpu.memory_space<hbm>>, %arg3: memref<32x84x3x120xi32, #tpu.memory_space<hbm>>, %arg4: memref<10000x128xf32, #tpu.memory_space<hbm>>, %arg5: memref<2x10000x128xf32, #tpu.memory_space<hbm>>, %arg6: memref<3x120xi32, #tpu.memory_space<vmem>>, %arg7: memref<3x120xi32, #tpu.memory_space<vmem>>, %arg8: memref<3x120xi32, #tpu.memory_space<vmem>>, %arg9: memref<3x120xi32, #tpu.memory_space<vmem>>, %arg10: memref<3x120xi32, #tpu.memory_space<vmem>>, %arg11: memref<3x120xi32, #tpu.memory_space<vmem>>, %arg12: memref<120x128xf32, #tpu.memory_space<vmem>>, %arg13: memref<120x128xf32, #tpu.memory_space<vmem>>, %arg14: memref<120x128xf32, #tpu.memory_space<vmem>>, %arg15: memref<!tpu.dma_semaphore, #tpu.memory_space<semaphore_mem>>, %arg16: memref<!tpu.dma_semaphore, #tpu.memory_space<semaphore_mem>>, %arg17: memref<!tpu.dma_semaphore, #tpu.memory_space<semaphore_mem>>, %arg18: memref<!tpu.dma_semaphore, #tpu.memory_space<semaphore_mem>>, %arg19: memref<!tpu.dma_semaphore, #tpu.memory_space<semaphore_mem>>, %arg20: memref<!tpu.dma_semaphore, #tpu.memory_space<semaphore_mem>>, %arg21: memref<!tpu.dma_semaphore, #tpu.memory_space<semaphore_mem>>, %arg22: memref<!tpu.dma_semaphore, #tpu.memory_space<semaphore_mem>>, %arg23: memref<!tpu.dma_semaphore, #tpu.memory_space<semaphore_mem>>, %arg24: memref<!tpu.dma_semaphore, #tpu.memory_space<semaphore_mem>>, %arg25: memref<!tpu.dma_semaphore, #tpu.memory_space<semaphore_mem>>, %arg26: memref<!tpu.dma_semaphore, #tpu.memory_space<semaphore_mem>>, %arg27: memref<10000x128xf32, #tpu.memory_space<vmem_shared>>) attributes {dimension_semantics = [#tpu.dimension_semantics<core_parallel>, #tpu.dimension_semantics<subcore_parallel>], iteration_bounds = array<i64: 2, 16>, scalar_prefetch = 0 : i64, scratch_operands = 22 : i64, tpu.core_type = #tpu.core_type<sc_vector_subcore>, window_params = [{transform_indices = #map}, {transform_indices = #map1}, {transform_indices = #map}, {transform_indices = #map2}]} {
    %mul3A = arith.constant 16 : i32
    %mul3A_0 = arith.muli %arg0, %mul3A : i32
    %add3A = arith.addi %mul3A_0, %arg1 : i32
    %mul3A_1 = arith.constant 624 : i32
    %mul3A_2 = arith.muli %arg1, %mul3A_1 : i32
    %mul3A_3 = arith.constant 624 : i32
    %mul3A_4 = arith.muli %arg1, %mul3A_3 : i32
    "tpu.region"() ({
      %run_scoped3A = tpu.sem_alloc : memref<!tpu.dma_semaphore, #tpu.memory_space<semaphore_mem>>
      %dma_start3A_108 = arith.constant 0 : i32
      %dma_start3A_109 = tpu.memref_slice %arg27[%mul3A_4, %dma_start3A_108] : memref<10000x128xf32, #tpu.memory_space<vmem_shared>> -> memref<624x128xf32, #tpu.memory_space<vmem_shared>>
      %dma_start3A_110 = arith.constant 0 : i32
      %dma_start3A_111 = tpu.memref_slice %arg4[%mul3A_2, %dma_start3A_110] : memref<10000x128xf32, #tpu.memory_space<hbm>> -> memref<624x128xf32, #tpu.memory_space<hbm>>
      tpu.enqueue_dma source(%dma_start3A_111 : memref<624x128xf32, #tpu.memory_space<hbm>>) target(%dma_start3A_109 : memref<624x128xf32, #tpu.memory_space<vmem_shared>>) target_semaphore(%run_scoped3A : memref<!tpu.dma_semaphore, #tpu.memory_space<semaphore_mem>>)
      %dma_wait3A_112 = arith.constant 0 : i32
      %dma_wait3A_113 = tpu.memref_slice %arg27[%mul3A_4, %dma_wait3A_112] : memref<10000x128xf32, #tpu.memory_space<vmem_shared>> -> memref<624x128xf32, #tpu.memory_space<vmem_shared>>
      %dma_wait3A_114 = arith.constant 0 : i32
      %dma_wait3A_115 = tpu.memref_slice %arg4[%mul3A_2, %dma_wait3A_114] : memref<10000x128xf32, #tpu.memory_space<hbm>> -> memref<624x128xf32, #tpu.memory_space<hbm>>
      tpu.wait_dma2 semaphore(%run_scoped3A : memref<!tpu.dma_semaphore, #tpu.memory_space<semaphore_mem>>) src(%dma_wait3A_115 : memref<624x128xf32, #tpu.memory_space<hbm>>) dst(%dma_wait3A_113 : memref<624x128xf32, #tpu.memory_space<vmem_shared>>)
      tpu.yield
    }) : () -> ()
    %eq3A = arith.constant 15 : i32
    %eq3A_5 = arith.cmpi eq, %arg1, %eq3A : i32
    %convert_element_type3A = arith.extui %eq3A_5 : i1 to i32
    %cond3A = arith.constant 0 : i32
    %cond3A_6 = arith.cmpi ne, %convert_element_type3A, %cond3A : i32
    scf.if %cond3A_6 {
      "tpu.region"() ({
        %run_scoped3A = tpu.sem_alloc : memref<!tpu.dma_semaphore, #tpu.memory_space<semaphore_mem>>
        %dma_start3A_108 = arith.constant 9984 : i32
        %dma_start3A_109 = arith.constant 0 : i32
        %dma_start3A_110 = tpu.memref_slice %arg27[%dma_start3A_108, %dma_start3A_109] : memref<10000x128xf32, #tpu.memory_space<vmem_shared>> -> memref<16x128xf32, #tpu.memory_space<vmem_shared>>
        %dma_start3A_111 = arith.constant 9984 : i32
        %dma_start3A_112 = arith.constant 0 : i32
        %dma_start3A_113 = tpu.memref_slice %arg4[%dma_start3A_111, %dma_start3A_112] : memref<10000x128xf32, #tpu.memory_space<hbm>> -> memref<16x128xf32, #tpu.memory_space<hbm>>
        tpu.enqueue_dma source(%dma_start3A_113 : memref<16x128xf32, #tpu.memory_space<hbm>>) target(%dma_start3A_110 : memref<16x128xf32, #tpu.memory_space<vmem_shared>>) target_semaphore(%run_scoped3A : memref<!tpu.dma_semaphore, #tpu.memory_space<semaphore_mem>>)
        %dma_wait3A_114 = arith.constant 9984 : i32
        %dma_wait3A_115 = arith.constant 0 : i32
        %dma_wait3A_116 = tpu.memref_slice %arg27[%dma_wait3A_114, %dma_wait3A_115] : memref<10000x128xf32, #tpu.memory_space<vmem_shared>> -> memref<16x128xf32, #tpu.memory_space<vmem_shared>>
        %dma_wait3A_117 = arith.constant 9984 : i32
        %dma_wait3A_118 = arith.constant 0 : i32
        %dma_wait3A_119 = tpu.memref_slice %arg4[%dma_wait3A_117, %dma_wait3A_118] : memref<10000x128xf32, #tpu.memory_space<hbm>> -> memref<16x128xf32, #tpu.memory_space<hbm>>
        tpu.wait_dma2 semaphore(%run_scoped3A : memref<!tpu.dma_semaphore, #tpu.memory_space<semaphore_mem>>) src(%dma_wait3A_119 : memref<16x128xf32, #tpu.memory_space<hbm>>) dst(%dma_wait3A_116 : memref<16x128xf32, #tpu.memory_space<vmem_shared>>)
        tpu.yield
      }) : () -> ()
    } else {
    }
    %barrier3A = arith.constant 0 : index
    tpu.barrier barrier_id(%barrier3A)
    %broadcast_in_dim3A = arith.constant 2 : i32
    %broadcast_in_dim3A_7 = vector.broadcast %broadcast_in_dim3A : i32 to vector<16xi32>
    %broadcast_in_dim3A_8 = arith.constant 0 : i32
    %broadcast_in_dim3A_9 = vector.broadcast %broadcast_in_dim3A_8 : i32 to vector<16xi32>
    %dma_start3A = arith.constant 0 : i32
    %dma_start3A_10 = arith.constant 0 : i32
    %dma_start3A_11 = arith.constant 0 : i32
    %dma_start3A_12 = tpu.memref_slice %arg3[%add3A, %dma_start3A, %dma_start3A_10, %dma_start3A_11] : memref<32x84x3x120xi32, #tpu.memory_space<hbm>> -> memref<1x1x3x120xi32, #tpu.memory_space<hbm>>
    %dma_start3A_13 = tpu.memref_squeeze %dma_start3A_12 : memref<1x1x3x120xi32, #tpu.memory_space<hbm>> -> memref<3x120xi32, #tpu.memory_space<hbm>>
    %dma_start3A_14 = arith.constant 0 : i32
    %dma_start3A_15 = arith.constant 0 : i32
    %dma_start3A_16 = tpu.memref_slice %arg3[%add3A, %dma_start3A, %dma_start3A_14, %dma_start3A_15] : memref<32x84x3x120xi32, #tpu.memory_space<hbm>> -> memref<1x1x3x120xi32, #tpu.memory_space<hbm>>
    %dma_start3A_17 = tpu.memref_squeeze %dma_start3A_16 : memref<1x1x3x120xi32, #tpu.memory_space<hbm>> -> memref<3x120xi32, #tpu.memory_space<hbm>>
    tpu.enqueue_dma source(%dma_start3A_17 : memref<3x120xi32, #tpu.memory_space<hbm>>) target(%arg6 : memref<3x120xi32, #tpu.memory_space<vmem>>) target_semaphore(%arg15 : memref<!tpu.dma_semaphore, #tpu.memory_space<semaphore_mem>>)
    %dma_start3A_18 = arith.constant 1 : i32
    %dma_start3A_19 = arith.constant 0 : i32
    %dma_start3A_20 = arith.constant 0 : i32
    %dma_start3A_21 = tpu.memref_slice %arg3[%add3A, %dma_start3A_18, %dma_start3A_19, %dma_start3A_20] : memref<32x84x3x120xi32, #tpu.memory_space<hbm>> -> memref<1x1x3x120xi32, #tpu.memory_space<hbm>>
    %dma_start3A_22 = tpu.memref_squeeze %dma_start3A_21 : memref<1x1x3x120xi32, #tpu.memory_space<hbm>> -> memref<3x120xi32, #tpu.memory_space<hbm>>
    %dma_start3A_23 = arith.constant 0 : i32
    %dma_start3A_24 = arith.constant 0 : i32
    %dma_start3A_25 = tpu.memref_slice %arg3[%add3A, %dma_start3A_18, %dma_start3A_23, %dma_start3A_24] : memref<32x84x3x120xi32, #tpu.memory_space<hbm>> -> memref<1x1x3x120xi32, #tpu.memory_space<hbm>>
    %dma_start3A_26 = tpu.memref_squeeze %dma_start3A_25 : memref<1x1x3x120xi32, #tpu.memory_space<hbm>> -> memref<3x120xi32, #tpu.memory_space<hbm>>
    tpu.enqueue_dma source(%dma_start3A_26 : memref<3x120xi32, #tpu.memory_space<hbm>>) target(%arg7 : memref<3x120xi32, #tpu.memory_space<vmem>>) target_semaphore(%arg16 : memref<!tpu.dma_semaphore, #tpu.memory_space<semaphore_mem>>)
    %dma_start3A_27 = arith.constant 2 : i32
    %dma_start3A_28 = arith.constant 0 : i32
    %dma_start3A_29 = arith.constant 0 : i32
    %dma_start3A_30 = tpu.memref_slice %arg3[%add3A, %dma_start3A_27, %dma_start3A_28, %dma_start3A_29] : memref<32x84x3x120xi32, #tpu.memory_space<hbm>> -> memref<1x1x3x120xi32, #tpu.memory_space<hbm>>
    %dma_start3A_31 = tpu.memref_squeeze %dma_start3A_30 : memref<1x1x3x120xi32, #tpu.memory_space<hbm>> -> memref<3x120xi32, #tpu.memory_space<hbm>>
    %dma_start3A_32 = arith.constant 0 : i32
    %dma_start3A_33 = arith.constant 0 : i32
    %dma_start3A_34 = tpu.memref_slice %arg3[%add3A, %dma_start3A_27, %dma_start3A_32, %dma_start3A_33] : memref<32x84x3x120xi32, #tpu.memory_space<hbm>> -> memref<1x1x3x120xi32, #tpu.memory_space<hbm>>
    %dma_start3A_35 = tpu.memref_squeeze %dma_start3A_34 : memref<1x1x3x120xi32, #tpu.memory_space<hbm>> -> memref<3x120xi32, #tpu.memory_space<hbm>>
    tpu.enqueue_dma source(%dma_start3A_35 : memref<3x120xi32, #tpu.memory_space<hbm>>) target(%arg8 : memref<3x120xi32, #tpu.memory_space<vmem>>) target_semaphore(%arg17 : memref<!tpu.dma_semaphore, #tpu.memory_space<semaphore_mem>>)
    %dma_start3A_36 = arith.constant 3 : i32
    %dma_start3A_37 = arith.constant 0 : i32
    %dma_start3A_38 = arith.constant 0 : i32
    %dma_start3A_39 = tpu.memref_slice %arg3[%add3A, %dma_start3A_36, %dma_start3A_37, %dma_start3A_38] : memref<32x84x3x120xi32, #tpu.memory_space<hbm>> -> memref<1x1x3x120xi32, #tpu.memory_space<hbm>>
    %dma_start3A_40 = tpu.memref_squeeze %dma_start3A_39 : memref<1x1x3x120xi32, #tpu.memory_space<hbm>> -> memref<3x120xi32, #tpu.memory_space<hbm>>
    %dma_start3A_41 = arith.constant 0 : i32
    %dma_start3A_42 = arith.constant 0 : i32
    %dma_start3A_43 = tpu.memref_slice %arg3[%add3A, %dma_start3A_36, %dma_start3A_41, %dma_start3A_42] : memref<32x84x3x120xi32, #tpu.memory_space<hbm>> -> memref<1x1x3x120xi32, #tpu.memory_space<hbm>>
    %dma_start3A_44 = tpu.memref_squeeze %dma_start3A_43 : memref<1x1x3x120xi32, #tpu.memory_space<hbm>> -> memref<3x120xi32, #tpu.memory_space<hbm>>
    tpu.enqueue_dma source(%dma_start3A_44 : memref<3x120xi32, #tpu.memory_space<hbm>>) target(%arg9 : memref<3x120xi32, #tpu.memory_space<vmem>>) target_semaphore(%arg18 : memref<!tpu.dma_semaphore, #tpu.memory_space<semaphore_mem>>)
    %dma_start3A_45 = arith.constant 4 : i32
    %dma_start3A_46 = arith.constant 0 : i32
    %dma_start3A_47 = arith.constant 0 : i32
    %dma_start3A_48 = tpu.memref_slice %arg3[%add3A, %dma_start3A_45, %dma_start3A_46, %dma_start3A_47] : memref<32x84x3x120xi32, #tpu.memory_space<hbm>> -> memref<1x1x3x120xi32, #tpu.memory_space<hbm>>
    %dma_start3A_49 = tpu.memref_squeeze %dma_start3A_48 : memref<1x1x3x120xi32, #tpu.memory_space<hbm>> -> memref<3x120xi32, #tpu.memory_space<hbm>>
    %dma_start3A_50 = arith.constant 0 : i32
    %dma_start3A_51 = arith.constant 0 : i32
    %dma_start3A_52 = tpu.memref_slice %arg3[%add3A, %dma_start3A_45, %dma_start3A_50, %dma_start3A_51] : memref<32x84x3x120xi32, #tpu.memory_space<hbm>> -> memref<1x1x3x120xi32, #tpu.memory_space<hbm>>
    %dma_start3A_53 = tpu.memref_squeeze %dma_start3A_52 : memref<1x1x3x120xi32, #tpu.memory_space<hbm>> -> memref<3x120xi32, #tpu.memory_space<hbm>>
    tpu.enqueue_dma source(%dma_start3A_53 : memref<3x120xi32, #tpu.memory_space<hbm>>) target(%arg10 : memref<3x120xi32, #tpu.memory_space<vmem>>) target_semaphore(%arg19 : memref<!tpu.dma_semaphore, #tpu.memory_space<semaphore_mem>>)
    %dma_wait3A = arith.constant 0 : i32
    %dma_wait3A_54 = arith.constant 0 : i32
    %dma_wait3A_55 = arith.constant 0 : i32
    %dma_wait3A_56 = tpu.memref_slice %arg3[%add3A, %dma_wait3A, %dma_wait3A_54, %dma_wait3A_55] : memref<32x84x3x120xi32, #tpu.memory_space<hbm>> -> memref<1x1x3x120xi32, #tpu.memory_space<hbm>>
    %dma_wait3A_57 = tpu.memref_squeeze %dma_wait3A_56 : memref<1x1x3x120xi32, #tpu.memory_space<hbm>> -> memref<3x120xi32, #tpu.memory_space<hbm>>
    %dma_wait3A_58 = arith.constant 0 : i32
    %dma_wait3A_59 = arith.constant 0 : i32
    %dma_wait3A_60 = tpu.memref_slice %arg3[%add3A, %dma_wait3A, %dma_wait3A_58, %dma_wait3A_59] : memref<32x84x3x120xi32, #tpu.memory_space<hbm>> -> memref<1x1x3x120xi32, #tpu.memory_space<hbm>>
    %dma_wait3A_61 = tpu.memref_squeeze %dma_wait3A_60 : memref<1x1x3x120xi32, #tpu.memory_space<hbm>> -> memref<3x120xi32, #tpu.memory_space<hbm>>
    tpu.wait_dma2 semaphore(%arg15 : memref<!tpu.dma_semaphore, #tpu.memory_space<semaphore_mem>>) src(%dma_wait3A_61 : memref<3x120xi32, #tpu.memory_space<hbm>>) dst(%arg6 : memref<3x120xi32, #tpu.memory_space<vmem>>)
    %dma_start3A_62 = arith.constant 0 : i32
    %dma_start3A_63 = arith.constant 0 : i32
    %dma_start3A_64 = tpu.memref_slice %arg6[%dma_start3A_62, %dma_start3A_63] : memref<3x120xi32, #tpu.memory_space<vmem>> -> memref<1x120xi32, #tpu.memory_space<vmem>>
    %dma_start3A_65 = tpu.memref_squeeze %dma_start3A_64 : memref<1x120xi32, #tpu.memory_space<vmem>> -> memref<120xi32, #tpu.memory_space<vmem>>
    %dma_start3A_66 = arith.constant 0 : i32
    %dma_start3A_67 = arith.constant 0 : i32
    %dma_start3A_68 = tpu.memref_slice %arg2[%dma_start3A_66, %dma_start3A_67] : memref<10000x128xf32, #tpu.memory_space<hbm>> -> memref<10000x128xf32, #tpu.memory_space<hbm>>
    tpu.enqueue_indirect_dma source(%dma_start3A_68 : memref<10000x128xf32, #tpu.memory_space<hbm>>) target(%arg12 : memref<120x128xf32, #tpu.memory_space<vmem>>) offsets(%dma_start3A_65 : memref<120xi32, #tpu.memory_space<vmem>>) semaphore(%arg21 : memref<!tpu.dma_semaphore, #tpu.memory_space<semaphore_mem>>)
    %dma_wait3A_69 = arith.constant 1 : i32
    %dma_wait3A_70 = arith.constant 0 : i32
    %dma_wait3A_71 = arith.constant 0 : i32
    %dma_wait3A_72 = tpu.memref_slice %arg3[%add3A, %dma_wait3A_69, %dma_wait3A_70, %dma_wait3A_71] : memref<32x84x3x120xi32, #tpu.memory_space<hbm>> -> memref<1x1x3x120xi32, #tpu.memory_space<hbm>>
    %dma_wait3A_73 = tpu.memref_squeeze %dma_wait3A_72 : memref<1x1x3x120xi32, #tpu.memory_space<hbm>> -> memref<3x120xi32, #tpu.memory_space<hbm>>
    %dma_wait3A_74 = arith.constant 0 : i32
    %dma_wait3A_75 = arith.constant 0 : i32
    %dma_wait3A_76 = tpu.memref_slice %arg3[%add3A, %dma_wait3A_69, %dma_wait3A_74, %dma_wait3A_75] : memref<32x84x3x120xi32, #tpu.memory_space<hbm>> -> memref<1x1x3x120xi32, #tpu.memory_space<hbm>>
    %dma_wait3A_77 = tpu.memref_squeeze %dma_wait3A_76 : memref<1x1x3x120xi32, #tpu.memory_space<hbm>> -> memref<3x120xi32, #tpu.memory_space<hbm>>
    tpu.wait_dma2 semaphore(%arg16 : memref<!tpu.dma_semaphore, #tpu.memory_space<semaphore_mem>>) src(%dma_wait3A_77 : memref<3x120xi32, #tpu.memory_space<hbm>>) dst(%arg7 : memref<3x120xi32, #tpu.memory_space<vmem>>)
    %dma_start3A_78 = arith.constant 0 : i32
    %dma_start3A_79 = arith.constant 0 : i32
    %dma_start3A_80 = tpu.memref_slice %arg7[%dma_start3A_78, %dma_start3A_79] : memref<3x120xi32, #tpu.memory_space<vmem>> -> memref<1x120xi32, #tpu.memory_space<vmem>>
    %dma_start3A_81 = tpu.memref_squeeze %dma_start3A_80 : memref<1x120xi32, #tpu.memory_space<vmem>> -> memref<120xi32, #tpu.memory_space<vmem>>
    %dma_start3A_82 = arith.constant 0 : i32
    %dma_start3A_83 = arith.constant 0 : i32
    %dma_start3A_84 = tpu.memref_slice %arg2[%dma_start3A_82, %dma_start3A_83] : memref<10000x128xf32, #tpu.memory_space<hbm>> -> memref<10000x128xf32, #tpu.memory_space<hbm>>
    tpu.enqueue_indirect_dma source(%dma_start3A_84 : memref<10000x128xf32, #tpu.memory_space<hbm>>) target(%arg13 : memref<120x128xf32, #tpu.memory_space<vmem>>) offsets(%dma_start3A_81 : memref<120xi32, #tpu.memory_space<vmem>>) semaphore(%arg22 : memref<!tpu.dma_semaphore, #tpu.memory_space<semaphore_mem>>)
    %scan3A = arith.constant 0 : i32
    %scan3A_85 = arith.constant 0 : i32
    %scan3A_86 = arith.constant 14 : i32
    %scan3A_87 = arith.addi %scan3A_85, %scan3A_86 : i32
    %scan3A_88 = arith.constant 1 : i32
    %scan3A_89 = scf.for %scan3A_108 = %scan3A_85 to %scan3A_87 step %scan3A_88 iter_args(%scan3A_109 = %scan3A) -> (i32)  : i32 {
      %mul3A_110 = arith.constant 6 : i32
      %mul3A_111 = arith.muli %scan3A_108, %mul3A_110 : i32
      %add3A_112 = arith.constant 0 : i32
      %add3A_113 = arith.addi %mul3A_111, %add3A_112 : i32
      %dma_wait3A_114 = arith.constant 0 : i32
      %dma_wait3A_115 = arith.constant 0 : i32
      %dma_wait3A_116 = tpu.memref_slice %arg6[%dma_wait3A_114, %dma_wait3A_115] : memref<3x120xi32, #tpu.memory_space<vmem>> -> memref<1x120xi32, #tpu.memory_space<vmem>>
      %dma_wait3A_117 = tpu.memref_squeeze %dma_wait3A_116 : memref<1x120xi32, #tpu.memory_space<vmem>> -> memref<120xi32, #tpu.memory_space<vmem>>
      %dma_wait3A_118 = arith.constant 0 : i32
      %dma_wait3A_119 = arith.constant 0 : i32
      %dma_wait3A_120 = tpu.memref_slice %arg2[%dma_wait3A_118, %dma_wait3A_119] : memref<10000x128xf32, #tpu.memory_space<hbm>> -> memref<10000x128xf32, #tpu.memory_space<hbm>>
      tpu.wait_indirect_dma semaphore(%arg21 : memref<!tpu.dma_semaphore, #tpu.memory_space<semaphore_mem>>) src(%dma_wait3A_120 : memref<10000x128xf32, #tpu.memory_space<hbm>>) dst(%arg12 : memref<120x128xf32, #tpu.memory_space<vmem>>)
      %scan3A_121 = arith.constant 0 : i32
      %scan3A_122 = arith.constant 0 : i32
      %scan3A_123 = arith.constant 120 : i32
      %scan3A_124 = arith.addi %scan3A_122, %scan3A_123 : i32
      %scan3A_125 = arith.constant 2 : i32
      %scan3A_126 = scf.for %scan3A_396 = %scan3A_122 to %scan3A_124 step %scan3A_125 iter_args(%scan3A_397 = %scan3A_121) -> (i32)  : i32 {
        %add3A_398 = vector.broadcast %scan3A_396 : i32 to vector<16xi32>
        %add3A_399 = arith.addi %broadcast_in_dim3A_9, %add3A_398 : vector<16xi32>
        %gather3A = tpu.vector_load_idx %arg6[%broadcast_in_dim3A_7, %add3A_399] : memref<3x120xi32, #tpu.memory_space<vmem>>[vector<16xi32>, vector<16xi32>], vector<16xi32>,
        %bitcast3A = vector.bitcast %gather3A : vector<16xi32> to vector<16xf32>
        %get3A = arith.index_cast %scan3A_396 : i32 to index
        %get3A_400 = arith.constant 0 : index
        %get3A_401 = tpu.vector_load %arg12[%get3A, %get3A_400] {strides = array<i32>} : memref<120x128xf32, #tpu.memory_space<vmem>>, vector<16xf32>,
        %mul3A_402 = arith.mulf %get3A_401, %bitcast3A : vector<16xf32>
        %swap3A = arith.index_cast %scan3A_396 : i32 to index
        %swap3A_403 = arith.constant 0 : index
        %swap3A_404 = tpu.vector_load %arg12[%swap3A, %swap3A_403] {strides = array<i32>} : memref<120x128xf32, #tpu.memory_space<vmem>>, vector<16xf32>,
        tpu.vector_store %arg12[%swap3A, %swap3A_403], %mul3A_402 {strides = array<i32>} : memref<120x128xf32, #tpu.memory_space<vmem>>, vector<16xf32>,
        %get3A_405 = arith.index_cast %scan3A_396 : i32 to index
        %get3A_406 = arith.constant 16 : index
        %get3A_407 = tpu.vector_load %arg12[%get3A_405, %get3A_406] {strides = array<i32>} : memref<120x128xf32, #tpu.memory_space<vmem>>, vector<16xf32>,
        %mul3A_408 = arith.mulf %get3A_407, %bitcast3A : vector<16xf32>
        %swap3A_409 = arith.index_cast %scan3A_396 : i32 to index
        %swap3A_410 = arith.constant 16 : index
        %swap3A_411 = tpu.vector_load %arg12[%swap3A_409, %swap3A_410] {strides = array<i32>} : memref<120x128xf32, #tpu.memory_space<vmem>>, vector<16xf32>,
        tpu.vector_store %arg12[%swap3A_409, %swap3A_410], %mul3A_408 {strides = array<i32>} : memref<120x128xf32, #tpu.memory_space<vmem>>, vector<16xf32>,
        %get3A_412 = arith.index_cast %scan3A_396 : i32 to index
        %get3A_413 = arith.constant 32 : index
        %get3A_414 = tpu.vector_load %arg12[%get3A_412, %get3A_413] {strides = array<i32>} : memref<120x128xf32, #tpu.memory_space<vmem>>, vector<16xf32>,
        %mul3A_415 = arith.mulf %get3A_414, %bitcast3A : vector<16xf32>
        %swap3A_416 = arith.index_cast %scan3A_396 : i32 to index
        %swap3A_417 = arith.constant 32 : index
        %swap3A_418 = tpu.vector_load %arg12[%swap3A_416, %swap3A_417] {strides = array<i32>} : memref<120x128xf32, #tpu.memory_space<vmem>>, vector<16xf32>,
        tpu.vector_store %arg12[%swap3A_416, %swap3A_417], %mul3A_415 {strides = array<i32>} : memref<120x128xf32, #tpu.memory_space<vmem>>, vector<16xf32>,
        %get3A_419 = arith.index_cast %scan3A_396 : i32 to index
        %get3A_420 = arith.constant 48 : index
        %get3A_421 = tpu.vector_load %arg12[%get3A_419, %get3A_420] {strides = array<i32>} : memref<120x128xf32, #tpu.memory_space<vmem>>, vector<16xf32>,
        %mul3A_422 = arith.mulf %get3A_421, %bitcast3A : vector<16xf32>
        %swap3A_423 = arith.index_cast %scan3A_396 : i32 to index
        %swap3A_424 = arith.constant 48 : index
        %swap3A_425 = tpu.vector_load %arg12[%swap3A_423, %swap3A_424] {strides = array<i32>} : memref<120x128xf32, #tpu.memory_space<vmem>>, vector<16xf32>,
        tpu.vector_store %arg12[%swap3A_423, %swap3A_424], %mul3A_422 {strides = array<i32>} : memref<120x128xf32, #tpu.memory_space<vmem>>, vector<16xf32>,
        %get3A_426 = arith.index_cast %scan3A_396 : i32 to index
        %get3A_427 = arith.constant 64 : index
        %get3A_428 = tpu.vector_load %arg12[%get3A_426, %get3A_427] {strides = array<i32>} : memref<120x128xf32, #tpu.memory_space<vmem>>, vector<16xf32>,
        %mul3A_429 = arith.mulf %get3A_428, %bitcast3A : vector<16xf32>
        %swap3A_430 = arith.index_cast %scan3A_396 : i32 to index
        %swap3A_431 = arith.constant 64 : index
        %swap3A_432 = tpu.vector_load %arg12[%swap3A_430, %swap3A_431] {strides = array<i32>} : memref<120x128xf32, #tpu.memory_space<vmem>>, vector<16xf32>,
        tpu.vector_store %arg12[%swap3A_430, %swap3A_431], %mul3A_429 {strides = array<i32>} : memref<120x128xf32, #tpu.memory_space<vmem>>, vector<16xf32>,
        %get3A_433 = arith.index_cast %scan3A_396 : i32 to index
        %get3A_434 = arith.constant 80 : index
        %get3A_435 = tpu.vector_load %arg12[%get3A_433, %get3A_434] {strides = array<i32>} : memref<120x128xf32, #tpu.memory_space<vmem>>, vector<16xf32>,
        %mul3A_436 = arith.mulf %get3A_435, %bitcast3A : vector<16xf32>
        %swap3A_437 = arith.index_cast %scan3A_396 : i32 to index
        %swap3A_438 = arith.constant 80 : index
        %swap3A_439 = tpu.vector_load %arg12[%swap3A_437, %swap3A_438] {strides = array<i32>} : memref<120x128xf32, #tpu.memory_space<vmem>>, vector<16xf32>,
        tpu.vector_store %arg12[%swap3A_437, %swap3A_438], %mul3A_436 {strides = array<i32>} : memref<120x128xf32, #tpu.memory_space<vmem>>, vector<16xf32>,
        %get3A_440 = arith.index_cast %scan3A_396 : i32 to index
        %get3A_441 = arith.constant 96 : index
        %get3A_442 = tpu.vector_load %arg12[%get3A_440, %get3A_441] {strides = array<i32>} : memref<120x128xf32, #tpu.memory_space<vmem>>, vector<16xf32>,
        %mul3A_443 = arith.mulf %get3A_442, %bitcast3A : vector<16xf32>
        %swap3A_444 = arith.index_cast %scan3A_396 : i32 to index
        %swap3A_445 = arith.constant 96 : index
        %swap3A_446 = tpu.vector_load %arg12[%swap3A_444, %swap3A_445] {strides = array<i32>} : memref<120x128xf32, #tpu.memory_space<vmem>>, vector<16xf32>,
        tpu.vector_store %arg12[%swap3A_444, %swap3A_445], %mul3A_443 {strides = array<i32>} : memref<120x128xf32, #tpu.memory_space<vmem>>, vector<16xf32>,
        %get3A_447 = arith.index_cast %scan3A_396 : i32 to index
        %get3A_448 = arith.constant 112 : index
        %get3A_449 = tpu.vector_load %arg12[%get3A_447, %get3A_448] {strides = array<i32>} : memref<120x128xf32, #tpu.memory_space<vmem>>, vector<16xf32>,
        %mul3A_450 = arith.mulf %get3A_449, %bitcast3A : vector<16xf32>
        %swap3A_451 = arith.index_cast %scan3A_396 : i32 to index
        %swap3A_452 = arith.constant 112 : index
        %swap3A_453 = tpu.vector_load %arg12[%swap3A_451, %swap3A_452] {strides = array<i32>} : memref<120x128xf32, #tpu.memory_space<vmem>>, vector<16xf32>,
        tpu.vector_store %arg12[%swap3A_451, %swap3A_452], %mul3A_450 {strides = array<i32>} : memref<120x128xf32, #tpu.memory_space<vmem>>, vector<16xf32>,
        %scan3A_454 = arith.constant 0 : i32
        %scan3A_455 = arith.constant 1 : i32
        %scan3A_456 = arith.addi %scan3A_396, %scan3A_455 : i32
        %add3A_457 = vector.broadcast %scan3A_456 : i32 to vector<16xi32>
        %add3A_458 = arith.addi %broadcast_in_dim3A_9, %add3A_457 : vector<16xi32>
        %gather3A_459 = tpu.vector_load_idx %arg6[%broadcast_in_dim3A_7, %add3A_458] : memref<3x120xi32, #tpu.memory_space<vmem>>[vector<16xi32>, vector<16xi32>], vector<16xi32>,
        %bitcast3A_460 = vector.bitcast %gather3A_459 : vector<16xi32> to vector<16xf32>
        %get3A_461 = arith.index_cast %scan3A_456 : i32 to index
        %get3A_462 = arith.constant 0 : index
        %get3A_463 = tpu.vector_load %arg12[%get3A_461, %get3A_462] {strides = array<i32>} : memref<120x128xf32, #tpu.memory_space<vmem>>, vector<16xf32>,
        %mul3A_464 = arith.mulf %get3A_463, %bitcast3A_460 : vector<16xf32>
        %swap3A_465 = arith.index_cast %scan3A_456 : i32 to index
        %swap3A_466 = arith.constant 0 : index
        %swap3A_467 = tpu.vector_load %arg12[%swap3A_465, %swap3A_466] {strides = array<i32>} : memref<120x128xf32, #tpu.memory_space<vmem>>, vector<16xf32>,
        tpu.vector_store %arg12[%swap3A_465, %swap3A_466], %mul3A_464 {strides = array<i32>} : memref<120x128xf32, #tpu.memory_space<vmem>>, vector<16xf32>,
        %get3A_468 = arith.index_cast %scan3A_456 : i32 to index
        %get3A_469 = arith.constant 16 : index
        %get3A_470 = tpu.vector_load %arg12[%get3A_468, %get3A_469] {strides = array<i32>} : memref<120x128xf32, #tpu.memory_space<vmem>>, vector<16xf32>,
        %mul3A_471 = arith.mulf %get3A_470, %bitcast3A_460 : vector<16xf32>
        %swap3A_472 = arith.index_cast %scan3A_456 : i32 to index
        %swap3A_473 = arith.constant 16 : index
        %swap3A_474 = tpu.vector_load %arg12[%swap3A_472, %swap3A_473] {strides = array<i32>} : memref<120x128xf32, #tpu.memory_space<vmem>>, vector<16xf32>,
        tpu.vector_store %arg12[%swap3A_472, %swap3A_473], %mul3A_471 {strides = array<i32>} : memref<120x128xf32, #tpu.memory_space<vmem>>, vector<16xf32>,
        %get3A_475 = arith.index_cast %scan3A_456 : i32 to index
        %get3A_476 = arith.constant 32 : index
        %get3A_477 = tpu.vector_load %arg12[%get3A_475, %get3A_476] {strides = array<i32>} : memref<120x128xf32, #tpu.memory_space<vmem>>, vector<16xf32>,
        %mul3A_478 = arith.mulf %get3A_477, %bitcast3A_460 : vector<16xf32>
        %swap3A_479 = arith.index_cast %scan3A_456 : i32 to index
        %swap3A_480 = arith.constant 32 : index
        %swap3A_481 = tpu.vector_load %arg12[%swap3A_479, %swap3A_480] {strides = array<i32>} : memref<120x128xf32, #tpu.memory_space<vmem>>, vector<16xf32>,
        tpu.vector_store %arg12[%swap3A_479, %swap3A_480], %mul3A_478 {strides = array<i32>} : memref<120x128xf32, #tpu.memory_space<vmem>>, vector<16xf32>,
        %get3A_482 = arith.index_cast %scan3A_456 : i32 to index
        %get3A_483 = arith.constant 48 : index
        %get3A_484 = tpu.vector_load %arg12[%get3A_482, %get3A_483] {strides = array<i32>} : memref<120x128xf32, #tpu.memory_space<vmem>>, vector<16xf32>,
        %mul3A_485 = arith.mulf %get3A_484, %bitcast3A_460 : vector<16xf32>
        %swap3A_486 = arith.index_cast %scan3A_456 : i32 to index
        %swap3A_487 = arith.constant 48 : index
        %swap3A_488 = tpu.vector_load %arg12[%swap3A_486, %swap3A_487] {strides = array<i32>} : memref<120x128xf32, #tpu.memory_space<vmem>>, vector<16xf32>,
        tpu.vector_store %arg12[%swap3A_486, %swap3A_487], %mul3A_485 {strides = array<i32>} : memref<120x128xf32, #tpu.memory_space<vmem>>, vector<16xf32>,
        %get3A_489 = arith.index_cast %scan3A_456 : i32 to index
        %get3A_490 = arith.constant 64 : index
        %get3A_491 = tpu.vector_load %arg12[%get3A_489, %get3A_490] {strides = array<i32>} : memref<120x128xf32, #tpu.memory_space<vmem>>, vector<16xf32>,
        %mul3A_492 = arith.mulf %get3A_491, %bitcast3A_460 : vector<16xf32>
        %swap3A_493 = arith.index_cast %scan3A_456 : i32 to index
        %swap3A_494 = arith.constant 64 : index
        %swap3A_495 = tpu.vector_load %arg12[%swap3A_493, %swap3A_494] {strides = array<i32>} : memref<120x128xf32, #tpu.memory_space<vmem>>, vector<16xf32>,
        tpu.vector_store %arg12[%swap3A_493, %swap3A_494], %mul3A_492 {strides = array<i32>} : memref<120x128xf32, #tpu.memory_space<vmem>>, vector<16xf32>,
        %get3A_496 = arith.index_cast %scan3A_456 : i32 to index
        %get3A_497 = arith.constant 80 : index
        %get3A_498 = tpu.vector_load %arg12[%get3A_496, %get3A_497] {strides = array<i32>} : memref<120x128xf32, #tpu.memory_space<vmem>>, vector<16xf32>,
        %mul3A_499 = arith.mulf %get3A_498, %bitcast3A_460 : vector<16xf32>
        %swap3A_500 = arith.index_cast %scan3A_456 : i32 to index
        %swap3A_501 = arith.constant 80 : index
        %swap3A_502 = tpu.vector_load %arg12[%swap3A_500, %swap3A_501] {strides = array<i32>} : memref<120x128xf32, #tpu.memory_space<vmem>>, vector<16xf32>,
        tpu.vector_store %arg12[%swap3A_500, %swap3A_501], %mul3A_499 {strides = array<i32>} : memref<120x128xf32, #tpu.memory_space<vmem>>, vector<16xf32>,
        %get3A_503 = arith.index_cast %scan3A_456 : i32 to index
        %get3A_504 = arith.constant 96 : index
        %get3A_505 = tpu.vector_load %arg12[%get3A_503, %get3A_504] {strides = array<i32>} : memref<120x128xf32, #tpu.memory_space<vmem>>, vector<16xf32>,
        %mul3A_506 = arith.mulf %get3A_505, %bitcast3A_460 : vector<16xf32>
        %swap3A_507 = arith.index_cast %scan3A_456 : i32 to index
        %swap3A_508 = arith.constant 96 : index
        %swap3A_509 = tpu.vector_load %arg12[%swap3A_507, %swap3A_508] {strides = array<i32>} : memref<120x128xf32, #tpu.memory_space<vmem>>, vector<16xf32>,
        tpu.vector_store %arg12[%swap3A_507, %swap3A_508], %mul3A_506 {strides = array<i32>} : memref<120x128xf32, #tpu.memory_space<vmem>>, vector<16xf32>,
        %get3A_510 = arith.index_cast %scan3A_456 : i32 to index
        %get3A_511 = arith.constant 112 : index
        %get3A_512 = tpu.vector_load %arg12[%get3A_510, %get3A_511] {strides = array<i32>} : memref<120x128xf32, #tpu.memory_space<vmem>>, vector<16xf32>,
        %mul3A_513 = arith.mulf %get3A_512, %bitcast3A_460 : vector<16xf32>
        %swap3A_514 = arith.index_cast %scan3A_456 : i32 to index
        %swap3A_515 = arith.constant 112 : index
        %swap3A_516 = tpu.vector_load %arg12[%swap3A_514, %swap3A_515] {strides = array<i32>} : memref<120x128xf32, #tpu.memory_space<vmem>>, vector<16xf32>,
        tpu.vector_store %arg12[%swap3A_514, %swap3A_515], %mul3A_513 {strides = array<i32>} : memref<120x128xf32, #tpu.memory_space<vmem>>, vector<16xf32>,
        %scan3A_517 = arith.constant 0 : i32
        scf.yield %scan3A_517 : i32
      }
      %scan3A_127 = arith.constant 120 : i32
      %ge3A = arith.constant 1 : i32
      %ge3A_128 = arith.cmpi sge, %add3A_113, %ge3A : i32
      %convert_element_type3A_129 = arith.extui %ge3A_128 : i1 to i32
      %cond3A_130 = arith.constant 0 : i32
      %cond3A_131 = arith.cmpi ne, %convert_element_type3A_129, %cond3A_130 : i32
      scf.if %cond3A_131 {
        %sub3A_396 = arith.constant 1 : i32
        %sub3A_397 = arith.subi %add3A_113, %sub3A_396 : i32
        %dma_wait3A_398 = arith.constant 1 : i32
        %dma_wait3A_399 = arith.constant 0 : i32
        %dma_wait3A_400 = tpu.memref_slice %arg11[%dma_wait3A_398, %dma_wait3A_399] : memref<3x120xi32, #tpu.memory_space<vmem>> -> memref<1x120xi32, #tpu.memory_space<vmem>>
        %dma_wait3A_401 = tpu.memref_squeeze %dma_wait3A_400 : memref<1x120xi32, #tpu.memory_space<vmem>> -> memref<120xi32, #tpu.memory_space<vmem>>
        %dma_wait3A_402 = arith.constant 0 : i32
        %dma_wait3A_403 = arith.constant 0 : i32
        %dma_wait3A_404 = tpu.memref_slice %arg27[%dma_wait3A_402, %dma_wait3A_403] : memref<10000x128xf32, #tpu.memory_space<vmem_shared>> -> memref<10000x128xf32, #tpu.memory_space<vmem_shared>>
        tpu.wait_indirect_dma semaphore(%arg26 : memref<!tpu.dma_semaphore, #tpu.memory_space<semaphore_mem>>) src(%arg14 : memref<120x128xf32, #tpu.memory_space<vmem>>) dst(%dma_wait3A_404 : memref<10000x128xf32, #tpu.memory_space<vmem_shared>>)
      } else {
      }
      %dma_start3A_132 = arith.constant 1 : i32
      %dma_start3A_133 = arith.constant 0 : i32
      %dma_start3A_134 = tpu.memref_slice %arg6[%dma_start3A_132, %dma_start3A_133] : memref<3x120xi32, #tpu.memory_space<vmem>> -> memref<1x120xi32, #tpu.memory_space<vmem>>
      %dma_start3A_135 = tpu.memref_squeeze %dma_start3A_134 : memref<1x120xi32, #tpu.memory_space<vmem>> -> memref<120xi32, #tpu.memory_space<vmem>>
      %dma_start3A_136 = arith.constant 0 : i32
      %dma_start3A_137 = arith.constant 0 : i32
      %dma_start3A_138 = tpu.memref_slice %arg27[%dma_start3A_136, %dma_start3A_137] : memref<10000x128xf32, #tpu.memory_space<vmem_shared>> -> memref<10000x128xf32, #tpu.memory_space<vmem_shared>>
      tpu.enqueue_indirect_dma source(%arg12 : memref<120x128xf32, #tpu.memory_space<vmem>>) target(%dma_start3A_138 : memref<10000x128xf32, #tpu.memory_space<vmem_shared>>) offsets(%dma_start3A_135 : memref<120xi32, #tpu.memory_space<vmem>>) semaphore(%arg24 : memref<!tpu.dma_semaphore, #tpu.memory_space<semaphore_mem>>) {add = true}
      %add3A_139 = arith.constant 6 : i32
      %add3A_140 = arith.addi %add3A_113, %add3A_139 : i32
      %sub3A = arith.constant 1 : i32
      %sub3A_141 = arith.subi %add3A_140, %sub3A : i32
      %lt3A = arith.constant 84 : i32
      %lt3A_142 = arith.cmpi slt, %sub3A_141, %lt3A : i32
      %convert_element_type3A_143 = arith.extui %lt3A_142 : i1 to i32
      %cond3A_144 = arith.constant 0 : i32
      %cond3A_145 = arith.cmpi ne, %convert_element_type3A_143, %cond3A_144 : i32
      scf.if %cond3A_145 {
        %add3A_396 = arith.constant 6 : i32
        %add3A_397 = arith.addi %add3A_113, %add3A_396 : i32
        %sub3A_398 = arith.constant 1 : i32
        %sub3A_399 = arith.subi %add3A_397, %sub3A_398 : i32
        %dma_start3A_400 = arith.constant 0 : i32
        %dma_start3A_401 = arith.constant 0 : i32
        %dma_start3A_402 = tpu.memref_slice %arg3[%add3A, %sub3A_399, %dma_start3A_400, %dma_start3A_401] : memref<32x84x3x120xi32, #tpu.memory_space<hbm>> -> memref<1x1x3x120xi32, #tpu.memory_space<hbm>>
        %dma_start3A_403 = tpu.memref_squeeze %dma_start3A_402 : memref<1x1x3x120xi32, #tpu.memory_space<hbm>> -> memref<3x120xi32, #tpu.memory_space<hbm>>
        %dma_start3A_404 = arith.constant 0 : i32
        %dma_start3A_405 = arith.constant 0 : i32
        %dma_start3A_406 = tpu.memref_slice %arg3[%add3A, %sub3A_399, %dma_start3A_404, %dma_start3A_405] : memref<32x84x3x120xi32, #tpu.memory_space<hbm>> -> memref<1x1x3x120xi32, #tpu.memory_space<hbm>>
        %dma_start3A_407 = tpu.memref_squeeze %dma_start3A_406 : memref<1x1x3x120xi32, #tpu.memory_space<hbm>> -> memref<3x120xi32, #tpu.memory_space<hbm>>
        tpu.enqueue_dma source(%dma_start3A_407 : memref<3x120xi32, #tpu.memory_space<hbm>>) target(%arg11 : memref<3x120xi32, #tpu.memory_space<vmem>>) target_semaphore(%arg20 : memref<!tpu.dma_semaphore, #tpu.memory_space<semaphore_mem>>)
      } else {
      }
      %add3A_146 = arith.constant 3 : i32
      %add3A_147 = arith.addi %add3A_113, %add3A_146 : i32
      %sub3A_148 = arith.constant 1 : i32
      %sub3A_149 = arith.subi %add3A_147, %sub3A_148 : i32
      %lt3A_150 = arith.constant 84 : i32
      %lt3A_151 = arith.cmpi slt, %sub3A_149, %lt3A_150 : i32
      %convert_element_type3A_152 = arith.extui %lt3A_151 : i1 to i32
      %cond3A_153 = arith.constant 0 : i32
      %cond3A_154 = arith.cmpi ne, %convert_element_type3A_152, %cond3A_153 : i32
      scf.if %cond3A_154 {
        %add3A_396 = arith.constant 3 : i32
        %add3A_397 = arith.addi %add3A_113, %add3A_396 : i32
        %sub3A_398 = arith.constant 1 : i32
        %sub3A_399 = arith.subi %add3A_397, %sub3A_398 : i32
        %dma_wait3A_400 = arith.constant 0 : i32
        %dma_wait3A_401 = arith.constant 0 : i32
        %dma_wait3A_402 = tpu.memref_slice %arg3[%add3A, %sub3A_399, %dma_wait3A_400, %dma_wait3A_401] : memref<32x84x3x120xi32, #tpu.memory_space<hbm>> -> memref<1x1x3x120xi32, #tpu.memory_space<hbm>>
        %dma_wait3A_403 = tpu.memref_squeeze %dma_wait3A_402 : memref<1x1x3x120xi32, #tpu.memory_space<hbm>> -> memref<3x120xi32, #tpu.memory_space<hbm>>
        %dma_wait3A_404 = arith.constant 0 : i32
        %dma_wait3A_405 = arith.constant 0 : i32
        %dma_wait3A_406 = tpu.memref_slice %arg3[%add3A, %sub3A_399, %dma_wait3A_404, %dma_wait3A_405] : memref<32x84x3x120xi32, #tpu.memory_space<hbm>> -> memref<1x1x3x120xi32, #tpu.memory_space<hbm>>
        %dma_wait3A_407 = tpu.memref_squeeze %dma_wait3A_406 : memref<1x1x3x120xi32, #tpu.memory_space<hbm>> -> memref<3x120xi32, #tpu.memory_space<hbm>>
        tpu.wait_dma2 semaphore(%arg17 : memref<!tpu.dma_semaphore, #tpu.memory_space<semaphore_mem>>) src(%dma_wait3A_407 : memref<3x120xi32, #tpu.memory_space<hbm>>) dst(%arg8 : memref<3x120xi32, #tpu.memory_space<vmem>>)
        %add3A_408 = arith.constant 3 : i32
        %add3A_409 = arith.addi %add3A_113, %add3A_408 : i32
        %sub3A_410 = arith.constant 1 : i32
        %sub3A_411 = arith.subi %add3A_409, %sub3A_410 : i32
        %dma_start3A_412 = arith.constant 0 : i32
        %dma_start3A_413 = arith.constant 0 : i32
        %dma_start3A_414 = tpu.memref_slice %arg8[%dma_start3A_412, %dma_start3A_413] : memref<3x120xi32, #tpu.memory_space<vmem>> -> memref<1x120xi32, #tpu.memory_space<vmem>>
        %dma_start3A_415 = tpu.memref_squeeze %dma_start3A_414 : memref<1x120xi32, #tpu.memory_space<vmem>> -> memref<120xi32, #tpu.memory_space<vmem>>
        %dma_start3A_416 = arith.constant 0 : i32
        %dma_start3A_417 = arith.constant 0 : i32
        %dma_start3A_418 = tpu.memref_slice %arg2[%dma_start3A_416, %dma_start3A_417] : memref<10000x128xf32, #tpu.memory_space<hbm>> -> memref<10000x128xf32, #tpu.memory_space<hbm>>
        tpu.enqueue_indirect_dma source(%dma_start3A_418 : memref<10000x128xf32, #tpu.memory_space<hbm>>) target(%arg14 : memref<120x128xf32, #tpu.memory_space<vmem>>) offsets(%dma_start3A_415 : memref<120xi32, #tpu.memory_space<vmem>>) semaphore(%arg23 : memref<!tpu.dma_semaphore, #tpu.memory_space<semaphore_mem>>)
      } else {
      }
      %mul3A_155 = arith.constant 6 : i32
      %mul3A_156 = arith.muli %scan3A_108, %mul3A_155 : i32
      %add3A_157 = arith.constant 1 : i32
      %add3A_158 = arith.addi %mul3A_156, %add3A_157 : i32
      %dma_wait3A_159 = arith.constant 0 : i32
      %dma_wait3A_160 = arith.constant 0 : i32
      %dma_wait3A_161 = tpu.memref_slice %arg7[%dma_wait3A_159, %dma_wait3A_160] : memref<3x120xi32, #tpu.memory_space<vmem>> -> memref<1x120xi32, #tpu.memory_space<vmem>>
      %dma_wait3A_162 = tpu.memref_squeeze %dma_wait3A_161 : memref<1x120xi32, #tpu.memory_space<vmem>> -> memref<120xi32, #tpu.memory_space<vmem>>
      %dma_wait3A_163 = arith.constant 0 : i32
      %dma_wait3A_164 = arith.constant 0 : i32
      %dma_wait3A_165 = tpu.memref_slice %arg2[%dma_wait3A_163, %dma_wait3A_164] : memref<10000x128xf32, #tpu.memory_space<hbm>> -> memref<10000x128xf32, #tpu.memory_space<hbm>>
      tpu.wait_indirect_dma semaphore(%arg22 : memref<!tpu.dma_semaphore, #tpu.memory_space<semaphore_mem>>) src(%dma_wait3A_165 : memref<10000x128xf32, #tpu.memory_space<hbm>>) dst(%arg13 : memref<120x128xf32, #tpu.memory_space<vmem>>)
      %scan3A_166 = arith.constant 0 : i32
      %scan3A_167 = arith.constant 0 : i32
      %scan3A_168 = arith.constant 120 : i32
      %scan3A_169 = arith.addi %scan3A_167, %scan3A_168 : i32
      %scan3A_170 = arith.constant 2 : i32
      %scan3A_171 = scf.for %scan3A_396 = %scan3A_167 to %scan3A_169 step %scan3A_170 iter_args(%scan3A_397 = %scan3A_166) -> (i32)  : i32 {
        %add3A_398 = vector.broadcast %scan3A_396 : i32 to vector<16xi32>
        %add3A_399 = arith.addi %broadcast_in_dim3A_9, %add3A_398 : vector<16xi32>
        %gather3A = tpu.vector_load_idx %arg7[%broadcast_in_dim3A_7, %add3A_399] : memref<3x120xi32, #tpu.memory_space<vmem>>[vector<16xi32>, vector<16xi32>], vector<16xi32>,
        %bitcast3A = vector.bitcast %gather3A : vector<16xi32> to vector<16xf32>
        %get3A = arith.index_cast %scan3A_396 : i32 to index
        %get3A_400 = arith.constant 0 : index
        %get3A_401 = tpu.vector_load %arg13[%get3A, %get3A_400] {strides = array<i32>} : memref<120x128xf32, #tpu.memory_space<vmem>>, vector<16xf32>,
        %mul3A_402 = arith.mulf %get3A_401, %bitcast3A : vector<16xf32>
        %swap3A = arith.index_cast %scan3A_396 : i32 to index
        %swap3A_403 = arith.constant 0 : index
        %swap3A_404 = tpu.vector_load %arg13[%swap3A, %swap3A_403] {strides = array<i32>} : memref<120x128xf32, #tpu.memory_space<vmem>>, vector<16xf32>,
        tpu.vector_store %arg13[%swap3A, %swap3A_403], %mul3A_402 {strides = array<i32>} : memref<120x128xf32, #tpu.memory_space<vmem>>, vector<16xf32>,
        %get3A_405 = arith.index_cast %scan3A_396 : i32 to index
        %get3A_406 = arith.constant 16 : index
        %get3A_407 = tpu.vector_load %arg13[%get3A_405, %get3A_406] {strides = array<i32>} : memref<120x128xf32, #tpu.memory_space<vmem>>, vector<16xf32>,
        %mul3A_408 = arith.mulf %get3A_407, %bitcast3A : vector<16xf32>
        %swap3A_409 = arith.index_cast %scan3A_396 : i32 to index
        %swap3A_410 = arith.constant 16 : index
        %swap3A_411 = tpu.vector_load %arg13[%swap3A_409, %swap3A_410] {strides = array<i32>} : memref<120x128xf32, #tpu.memory_space<vmem>>, vector<16xf32>,
        tpu.vector_store %arg13[%swap3A_409, %swap3A_410], %mul3A_408 {strides = array<i32>} : memref<120x128xf32, #tpu.memory_space<vmem>>, vector<16xf32>,
        %get3A_412 = arith.index_cast %scan3A_396 : i32 to index
        %get3A_413 = arith.constant 32 : index
        %get3A_414 = tpu.vector_load %arg13[%get3A_412, %get3A_413] {strides = array<i32>} : memref<120x128xf32, #tpu.memory_space<vmem>>, vector<16xf32>,
        %mul3A_415 = arith.mulf %get3A_414, %bitcast3A : vector<16xf32>
        %swap3A_416 = arith.index_cast %scan3A_396 : i32 to index
        %swap3A_417 = arith.constant 32 : index
        %swap3A_418 = tpu.vector_load %arg13[%swap3A_416, %swap3A_417] {strides = array<i32>} : memref<120x128xf32, #tpu.memory_space<vmem>>, vector<16xf32>,
        tpu.vector_store %arg13[%swap3A_416, %swap3A_417], %mul3A_415 {strides = array<i32>} : memref<120x128xf32, #tpu.memory_space<vmem>>, vector<16xf32>,
        %get3A_419 = arith.index_cast %scan3A_396 : i32 to index
        %get3A_420 = arith.constant 48 : index
        %get3A_421 = tpu.vector_load %arg13[%get3A_419, %get3A_420] {strides = array<i32>} : memref<120x128xf32, #tpu.memory_space<vmem>>, vector<16xf32>,
        %mul3A_422 = arith.mulf %get3A_421, %bitcast3A : vector<16xf32>
        %swap3A_423 = arith.index_cast %scan3A_396 : i32 to index
        %swap3A_424 = arith.constant 48 : index
        %swap3A_425 = tpu.vector_load %arg13[%swap3A_423, %swap3A_424] {strides = array<i32>} : memref<120x128xf32, #tpu.memory_space<vmem>>, vector<16xf32>,
        tpu.vector_store %arg13[%swap3A_423, %swap3A_424], %mul3A_422 {strides = array<i32>} : memref<120x128xf32, #tpu.memory_space<vmem>>, vector<16xf32>,
        %get3A_426 = arith.index_cast %scan3A_396 : i32 to index
        %get3A_427 = arith.constant 64 : index
        %get3A_428 = tpu.vector_load %arg13[%get3A_426, %get3A_427] {strides = array<i32>} : memref<120x128xf32, #tpu.memory_space<vmem>>, vector<16xf32>,
        %mul3A_429 = arith.mulf %get3A_428, %bitcast3A : vector<16xf32>
        %swap3A_430 = arith.index_cast %scan3A_396 : i32 to index
        %swap3A_431 = arith.constant 64 : index
        %swap3A_432 = tpu.vector_load %arg13[%swap3A_430, %swap3A_431] {strides = array<i32>} : memref<120x128xf32, #tpu.memory_space<vmem>>, vector<16xf32>,
        tpu.vector_store %arg13[%swap3A_430, %swap3A_431], %mul3A_429 {strides = array<i32>} : memref<120x128xf32, #tpu.memory_space<vmem>>, vector<16xf32>,
        %get3A_433 = arith.index_cast %scan3A_396 : i32 to index
        %get3A_434 = arith.constant 80 : index
        %get3A_435 = tpu.vector_load %arg13[%get3A_433, %get3A_434] {strides = array<i32>} : memref<120x128xf32, #tpu.memory_space<vmem>>, vector<16xf32>,
        %mul3A_436 = arith.mulf %get3A_435, %bitcast3A : vector<16xf32>
        %swap3A_437 = arith.index_cast %scan3A_396 : i32 to index
        %swap3A_438 = arith.constant 80 : index
        %swap3A_439 = tpu.vector_load %arg13[%swap3A_437, %swap3A_438] {strides = array<i32>} : memref<120x128xf32, #tpu.memory_space<vmem>>, vector<16xf32>,
        tpu.vector_store %arg13[%swap3A_437, %swap3A_438], %mul3A_436 {strides = array<i32>} : memref<120x128xf32, #tpu.memory_space<vmem>>, vector<16xf32>,
        %get3A_440 = arith.index_cast %scan3A_396 : i32 to index
        %get3A_441 = arith.constant 96 : index
        %get3A_442 = tpu.vector_load %arg13[%get3A_440, %get3A_441] {strides = array<i32>} : memref<120x128xf32, #tpu.memory_space<vmem>>, vector<16xf32>,
        %mul3A_443 = arith.mulf %get3A_442, %bitcast3A : vector<16xf32>
        %swap3A_444 = arith.index_cast %scan3A_396 : i32 to index
        %swap3A_445 = arith.constant 96 : index
        %swap3A_446 = tpu.vector_load %arg13[%swap3A_444, %swap3A_445] {strides = array<i32>} : memref<120x128xf32, #tpu.memory_space<vmem>>, vector<16xf32>,
        tpu.vector_store %arg13[%swap3A_444, %swap3A_445], %mul3A_443 {strides = array<i32>} : memref<120x128xf32, #tpu.memory_space<vmem>>, vector<16xf32>,
        %get3A_447 = arith.index_cast %scan3A_396 : i32 to index
        %get3A_448 = arith.constant 112 : index
        %get3A_449 = tpu.vector_load %arg13[%get3A_447, %get3A_448] {strides = array<i32>} : memref<120x128xf32, #tpu.memory_space<vmem>>, vector<16xf32>,
        %mul3A_450 = arith.mulf %get3A_449, %bitcast3A : vector<16xf32>
        %swap3A_451 = arith.index_cast %scan3A_396 : i32 to index
        %swap3A_452 = arith.constant 112 : index
        %swap3A_453 = tpu.vector_load %arg13[%swap3A_451, %swap3A_452] {strides = array<i32>} : memref<120x128xf32, #tpu.memory_space<vmem>>, vector<16xf32>,
        tpu.vector_store %arg13[%swap3A_451, %swap3A_452], %mul3A_450 {strides = array<i32>} : memref<120x128xf32, #tpu.memory_space<vmem>>, vector<16xf32>,
        %scan3A_454 = arith.constant 0 : i32
        %scan3A_455 = arith.constant 1 : i32
        %scan3A_456 = arith.addi %scan3A_396, %scan3A_455 : i32
        %add3A_457 = vector.broadcast %scan3A_456 : i32 to vector<16xi32>
        %add3A_458 = arith.addi %broadcast_in_dim3A_9, %add3A_457 : vector<16xi32>
        %gather3A_459 = tpu.vector_load_idx %arg7[%broadcast_in_dim3A_7, %add3A_458] : memref<3x120xi32, #tpu.memory_space<vmem>>[vector<16xi32>, vector<16xi32>], vector<16xi32>,
        %bitcast3A_460 = vector.bitcast %gather3A_459 : vector<16xi32> to vector<16xf32>
        %get3A_461 = arith.index_cast %scan3A_456 : i32 to index
        %get3A_462 = arith.constant 0 : index
        %get3A_463 = tpu.vector_load %arg13[%get3A_461, %get3A_462] {strides = array<i32>} : memref<120x128xf32, #tpu.memory_space<vmem>>, vector<16xf32>,
        %mul3A_464 = arith.mulf %get3A_463, %bitcast3A_460 : vector<16xf32>
        %swap3A_465 = arith.index_cast %scan3A_456 : i32 to index
        %swap3A_466 = arith.constant 0 : index
        %swap3A_467 = tpu.vector_load %arg13[%swap3A_465, %swap3A_466] {strides = array<i32>} : memref<120x128xf32, #tpu.memory_space<vmem>>, vector<16xf32>,
        tpu.vector_store %arg13[%swap3A_465, %swap3A_466], %mul3A_464 {strides = array<i32>} : memref<120x128xf32, #tpu.memory_space<vmem>>, vector<16xf32>,
        %get3A_468 = arith.index_cast %scan3A_456 : i32 to index
        %get3A_469 = arith.constant 16 : index
        %get3A_470 = tpu.vector_load %arg13[%get3A_468, %get3A_469] {strides = array<i32>} : memref<120x128xf32, #tpu.memory_space<vmem>>, vector<16xf32>,
        %mul3A_471 = arith.mulf %get3A_470, %bitcast3A_460 : vector<16xf32>
        %swap3A_472 = arith.index_cast %scan3A_456 : i32 to index
        %swap3A_473 = arith.constant 16 : index
        %swap3A_474 = tpu.vector_load %arg13[%swap3A_472, %swap3A_473] {strides = array<i32>} : memref<120x128xf32, #tpu.memory_space<vmem>>, vector<16xf32>,
        tpu.vector_store %arg13[%swap3A_472, %swap3A_473], %mul3A_471 {strides = array<i32>} : memref<120x128xf32, #tpu.memory_space<vmem>>, vector<16xf32>,
        %get3A_475 = arith.index_cast %scan3A_456 : i32 to index
        %get3A_476 = arith.constant 32 : index
        %get3A_477 = tpu.vector_load %arg13[%get3A_475, %get3A_476] {strides = array<i32>} : memref<120x128xf32, #tpu.memory_space<vmem>>, vector<16xf32>,
        %mul3A_478 = arith.mulf %get3A_477, %bitcast3A_460 : vector<16xf32>
        %swap3A_479 = arith.index_cast %scan3A_456 : i32 to index
        %swap3A_480 = arith.constant 32 : index
        %swap3A_481 = tpu.vector_load %arg13[%swap3A_479, %swap3A_480] {strides = array<i32>} : memref<120x128xf32, #tpu.memory_space<vmem>>, vector<16xf32>,
        tpu.vector_store %arg13[%swap3A_479, %swap3A_480], %mul3A_478 {strides = array<i32>} : memref<120x128xf32, #tpu.memory_space<vmem>>, vector<16xf32>,
        %get3A_482 = arith.index_cast %scan3A_456 : i32 to index
        %get3A_483 = arith.constant 48 : index
        %get3A_484 = tpu.vector_load %arg13[%get3A_482, %get3A_483] {strides = array<i32>} : memref<120x128xf32, #tpu.memory_space<vmem>>, vector<16xf32>,
        %mul3A_485 = arith.mulf %get3A_484, %bitcast3A_460 : vector<16xf32>
        %swap3A_486 = arith.index_cast %scan3A_456 : i32 to index
        %swap3A_487 = arith.constant 48 : index
        %swap3A_488 = tpu.vector_load %arg13[%swap3A_486, %swap3A_487] {strides = array<i32>} : memref<120x128xf32, #tpu.memory_space<vmem>>, vector<16xf32>,
        tpu.vector_store %arg13[%swap3A_486, %swap3A_487], %mul3A_485 {strides = array<i32>} : memref<120x128xf32, #tpu.memory_space<vmem>>, vector<16xf32>,
        %get3A_489 = arith.index_cast %scan3A_456 : i32 to index
        %get3A_490 = arith.constant 64 : index
        %get3A_491 = tpu.vector_load %arg13[%get3A_489, %get3A_490] {strides = array<i32>} : memref<120x128xf32, #tpu.memory_space<vmem>>, vector<16xf32>,
        %mul3A_492 = arith.mulf %get3A_491, %bitcast3A_460 : vector<16xf32>
        %swap3A_493 = arith.index_cast %scan3A_456 : i32 to index
        %swap3A_494 = arith.constant 64 : index
        %swap3A_495 = tpu.vector_load %arg13[%swap3A_493, %swap3A_494] {strides = array<i32>} : memref<120x128xf32, #tpu.memory_space<vmem>>, vector<16xf32>,
        tpu.vector_store %arg13[%swap3A_493, %swap3A_494], %mul3A_492 {strides = array<i32>} : memref<120x128xf32, #tpu.memory_space<vmem>>, vector<16xf32>,
        %get3A_496 = arith.index_cast %scan3A_456 : i32 to index
        %get3A_497 = arith.constant 80 : index
        %get3A_498 = tpu.vector_load %arg13[%get3A_496, %get3A_497] {strides = array<i32>} : memref<120x128xf32, #tpu.memory_space<vmem>>, vector<16xf32>,
        %mul3A_499 = arith.mulf %get3A_498, %bitcast3A_460 : vector<16xf32>
        %swap3A_500 = arith.index_cast %scan3A_456 : i32 to index
        %swap3A_501 = arith.constant 80 : index
        %swap3A_502 = tpu.vector_load %arg13[%swap3A_500, %swap3A_501] {strides = array<i32>} : memref<120x128xf32, #tpu.memory_space<vmem>>, vector<16xf32>,
        tpu.vector_store %arg13[%swap3A_500, %swap3A_501], %mul3A_499 {strides = array<i32>} : memref<120x128xf32, #tpu.memory_space<vmem>>, vector<16xf32>,
        %get3A_503 = arith.index_cast %scan3A_456 : i32 to index
        %get3A_504 = arith.constant 96 : index
        %get3A_505 = tpu.vector_load %arg13[%get3A_503, %get3A_504] {strides = array<i32>} : memref<120x128xf32, #tpu.memory_space<vmem>>, vector<16xf32>,
        %mul3A_506 = arith.mulf %get3A_505, %bitcast3A_460 : vector<16xf32>
        %swap3A_507 = arith.index_cast %scan3A_456 : i32 to index
        %swap3A_508 = arith.constant 96 : index
        %swap3A_509 = tpu.vector_load %arg13[%swap3A_507, %swap3A_508] {strides = array<i32>} : memref<120x128xf32, #tpu.memory_space<vmem>>, vector<16xf32>,
        tpu.vector_store %arg13[%swap3A_507, %swap3A_508], %mul3A_506 {strides = array<i32>} : memref<120x128xf32, #tpu.memory_space<vmem>>, vector<16xf32>,
        %get3A_510 = arith.index_cast %scan3A_456 : i32 to index
        %get3A_511 = arith.constant 112 : index
        %get3A_512 = tpu.vector_load %arg13[%get3A_510, %get3A_511] {strides = array<i32>} : memref<120x128xf32, #tpu.memory_space<vmem>>, vector<16xf32>,
        %mul3A_513 = arith.mulf %get3A_512, %bitcast3A_460 : vector<16xf32>
        %swap3A_514 = arith.index_cast %scan3A_456 : i32 to index
        %swap3A_515 = arith.constant 112 : index
        %swap3A_516 = tpu.vector_load %arg13[%swap3A_514, %swap3A_515] {strides = array<i32>} : memref<120x128xf32, #tpu.memory_space<vmem>>, vector<16xf32>,
        tpu.vector_store %arg13[%swap3A_514, %swap3A_515], %mul3A_513 {strides = array<i32>} : memref<120x128xf32, #tpu.memory_space<vmem>>, vector<16xf32>,
        %scan3A_517 = arith.constant 0 : i32
        scf.yield %scan3A_517 : i32
      }
      %scan3A_172 = arith.constant 120 : i32
      %ge3A_173 = arith.constant 1 : i32
      %ge3A_174 = arith.cmpi sge, %add3A_158, %ge3A_173 : i32
      %convert_element_type3A_175 = arith.extui %ge3A_174 : i1 to i32
      %cond3A_176 = arith.constant 0 : i32
      %cond3A_177 = arith.cmpi ne, %convert_element_type3A_175, %cond3A_176 : i32
      scf.if %cond3A_177 {
        %sub3A_396 = arith.constant 1 : i32
        %sub3A_397 = arith.subi %add3A_158, %sub3A_396 : i32
        %dma_wait3A_398 = arith.constant 1 : i32
        %dma_wait3A_399 = arith.constant 0 : i32
        %dma_wait3A_400 = tpu.memref_slice %arg6[%dma_wait3A_398, %dma_wait3A_399] : memref<3x120xi32, #tpu.memory_space<vmem>> -> memref<1x120xi32, #tpu.memory_space<vmem>>
        %dma_wait3A_401 = tpu.memref_squeeze %dma_wait3A_400 : memref<1x120xi32, #tpu.memory_space<vmem>> -> memref<120xi32, #tpu.memory_space<vmem>>
        %dma_wait3A_402 = arith.constant 0 : i32
        %dma_wait3A_403 = arith.constant 0 : i32
        %dma_wait3A_404 = tpu.memref_slice %arg27[%dma_wait3A_402, %dma_wait3A_403] : memref<10000x128xf32, #tpu.memory_space<vmem_shared>> -> memref<10000x128xf32, #tpu.memory_space<vmem_shared>>
        tpu.wait_indirect_dma semaphore(%arg24 : memref<!tpu.dma_semaphore, #tpu.memory_space<semaphore_mem>>) src(%arg12 : memref<120x128xf32, #tpu.memory_space<vmem>>) dst(%dma_wait3A_404 : memref<10000x128xf32, #tpu.memory_space<vmem_shared>>)
      } else {
      }
      %dma_start3A_178 = arith.constant 1 : i32
      %dma_start3A_179 = arith.constant 0 : i32
      %dma_start3A_180 = tpu.memref_slice %arg7[%dma_start3A_178, %dma_start3A_179] : memref<3x120xi32, #tpu.memory_space<vmem>> -> memref<1x120xi32, #tpu.memory_space<vmem>>
      %dma_start3A_181 = tpu.memref_squeeze %dma_start3A_180 : memref<1x120xi32, #tpu.memory_space<vmem>> -> memref<120xi32, #tpu.memory_space<vmem>>
      %dma_start3A_182 = arith.constant 0 : i32
      %dma_start3A_183 = arith.constant 0 : i32
      %dma_start3A_184 = tpu.memref_slice %arg27[%dma_start3A_182, %dma_start3A_183] : memref<10000x128xf32, #tpu.memory_space<vmem_shared>> -> memref<10000x128xf32, #tpu.memory_space<vmem_shared>>
      tpu.enqueue_indirect_dma source(%arg13 : memref<120x128xf32, #tpu.memory_space<vmem>>) target(%dma_start3A_184 : memref<10000x128xf32, #tpu.memory_space<vmem_shared>>) offsets(%dma_start3A_181 : memref<120xi32, #tpu.memory_space<vmem>>) semaphore(%arg25 : memref<!tpu.dma_semaphore, #tpu.memory_space<semaphore_mem>>) {add = true}
      %add3A_185 = arith.constant 6 : i32
      %add3A_186 = arith.addi %add3A_158, %add3A_185 : i32
      %sub3A_187 = arith.constant 1 : i32
      %sub3A_188 = arith.subi %add3A_186, %sub3A_187 : i32
      %lt3A_189 = arith.constant 84 : i32
      %lt3A_190 = arith.cmpi slt, %sub3A_188, %lt3A_189 : i32
      %convert_element_type3A_191 = arith.extui %lt3A_190 : i1 to i32
      %cond3A_192 = arith.constant 0 : i32
      %cond3A_193 = arith.cmpi ne, %convert_element_type3A_191, %cond3A_192 : i32
      scf.if %cond3A_193 {
        %add3A_396 = arith.constant 6 : i32
        %add3A_397 = arith.addi %add3A_158, %add3A_396 : i32
        %sub3A_398 = arith.constant 1 : i32
        %sub3A_399 = arith.subi %add3A_397, %sub3A_398 : i32
        %dma_start3A_400 = arith.constant 0 : i32
        %dma_start3A_401 = arith.constant 0 : i32
        %dma_start3A_402 = tpu.memref_slice %arg3[%add3A, %sub3A_399, %dma_start3A_400, %dma_start3A_401] : memref<32x84x3x120xi32, #tpu.memory_space<hbm>> -> memref<1x1x3x120xi32, #tpu.memory_space<hbm>>
        %dma_start3A_403 = tpu.memref_squeeze %dma_start3A_402 : memref<1x1x3x120xi32, #tpu.memory_space<hbm>> -> memref<3x120xi32, #tpu.memory_space<hbm>>
        %dma_start3A_404 = arith.constant 0 : i32
        %dma_start3A_405 = arith.constant 0 : i32
        %dma_start3A_406 = tpu.memref_slice %arg3[%add3A, %sub3A_399, %dma_start3A_404, %dma_start3A_405] : memref<32x84x3x120xi32, #tpu.memory_space<hbm>> -> memref<1x1x3x120xi32, #tpu.memory_space<hbm>>
        %dma_start3A_407 = tpu.memref_squeeze %dma_start3A_406 : memref<1x1x3x120xi32, #tpu.memory_space<hbm>> -> memref<3x120xi32, #tpu.memory_space<hbm>>
        tpu.enqueue_dma source(%dma_start3A_407 : memref<3x120xi32, #tpu.memory_space<hbm>>) target(%arg6 : memref<3x120xi32, #tpu.memory_space<vmem>>) target_semaphore(%arg15 : memref<!tpu.dma_semaphore, #tpu.memory_space<semaphore_mem>>)
      } else {
      }
      %add3A_194 = arith.constant 3 : i32
      %add3A_195 = arith.addi %add3A_158, %add3A_194 : i32
      %sub3A_196 = arith.constant 1 : i32
      %sub3A_197 = arith.subi %add3A_195, %sub3A_196 : i32
      %lt3A_198 = arith.constant 84 : i32
      %lt3A_199 = arith.cmpi slt, %sub3A_197, %lt3A_198 : i32
      %convert_element_type3A_200 = arith.extui %lt3A_199 : i1 to i32
      %cond3A_201 = arith.constant 0 : i32
      %cond3A_202 = arith.cmpi ne, %convert_element_type3A_200, %cond3A_201 : i32
      scf.if %cond3A_202 {
        %add3A_396 = arith.constant 3 : i32
        %add3A_397 = arith.addi %add3A_158, %add3A_396 : i32
        %sub3A_398 = arith.constant 1 : i32
        %sub3A_399 = arith.subi %add3A_397, %sub3A_398 : i32
        %dma_wait3A_400 = arith.constant 0 : i32
        %dma_wait3A_401 = arith.constant 0 : i32
        %dma_wait3A_402 = tpu.memref_slice %arg3[%add3A, %sub3A_399, %dma_wait3A_400, %dma_wait3A_401] : memref<32x84x3x120xi32, #tpu.memory_space<hbm>> -> memref<1x1x3x120xi32, #tpu.memory_space<hbm>>
        %dma_wait3A_403 = tpu.memref_squeeze %dma_wait3A_402 : memref<1x1x3x120xi32, #tpu.memory_space<hbm>> -> memref<3x120xi32, #tpu.memory_space<hbm>>
        %dma_wait3A_404 = arith.constant 0 : i32
        %dma_wait3A_405 = arith.constant 0 : i32
        %dma_wait3A_406 = tpu.memref_slice %arg3[%add3A, %sub3A_399, %dma_wait3A_404, %dma_wait3A_405] : memref<32x84x3x120xi32, #tpu.memory_space<hbm>> -> memref<1x1x3x120xi32, #tpu.memory_space<hbm>>
        %dma_wait3A_407 = tpu.memref_squeeze %dma_wait3A_406 : memref<1x1x3x120xi32, #tpu.memory_space<hbm>> -> memref<3x120xi32, #tpu.memory_space<hbm>>
        tpu.wait_dma2 semaphore(%arg18 : memref<!tpu.dma_semaphore, #tpu.memory_space<semaphore_mem>>) src(%dma_wait3A_407 : memref<3x120xi32, #tpu.memory_space<hbm>>) dst(%arg9 : memref<3x120xi32, #tpu.memory_space<vmem>>)
        %add3A_408 = arith.constant 3 : i32
        %add3A_409 = arith.addi %add3A_158, %add3A_408 : i32
        %sub3A_410 = arith.constant 1 : i32
        %sub3A_411 = arith.subi %add3A_409, %sub3A_410 : i32
        %dma_start3A_412 = arith.constant 0 : i32
        %dma_start3A_413 = arith.constant 0 : i32
        %dma_start3A_414 = tpu.memref_slice %arg9[%dma_start3A_412, %dma_start3A_413] : memref<3x120xi32, #tpu.memory_space<vmem>> -> memref<1x120xi32, #tpu.memory_space<vmem>>
        %dma_start3A_415 = tpu.memref_squeeze %dma_start3A_414 : memref<1x120xi32, #tpu.memory_space<vmem>> -> memref<120xi32, #tpu.memory_space<vmem>>
        %dma_start3A_416 = arith.constant 0 : i32
        %dma_start3A_417 = arith.constant 0 : i32
        %dma_start3A_418 = tpu.memref_slice %arg2[%dma_start3A_416, %dma_start3A_417] : memref<10000x128xf32, #tpu.memory_space<hbm>> -> memref<10000x128xf32, #tpu.memory_space<hbm>>
        tpu.enqueue_indirect_dma source(%dma_start3A_418 : memref<10000x128xf32, #tpu.memory_space<hbm>>) target(%arg12 : memref<120x128xf32, #tpu.memory_space<vmem>>) offsets(%dma_start3A_415 : memref<120xi32, #tpu.memory_space<vmem>>) semaphore(%arg21 : memref<!tpu.dma_semaphore, #tpu.memory_space<semaphore_mem>>)
      } else {
      }
      %mul3A_203 = arith.constant 6 : i32
      %mul3A_204 = arith.muli %scan3A_108, %mul3A_203 : i32
      %add3A_205 = arith.constant 2 : i32
      %add3A_206 = arith.addi %mul3A_204, %add3A_205 : i32
      %dma_wait3A_207 = arith.constant 0 : i32
      %dma_wait3A_208 = arith.constant 0 : i32
      %dma_wait3A_209 = tpu.memref_slice %arg8[%dma_wait3A_207, %dma_wait3A_208] : memref<3x120xi32, #tpu.memory_space<vmem>> -> memref<1x120xi32, #tpu.memory_space<vmem>>
      %dma_wait3A_210 = tpu.memref_squeeze %dma_wait3A_209 : memref<1x120xi32, #tpu.memory_space<vmem>> -> memref<120xi32, #tpu.memory_space<vmem>>
      %dma_wait3A_211 = arith.constant 0 : i32
      %dma_wait3A_212 = arith.constant 0 : i32
      %dma_wait3A_213 = tpu.memref_slice %arg2[%dma_wait3A_211, %dma_wait3A_212] : memref<10000x128xf32, #tpu.memory_space<hbm>> -> memref<10000x128xf32, #tpu.memory_space<hbm>>
      tpu.wait_indirect_dma semaphore(%arg23 : memref<!tpu.dma_semaphore, #tpu.memory_space<semaphore_mem>>) src(%dma_wait3A_213 : memref<10000x128xf32, #tpu.memory_space<hbm>>) dst(%arg14 : memref<120x128xf32, #tpu.memory_space<vmem>>)
      %scan3A_214 = arith.constant 0 : i32
      %scan3A_215 = arith.constant 0 : i32
      %scan3A_216 = arith.constant 120 : i32
      %scan3A_217 = arith.addi %scan3A_215, %scan3A_216 : i32
      %scan3A_218 = arith.constant 2 : i32
      %scan3A_219 = scf.for %scan3A_396 = %scan3A_215 to %scan3A_217 step %scan3A_218 iter_args(%scan3A_397 = %scan3A_214) -> (i32)  : i32 {
        %add3A_398 = vector.broadcast %scan3A_396 : i32 to vector<16xi32>
        %add3A_399 = arith.addi %broadcast_in_dim3A_9, %add3A_398 : vector<16xi32>
        %gather3A = tpu.vector_load_idx %arg8[%broadcast_in_dim3A_7, %add3A_399] : memref<3x120xi32, #tpu.memory_space<vmem>>[vector<16xi32>, vector<16xi32>], vector<16xi32>,
        %bitcast3A = vector.bitcast %gather3A : vector<16xi32> to vector<16xf32>
        %get3A = arith.index_cast %scan3A_396 : i32 to index
        %get3A_400 = arith.constant 0 : index
        %get3A_401 = tpu.vector_load %arg14[%get3A, %get3A_400] {strides = array<i32>} : memref<120x128xf32, #tpu.memory_space<vmem>>, vector<16xf32>,
        %mul3A_402 = arith.mulf %get3A_401, %bitcast3A : vector<16xf32>
        %swap3A = arith.index_cast %scan3A_396 : i32 to index
        %swap3A_403 = arith.constant 0 : index
        %swap3A_404 = tpu.vector_load %arg14[%swap3A, %swap3A_403] {strides = array<i32>} : memref<120x128xf32, #tpu.memory_space<vmem>>, vector<16xf32>,
        tpu.vector_store %arg14[%swap3A, %swap3A_403], %mul3A_402 {strides = array<i32>} : memref<120x128xf32, #tpu.memory_space<vmem>>, vector<16xf32>,
        %get3A_405 = arith.index_cast %scan3A_396 : i32 to index
        %get3A_406 = arith.constant 16 : index
        %get3A_407 = tpu.vector_load %arg14[%get3A_405, %get3A_406] {strides = array<i32>} : memref<120x128xf32, #tpu.memory_space<vmem>>, vector<16xf32>,
        %mul3A_408 = arith.mulf %get3A_407, %bitcast3A : vector<16xf32>
        %swap3A_409 = arith.index_cast %scan3A_396 : i32 to index
        %swap3A_410 = arith.constant 16 : index
        %swap3A_411 = tpu.vector_load %arg14[%swap3A_409, %swap3A_410] {strides = array<i32>} : memref<120x128xf32, #tpu.memory_space<vmem>>, vector<16xf32>,
        tpu.vector_store %arg14[%swap3A_409, %swap3A_410], %mul3A_408 {strides = array<i32>} : memref<120x128xf32, #tpu.memory_space<vmem>>, vector<16xf32>,
        %get3A_412 = arith.index_cast %scan3A_396 : i32 to index
        %get3A_413 = arith.constant 32 : index
        %get3A_414 = tpu.vector_load %arg14[%get3A_412, %get3A_413] {strides = array<i32>} : memref<120x128xf32, #tpu.memory_space<vmem>>, vector<16xf32>,
        %mul3A_415 = arith.mulf %get3A_414, %bitcast3A : vector<16xf32>
        %swap3A_416 = arith.index_cast %scan3A_396 : i32 to index
        %swap3A_417 = arith.constant 32 : index
        %swap3A_418 = tpu.vector_load %arg14[%swap3A_416, %swap3A_417] {strides = array<i32>} : memref<120x128xf32, #tpu.memory_space<vmem>>, vector<16xf32>,
        tpu.vector_store %arg14[%swap3A_416, %swap3A_417], %mul3A_415 {strides = array<i32>} : memref<120x128xf32, #tpu.memory_space<vmem>>, vector<16xf32>,
        %get3A_419 = arith.index_cast %scan3A_396 : i32 to index
        %get3A_420 = arith.constant 48 : index
        %get3A_421 = tpu.vector_load %arg14[%get3A_419, %get3A_420] {strides = array<i32>} : memref<120x128xf32, #tpu.memory_space<vmem>>, vector<16xf32>,
        %mul3A_422 = arith.mulf %get3A_421, %bitcast3A : vector<16xf32>
        %swap3A_423 = arith.index_cast %scan3A_396 : i32 to index
        %swap3A_424 = arith.constant 48 : index
        %swap3A_425 = tpu.vector_load %arg14[%swap3A_423, %swap3A_424] {strides = array<i32>} : memref<120x128xf32, #tpu.memory_space<vmem>>, vector<16xf32>,
        tpu.vector_store %arg14[%swap3A_423, %swap3A_424], %mul3A_422 {strides = array<i32>} : memref<120x128xf32, #tpu.memory_space<vmem>>, vector<16xf32>,
        %get3A_426 = arith.index_cast %scan3A_396 : i32 to index
        %get3A_427 = arith.constant 64 : index
        %get3A_428 = tpu.vector_load %arg14[%get3A_426, %get3A_427] {strides = array<i32>} : memref<120x128xf32, #tpu.memory_space<vmem>>, vector<16xf32>,
        %mul3A_429 = arith.mulf %get3A_428, %bitcast3A : vector<16xf32>
        %swap3A_430 = arith.index_cast %scan3A_396 : i32 to index
        %swap3A_431 = arith.constant 64 : index
        %swap3A_432 = tpu.vector_load %arg14[%swap3A_430, %swap3A_431] {strides = array<i32>} : memref<120x128xf32, #tpu.memory_space<vmem>>, vector<16xf32>,
        tpu.vector_store %arg14[%swap3A_430, %swap3A_431], %mul3A_429 {strides = array<i32>} : memref<120x128xf32, #tpu.memory_space<vmem>>, vector<16xf32>,
        %get3A_433 = arith.index_cast %scan3A_396 : i32 to index
        %get3A_434 = arith.constant 80 : index
        %get3A_435 = tpu.vector_load %arg14[%get3A_433, %get3A_434] {strides = array<i32>} : memref<120x128xf32, #tpu.memory_space<vmem>>, vector<16xf32>,
        %mul3A_436 = arith.mulf %get3A_435, %bitcast3A : vector<16xf32>
        %swap3A_437 = arith.index_cast %scan3A_396 : i32 to index
        %swap3A_438 = arith.constant 80 : index
        %swap3A_439 = tpu.vector_load %arg14[%swap3A_437, %swap3A_438] {strides = array<i32>} : memref<120x128xf32, #tpu.memory_space<vmem>>, vector<16xf32>,
        tpu.vector_store %arg14[%swap3A_437, %swap3A_438], %mul3A_436 {strides = array<i32>} : memref<120x128xf32, #tpu.memory_space<vmem>>, vector<16xf32>,
        %get3A_440 = arith.index_cast %scan3A_396 : i32 to index
        %get3A_441 = arith.constant 96 : index
        %get3A_442 = tpu.vector_load %arg14[%get3A_440, %get3A_441] {strides = array<i32>} : memref<120x128xf32, #tpu.memory_space<vmem>>, vector<16xf32>,
        %mul3A_443 = arith.mulf %get3A_442, %bitcast3A : vector<16xf32>
        %swap3A_444 = arith.index_cast %scan3A_396 : i32 to index
        %swap3A_445 = arith.constant 96 : index
        %swap3A_446 = tpu.vector_load %arg14[%swap3A_444, %swap3A_445] {strides = array<i32>} : memref<120x128xf32, #tpu.memory_space<vmem>>, vector<16xf32>,
        tpu.vector_store %arg14[%swap3A_444, %swap3A_445], %mul3A_443 {strides = array<i32>} : memref<120x128xf32, #tpu.memory_space<vmem>>, vector<16xf32>,
        %get3A_447 = arith.index_cast %scan3A_396 : i32 to index
        %get3A_448 = arith.constant 112 : index
        %get3A_449 = tpu.vector_load %arg14[%get3A_447, %get3A_448] {strides = array<i32>} : memref<120x128xf32, #tpu.memory_space<vmem>>, vector<16xf32>,
        %mul3A_450 = arith.mulf %get3A_449, %bitcast3A : vector<16xf32>
        %swap3A_451 = arith.index_cast %scan3A_396 : i32 to index
        %swap3A_452 = arith.constant 112 : index
        %swap3A_453 = tpu.vector_load %arg14[%swap3A_451, %swap3A_452] {strides = array<i32>} : memref<120x128xf32, #tpu.memory_space<vmem>>, vector<16xf32>,
        tpu.vector_store %arg14[%swap3A_451, %swap3A_452], %mul3A_450 {strides = array<i32>} : memref<120x128xf32, #tpu.memory_space<vmem>>, vector<16xf32>,
        %scan3A_454 = arith.constant 0 : i32
        %scan3A_455 = arith.constant 1 : i32
        %scan3A_456 = arith.addi %scan3A_396, %scan3A_455 : i32
        %add3A_457 = vector.broadcast %scan3A_456 : i32 to vector<16xi32>
        %add3A_458 = arith.addi %broadcast_in_dim3A_9, %add3A_457 : vector<16xi32>
        %gather3A_459 = tpu.vector_load_idx %arg8[%broadcast_in_dim3A_7, %add3A_458] : memref<3x120xi32, #tpu.memory_space<vmem>>[vector<16xi32>, vector<16xi32>], vector<16xi32>,
        %bitcast3A_460 = vector.bitcast %gather3A_459 : vector<16xi32> to vector<16xf32>
        %get3A_461 = arith.index_cast %scan3A_456 : i32 to index
        %get3A_462 = arith.constant 0 : index
        %get3A_463 = tpu.vector_load %arg14[%get3A_461, %get3A_462] {strides = array<i32>} : memref<120x128xf32, #tpu.memory_space<vmem>>, vector<16xf32>,
        %mul3A_464 = arith.mulf %get3A_463, %bitcast3A_460 : vector<16xf32>
        %swap3A_465 = arith.index_cast %scan3A_456 : i32 to index
        %swap3A_466 = arith.constant 0 : index
        %swap3A_467 = tpu.vector_load %arg14[%swap3A_465, %swap3A_466] {strides = array<i32>} : memref<120x128xf32, #tpu.memory_space<vmem>>, vector<16xf32>,
        tpu.vector_store %arg14[%swap3A_465, %swap3A_466], %mul3A_464 {strides = array<i32>} : memref<120x128xf32, #tpu.memory_space<vmem>>, vector<16xf32>,
        %get3A_468 = arith.index_cast %scan3A_456 : i32 to index
        %get3A_469 = arith.constant 16 : index
        %get3A_470 = tpu.vector_load %arg14[%get3A_468, %get3A_469] {strides = array<i32>} : memref<120x128xf32, #tpu.memory_space<vmem>>, vector<16xf32>,
        %mul3A_471 = arith.mulf %get3A_470, %bitcast3A_460 : vector<16xf32>
        %swap3A_472 = arith.index_cast %scan3A_456 : i32 to index
        %swap3A_473 = arith.constant 16 : index
        %swap3A_474 = tpu.vector_load %arg14[%swap3A_472, %swap3A_473] {strides = array<i32>} : memref<120x128xf32, #tpu.memory_space<vmem>>, vector<16xf32>,
        tpu.vector_store %arg14[%swap3A_472, %swap3A_473], %mul3A_471 {strides = array<i32>} : memref<120x128xf32, #tpu.memory_space<vmem>>, vector<16xf32>,
        %get3A_475 = arith.index_cast %scan3A_456 : i32 to index
        %get3A_476 = arith.constant 32 : index
        %get3A_477 = tpu.vector_load %arg14[%get3A_475, %get3A_476] {strides = array<i32>} : memref<120x128xf32, #tpu.memory_space<vmem>>, vector<16xf32>,
        %mul3A_478 = arith.mulf %get3A_477, %bitcast3A_460 : vector<16xf32>
        %swap3A_479 = arith.index_cast %scan3A_456 : i32 to index
        %swap3A_480 = arith.constant 32 : index
        %swap3A_481 = tpu.vector_load %arg14[%swap3A_479, %swap3A_480] {strides = array<i32>} : memref<120x128xf32, #tpu.memory_space<vmem>>, vector<16xf32>,
        tpu.vector_store %arg14[%swap3A_479, %swap3A_480], %mul3A_478 {strides = array<i32>} : memref<120x128xf32, #tpu.memory_space<vmem>>, vector<16xf32>,
        %get3A_482 = arith.index_cast %scan3A_456 : i32 to index
        %get3A_483 = arith.constant 48 : index
        %get3A_484 = tpu.vector_load %arg14[%get3A_482, %get3A_483] {strides = array<i32>} : memref<120x128xf32, #tpu.memory_space<vmem>>, vector<16xf32>,
        %mul3A_485 = arith.mulf %get3A_484, %bitcast3A_460 : vector<16xf32>
        %swap3A_486 = arith.index_cast %scan3A_456 : i32 to index
        %swap3A_487 = arith.constant 48 : index
        %swap3A_488 = tpu.vector_load %arg14[%swap3A_486, %swap3A_487] {strides = array<i32>} : memref<120x128xf32, #tpu.memory_space<vmem>>, vector<16xf32>,
        tpu.vector_store %arg14[%swap3A_486, %swap3A_487], %mul3A_485 {strides = array<i32>} : memref<120x128xf32, #tpu.memory_space<vmem>>, vector<16xf32>,
        %get3A_489 = arith.index_cast %scan3A_456 : i32 to index
        %get3A_490 = arith.constant 64 : index
        %get3A_491 = tpu.vector_load %arg14[%get3A_489, %get3A_490] {strides = array<i32>} : memref<120x128xf32, #tpu.memory_space<vmem>>, vector<16xf32>,
        %mul3A_492 = arith.mulf %get3A_491, %bitcast3A_460 : vector<16xf32>
        %swap3A_493 = arith.index_cast %scan3A_456 : i32 to index
        %swap3A_494 = arith.constant 64 : index
        %swap3A_495 = tpu.vector_load %arg14[%swap3A_493, %swap3A_494] {strides = array<i32>} : memref<120x128xf32, #tpu.memory_space<vmem>>, vector<16xf32>,
        tpu.vector_store %arg14[%swap3A_493, %swap3A_494], %mul3A_492 {strides = array<i32>} : memref<120x128xf32, #tpu.memory_space<vmem>>, vector<16xf32>,
        %get3A_496 = arith.index_cast %scan3A_456 : i32 to index
        %get3A_497 = arith.constant 80 : index
        %get3A_498 = tpu.vector_load %arg14[%get3A_496, %get3A_497] {strides = array<i32>} : memref<120x128xf32, #tpu.memory_space<vmem>>, vector<16xf32>,
        %mul3A_499 = arith.mulf %get3A_498, %bitcast3A_460 : vector<16xf32>
        %swap3A_500 = arith.index_cast %scan3A_456 : i32 to index
        %swap3A_501 = arith.constant 80 : index
        %swap3A_502 = tpu.vector_load %arg14[%swap3A_500, %swap3A_501] {strides = array<i32>} : memref<120x128xf32, #tpu.memory_space<vmem>>, vector<16xf32>,
        tpu.vector_store %arg14[%swap3A_500, %swap3A_501], %mul3A_499 {strides = array<i32>} : memref<120x128xf32, #tpu.memory_space<vmem>>, vector<16xf32>,
        %get3A_503 = arith.index_cast %scan3A_456 : i32 to index
        %get3A_504 = arith.constant 96 : index
        %get3A_505 = tpu.vector_load %arg14[%get3A_503, %get3A_504] {strides = array<i32>} : memref<120x128xf32, #tpu.memory_space<vmem>>, vector<16xf32>,
        %mul3A_506 = arith.mulf %get3A_505, %bitcast3A_460 : vector<16xf32>
        %swap3A_507 = arith.index_cast %scan3A_456 : i32 to index
        %swap3A_508 = arith.constant 96 : index
        %swap3A_509 = tpu.vector_load %arg14[%swap3A_507, %swap3A_508] {strides = array<i32>} : memref<120x128xf32, #tpu.memory_space<vmem>>, vector<16xf32>,
        tpu.vector_store %arg14[%swap3A_507, %swap3A_508], %mul3A_506 {strides = array<i32>} : memref<120x128xf32, #tpu.memory_space<vmem>>, vector<16xf32>,
        %get3A_510 = arith.index_cast %scan3A_456 : i32 to index
        %get3A_511 = arith.constant 112 : index
        %get3A_512 = tpu.vector_load %arg14[%get3A_510, %get3A_511] {strides = array<i32>} : memref<120x128xf32, #tpu.memory_space<vmem>>, vector<16xf32>,
        %mul3A_513 = arith.mulf %get3A_512, %bitcast3A_460 : vector<16xf32>
        %swap3A_514 = arith.index_cast %scan3A_456 : i32 to index
        %swap3A_515 = arith.constant 112 : index
        %swap3A_516 = tpu.vector_load %arg14[%swap3A_514, %swap3A_515] {strides = array<i32>} : memref<120x128xf32, #tpu.memory_space<vmem>>, vector<16xf32>,
        tpu.vector_store %arg14[%swap3A_514, %swap3A_515], %mul3A_513 {strides = array<i32>} : memref<120x128xf32, #tpu.memory_space<vmem>>, vector<16xf32>,
        %scan3A_517 = arith.constant 0 : i32
        scf.yield %scan3A_517 : i32
      }
      %scan3A_220 = arith.constant 120 : i32
      %ge3A_221 = arith.constant 1 : i32
      %ge3A_222 = arith.cmpi sge, %add3A_206, %ge3A_221 : i32
      %convert_element_type3A_223 = arith.extui %ge3A_222 : i1 to i32
      %cond3A_224 = arith.constant 0 : i32
      %cond3A_225 = arith.cmpi ne, %convert_element_type3A_223, %cond3A_224 : i32
      scf.if %cond3A_225 {
        %sub3A_396 = arith.constant 1 : i32
        %sub3A_397 = arith.subi %add3A_206, %sub3A_396 : i32
        %dma_wait3A_398 = arith.constant 1 : i32
        %dma_wait3A_399 = arith.constant 0 : i32
        %dma_wait3A_400 = tpu.memref_slice %arg7[%dma_wait3A_398, %dma_wait3A_399] : memref<3x120xi32, #tpu.memory_space<vmem>> -> memref<1x120xi32, #tpu.memory_space<vmem>>
        %dma_wait3A_401 = tpu.memref_squeeze %dma_wait3A_400 : memref<1x120xi32, #tpu.memory_space<vmem>> -> memref<120xi32, #tpu.memory_space<vmem>>
        %dma_wait3A_402 = arith.constant 0 : i32
        %dma_wait3A_403 = arith.constant 0 : i32
        %dma_wait3A_404 = tpu.memref_slice %arg27[%dma_wait3A_402, %dma_wait3A_403] : memref<10000x128xf32, #tpu.memory_space<vmem_shared>> -> memref<10000x128xf32, #tpu.memory_space<vmem_shared>>
        tpu.wait_indirect_dma semaphore(%arg25 : memref<!tpu.dma_semaphore, #tpu.memory_space<semaphore_mem>>) src(%arg13 : memref<120x128xf32, #tpu.memory_space<vmem>>) dst(%dma_wait3A_404 : memref<10000x128xf32, #tpu.memory_space<vmem_shared>>)
      } else {
      }
      %dma_start3A_226 = arith.constant 1 : i32
      %dma_start3A_227 = arith.constant 0 : i32
      %dma_start3A_228 = tpu.memref_slice %arg8[%dma_start3A_226, %dma_start3A_227] : memref<3x120xi32, #tpu.memory_space<vmem>> -> memref<1x120xi32, #tpu.memory_space<vmem>>
      %dma_start3A_229 = tpu.memref_squeeze %dma_start3A_228 : memref<1x120xi32, #tpu.memory_space<vmem>> -> memref<120xi32, #tpu.memory_space<vmem>>
      %dma_start3A_230 = arith.constant 0 : i32
      %dma_start3A_231 = arith.constant 0 : i32
      %dma_start3A_232 = tpu.memref_slice %arg27[%dma_start3A_230, %dma_start3A_231] : memref<10000x128xf32, #tpu.memory_space<vmem_shared>> -> memref<10000x128xf32, #tpu.memory_space<vmem_shared>>
      tpu.enqueue_indirect_dma source(%arg14 : memref<120x128xf32, #tpu.memory_space<vmem>>) target(%dma_start3A_232 : memref<10000x128xf32, #tpu.memory_space<vmem_shared>>) offsets(%dma_start3A_229 : memref<120xi32, #tpu.memory_space<vmem>>) semaphore(%arg26 : memref<!tpu.dma_semaphore, #tpu.memory_space<semaphore_mem>>) {add = true}
      %add3A_233 = arith.constant 6 : i32
      %add3A_234 = arith.addi %add3A_206, %add3A_233 : i32
      %sub3A_235 = arith.constant 1 : i32
      %sub3A_236 = arith.subi %add3A_234, %sub3A_235 : i32
      %lt3A_237 = arith.constant 84 : i32
      %lt3A_238 = arith.cmpi slt, %sub3A_236, %lt3A_237 : i32
      %convert_element_type3A_239 = arith.extui %lt3A_238 : i1 to i32
      %cond3A_240 = arith.constant 0 : i32
      %cond3A_241 = arith.cmpi ne, %convert_element_type3A_239, %cond3A_240 : i32
      scf.if %cond3A_241 {
        %add3A_396 = arith.constant 6 : i32
        %add3A_397 = arith.addi %add3A_206, %add3A_396 : i32
        %sub3A_398 = arith.constant 1 : i32
        %sub3A_399 = arith.subi %add3A_397, %sub3A_398 : i32
        %dma_start3A_400 = arith.constant 0 : i32
        %dma_start3A_401 = arith.constant 0 : i32
        %dma_start3A_402 = tpu.memref_slice %arg3[%add3A, %sub3A_399, %dma_start3A_400, %dma_start3A_401] : memref<32x84x3x120xi32, #tpu.memory_space<hbm>> -> memref<1x1x3x120xi32, #tpu.memory_space<hbm>>
        %dma_start3A_403 = tpu.memref_squeeze %dma_start3A_402 : memref<1x1x3x120xi32, #tpu.memory_space<hbm>> -> memref<3x120xi32, #tpu.memory_space<hbm>>
        %dma_start3A_404 = arith.constant 0 : i32
        %dma_start3A_405 = arith.constant 0 : i32
        %dma_start3A_406 = tpu.memref_slice %arg3[%add3A, %sub3A_399, %dma_start3A_404, %dma_start3A_405] : memref<32x84x3x120xi32, #tpu.memory_space<hbm>> -> memref<1x1x3x120xi32, #tpu.memory_space<hbm>>
        %dma_start3A_407 = tpu.memref_squeeze %dma_start3A_406 : memref<1x1x3x120xi32, #tpu.memory_space<hbm>> -> memref<3x120xi32, #tpu.memory_space<hbm>>
        tpu.enqueue_dma source(%dma_start3A_407 : memref<3x120xi32, #tpu.memory_space<hbm>>) target(%arg7 : memref<3x120xi32, #tpu.memory_space<vmem>>) target_semaphore(%arg16 : memref<!tpu.dma_semaphore, #tpu.memory_space<semaphore_mem>>)
      } else {
      }
      %add3A_242 = arith.constant 3 : i32
      %add3A_243 = arith.addi %add3A_206, %add3A_242 : i32
      %sub3A_244 = arith.constant 1 : i32
      %sub3A_245 = arith.subi %add3A_243, %sub3A_244 : i32
      %lt3A_246 = arith.constant 84 : i32
      %lt3A_247 = arith.cmpi slt, %sub3A_245, %lt3A_246 : i32
      %convert_element_type3A_248 = arith.extui %lt3A_247 : i1 to i32
      %cond3A_249 = arith.constant 0 : i32
      %cond3A_250 = arith.cmpi ne, %convert_element_type3A_248, %cond3A_249 : i32
      scf.if %cond3A_250 {
        %add3A_396 = arith.constant 3 : i32
        %add3A_397 = arith.addi %add3A_206, %add3A_396 : i32
        %sub3A_398 = arith.constant 1 : i32
        %sub3A_399 = arith.subi %add3A_397, %sub3A_398 : i32
        %dma_wait3A_400 = arith.constant 0 : i32
        %dma_wait3A_401 = arith.constant 0 : i32
        %dma_wait3A_402 = tpu.memref_slice %arg3[%add3A, %sub3A_399, %dma_wait3A_400, %dma_wait3A_401] : memref<32x84x3x120xi32, #tpu.memory_space<hbm>> -> memref<1x1x3x120xi32, #tpu.memory_space<hbm>>
        %dma_wait3A_403 = tpu.memref_squeeze %dma_wait3A_402 : memref<1x1x3x120xi32, #tpu.memory_space<hbm>> -> memref<3x120xi32, #tpu.memory_space<hbm>>
        %dma_wait3A_404 = arith.constant 0 : i32
        %dma_wait3A_405 = arith.constant 0 : i32
        %dma_wait3A_406 = tpu.memref_slice %arg3[%add3A, %sub3A_399, %dma_wait3A_404, %dma_wait3A_405] : memref<32x84x3x120xi32, #tpu.memory_space<hbm>> -> memref<1x1x3x120xi32, #tpu.memory_space<hbm>>
        %dma_wait3A_407 = tpu.memref_squeeze %dma_wait3A_406 : memref<1x1x3x120xi32, #tpu.memory_space<hbm>> -> memref<3x120xi32, #tpu.memory_space<hbm>>
        tpu.wait_dma2 semaphore(%arg19 : memref<!tpu.dma_semaphore, #tpu.memory_space<semaphore_mem>>) src(%dma_wait3A_407 : memref<3x120xi32, #tpu.memory_space<hbm>>) dst(%arg10 : memref<3x120xi32, #tpu.memory_space<vmem>>)
        %add3A_408 = arith.constant 3 : i32
        %add3A_409 = arith.addi %add3A_206, %add3A_408 : i32
        %sub3A_410 = arith.constant 1 : i32
        %sub3A_411 = arith.subi %add3A_409, %sub3A_410 : i32
        %dma_start3A_412 = arith.constant 0 : i32
        %dma_start3A_413 = arith.constant 0 : i32
        %dma_start3A_414 = tpu.memref_slice %arg10[%dma_start3A_412, %dma_start3A_413] : memref<3x120xi32, #tpu.memory_space<vmem>> -> memref<1x120xi32, #tpu.memory_space<vmem>>
        %dma_start3A_415 = tpu.memref_squeeze %dma_start3A_414 : memref<1x120xi32, #tpu.memory_space<vmem>> -> memref<120xi32, #tpu.memory_space<vmem>>
        %dma_start3A_416 = arith.constant 0 : i32
        %dma_start3A_417 = arith.constant 0 : i32
        %dma_start3A_418 = tpu.memref_slice %arg2[%dma_start3A_416, %dma_start3A_417] : memref<10000x128xf32, #tpu.memory_space<hbm>> -> memref<10000x128xf32, #tpu.memory_space<hbm>>
        tpu.enqueue_indirect_dma source(%dma_start3A_418 : memref<10000x128xf32, #tpu.memory_space<hbm>>) target(%arg13 : memref<120x128xf32, #tpu.memory_space<vmem>>) offsets(%dma_start3A_415 : memref<120xi32, #tpu.memory_space<vmem>>) semaphore(%arg22 : memref<!tpu.dma_semaphore, #tpu.memory_space<semaphore_mem>>)
      } else {
      }
      %mul3A_251 = arith.constant 6 : i32
      %mul3A_252 = arith.muli %scan3A_108, %mul3A_251 : i32
      %add3A_253 = arith.constant 3 : i32
      %add3A_254 = arith.addi %mul3A_252, %add3A_253 : i32
      %dma_wait3A_255 = arith.constant 0 : i32
      %dma_wait3A_256 = arith.constant 0 : i32
      %dma_wait3A_257 = tpu.memref_slice %arg9[%dma_wait3A_255, %dma_wait3A_256] : memref<3x120xi32, #tpu.memory_space<vmem>> -> memref<1x120xi32, #tpu.memory_space<vmem>>
      %dma_wait3A_258 = tpu.memref_squeeze %dma_wait3A_257 : memref<1x120xi32, #tpu.memory_space<vmem>> -> memref<120xi32, #tpu.memory_space<vmem>>
      %dma_wait3A_259 = arith.constant 0 : i32
      %dma_wait3A_260 = arith.constant 0 : i32
      %dma_wait3A_261 = tpu.memref_slice %arg2[%dma_wait3A_259, %dma_wait3A_260] : memref<10000x128xf32, #tpu.memory_space<hbm>> -> memref<10000x128xf32, #tpu.memory_space<hbm>>
      tpu.wait_indirect_dma semaphore(%arg21 : memref<!tpu.dma_semaphore, #tpu.memory_space<semaphore_mem>>) src(%dma_wait3A_261 : memref<10000x128xf32, #tpu.memory_space<hbm>>) dst(%arg12 : memref<120x128xf32, #tpu.memory_space<vmem>>)
      %scan3A_262 = arith.constant 0 : i32
      %scan3A_263 = arith.constant 0 : i32
      %scan3A_264 = arith.constant 120 : i32
      %scan3A_265 = arith.addi %scan3A_263, %scan3A_264 : i32
      %scan3A_266 = arith.constant 2 : i32
      %scan3A_267 = scf.for %scan3A_396 = %scan3A_263 to %scan3A_265 step %scan3A_266 iter_args(%scan3A_397 = %scan3A_262) -> (i32)  : i32 {
        %add3A_398 = vector.broadcast %scan3A_396 : i32 to vector<16xi32>
        %add3A_399 = arith.addi %broadcast_in_dim3A_9, %add3A_398 : vector<16xi32>
        %gather3A = tpu.vector_load_idx %arg9[%broadcast_in_dim3A_7, %add3A_399] : memref<3x120xi32, #tpu.memory_space<vmem>>[vector<16xi32>, vector<16xi32>], vector<16xi32>,
        %bitcast3A = vector.bitcast %gather3A : vector<16xi32> to vector<16xf32>
        %get3A = arith.index_cast %scan3A_396 : i32 to index
        %get3A_400 = arith.constant 0 : index
        %get3A_401 = tpu.vector_load %arg12[%get3A, %get3A_400] {strides = array<i32>} : memref<120x128xf32, #tpu.memory_space<vmem>>, vector<16xf32>,
        %mul3A_402 = arith.mulf %get3A_401, %bitcast3A : vector<16xf32>
        %swap3A = arith.index_cast %scan3A_396 : i32 to index
        %swap3A_403 = arith.constant 0 : index
        %swap3A_404 = tpu.vector_load %arg12[%swap3A, %swap3A_403] {strides = array<i32>} : memref<120x128xf32, #tpu.memory_space<vmem>>, vector<16xf32>,
        tpu.vector_store %arg12[%swap3A, %swap3A_403], %mul3A_402 {strides = array<i32>} : memref<120x128xf32, #tpu.memory_space<vmem>>, vector<16xf32>,
        %get3A_405 = arith.index_cast %scan3A_396 : i32 to index
        %get3A_406 = arith.constant 16 : index
        %get3A_407 = tpu.vector_load %arg12[%get3A_405, %get3A_406] {strides = array<i32>} : memref<120x128xf32, #tpu.memory_space<vmem>>, vector<16xf32>,
        %mul3A_408 = arith.mulf %get3A_407, %bitcast3A : vector<16xf32>
        %swap3A_409 = arith.index_cast %scan3A_396 : i32 to index
        %swap3A_410 = arith.constant 16 : index
        %swap3A_411 = tpu.vector_load %arg12[%swap3A_409, %swap3A_410] {strides = array<i32>} : memref<120x128xf32, #tpu.memory_space<vmem>>, vector<16xf32>,
        tpu.vector_store %arg12[%swap3A_409, %swap3A_410], %mul3A_408 {strides = array<i32>} : memref<120x128xf32, #tpu.memory_space<vmem>>, vector<16xf32>,
        %get3A_412 = arith.index_cast %scan3A_396 : i32 to index
        %get3A_413 = arith.constant 32 : index
        %get3A_414 = tpu.vector_load %arg12[%get3A_412, %get3A_413] {strides = array<i32>} : memref<120x128xf32, #tpu.memory_space<vmem>>, vector<16xf32>,
        %mul3A_415 = arith.mulf %get3A_414, %bitcast3A : vector<16xf32>
        %swap3A_416 = arith.index_cast %scan3A_396 : i32 to index
        %swap3A_417 = arith.constant 32 : index
        %swap3A_418 = tpu.vector_load %arg12[%swap3A_416, %swap3A_417] {strides = array<i32>} : memref<120x128xf32, #tpu.memory_space<vmem>>, vector<16xf32>,
        tpu.vector_store %arg12[%swap3A_416, %swap3A_417], %mul3A_415 {strides = array<i32>} : memref<120x128xf32, #tpu.memory_space<vmem>>, vector<16xf32>,
        %get3A_419 = arith.index_cast %scan3A_396 : i32 to index
        %get3A_420 = arith.constant 48 : index
        %get3A_421 = tpu.vector_load %arg12[%get3A_419, %get3A_420] {strides = array<i32>} : memref<120x128xf32, #tpu.memory_space<vmem>>, vector<16xf32>,
        %mul3A_422 = arith.mulf %get3A_421, %bitcast3A : vector<16xf32>
        %swap3A_423 = arith.index_cast %scan3A_396 : i32 to index
        %swap3A_424 = arith.constant 48 : index
        %swap3A_425 = tpu.vector_load %arg12[%swap3A_423, %swap3A_424] {strides = array<i32>} : memref<120x128xf32, #tpu.memory_space<vmem>>, vector<16xf32>,
        tpu.vector_store %arg12[%swap3A_423, %swap3A_424], %mul3A_422 {strides = array<i32>} : memref<120x128xf32, #tpu.memory_space<vmem>>, vector<16xf32>,
        %get3A_426 = arith.index_cast %scan3A_396 : i32 to index
        %get3A_427 = arith.constant 64 : index
        %get3A_428 = tpu.vector_load %arg12[%get3A_426, %get3A_427] {strides = array<i32>} : memref<120x128xf32, #tpu.memory_space<vmem>>, vector<16xf32>,
        %mul3A_429 = arith.mulf %get3A_428, %bitcast3A : vector<16xf32>
        %swap3A_430 = arith.index_cast %scan3A_396 : i32 to index
        %swap3A_431 = arith.constant 64 : index
        %swap3A_432 = tpu.vector_load %arg12[%swap3A_430, %swap3A_431] {strides = array<i32>} : memref<120x128xf32, #tpu.memory_space<vmem>>, vector<16xf32>,
        tpu.vector_store %arg12[%swap3A_430, %swap3A_431], %mul3A_429 {strides = array<i32>} : memref<120x128xf32, #tpu.memory_space<vmem>>, vector<16xf32>,
        %get3A_433 = arith.index_cast %scan3A_396 : i32 to index
        %get3A_434 = arith.constant 80 : index
        %get3A_435 = tpu.vector_load %arg12[%get3A_433, %get3A_434] {strides = array<i32>} : memref<120x128xf32, #tpu.memory_space<vmem>>, vector<16xf32>,
        %mul3A_436 = arith.mulf %get3A_435, %bitcast3A : vector<16xf32>
        %swap3A_437 = arith.index_cast %scan3A_396 : i32 to index
        %swap3A_438 = arith.constant 80 : index
        %swap3A_439 = tpu.vector_load %arg12[%swap3A_437, %swap3A_438] {strides = array<i32>} : memref<120x128xf32, #tpu.memory_space<vmem>>, vector<16xf32>,
        tpu.vector_store %arg12[%swap3A_437, %swap3A_438], %mul3A_436 {strides = array<i32>} : memref<120x128xf32, #tpu.memory_space<vmem>>, vector<16xf32>,
        %get3A_440 = arith.index_cast %scan3A_396 : i32 to index
        %get3A_441 = arith.constant 96 : index
        %get3A_442 = tpu.vector_load %arg12[%get3A_440, %get3A_441] {strides = array<i32>} : memref<120x128xf32, #tpu.memory_space<vmem>>, vector<16xf32>,
        %mul3A_443 = arith.mulf %get3A_442, %bitcast3A : vector<16xf32>
        %swap3A_444 = arith.index_cast %scan3A_396 : i32 to index
        %swap3A_445 = arith.constant 96 : index
        %swap3A_446 = tpu.vector_load %arg12[%swap3A_444, %swap3A_445] {strides = array<i32>} : memref<120x128xf32, #tpu.memory_space<vmem>>, vector<16xf32>,
        tpu.vector_store %arg12[%swap3A_444, %swap3A_445], %mul3A_443 {strides = array<i32>} : memref<120x128xf32, #tpu.memory_space<vmem>>, vector<16xf32>,
        %get3A_447 = arith.index_cast %scan3A_396 : i32 to index
        %get3A_448 = arith.constant 112 : index
        %get3A_449 = tpu.vector_load %arg12[%get3A_447, %get3A_448] {strides = array<i32>} : memref<120x128xf32, #tpu.memory_space<vmem>>, vector<16xf32>,
        %mul3A_450 = arith.mulf %get3A_449, %bitcast3A : vector<16xf32>
        %swap3A_451 = arith.index_cast %scan3A_396 : i32 to index
        %swap3A_452 = arith.constant 112 : index
        %swap3A_453 = tpu.vector_load %arg12[%swap3A_451, %swap3A_452] {strides = array<i32>} : memref<120x128xf32, #tpu.memory_space<vmem>>, vector<16xf32>,
        tpu.vector_store %arg12[%swap3A_451, %swap3A_452], %mul3A_450 {strides = array<i32>} : memref<120x128xf32, #tpu.memory_space<vmem>>, vector<16xf32>,
        %scan3A_454 = arith.constant 0 : i32
        %scan3A_455 = arith.constant 1 : i32
        %scan3A_456 = arith.addi %scan3A_396, %scan3A_455 : i32
        %add3A_457 = vector.broadcast %scan3A_456 : i32 to vector<16xi32>
        %add3A_458 = arith.addi %broadcast_in_dim3A_9, %add3A_457 : vector<16xi32>
        %gather3A_459 = tpu.vector_load_idx %arg9[%broadcast_in_dim3A_7, %add3A_458] : memref<3x120xi32, #tpu.memory_space<vmem>>[vector<16xi32>, vector<16xi32>], vector<16xi32>,
        %bitcast3A_460 = vector.bitcast %gather3A_459 : vector<16xi32> to vector<16xf32>
        %get3A_461 = arith.index_cast %scan3A_456 : i32 to index
        %get3A_462 = arith.constant 0 : index
        %get3A_463 = tpu.vector_load %arg12[%get3A_461, %get3A_462] {strides = array<i32>} : memref<120x128xf32, #tpu.memory_space<vmem>>, vector<16xf32>,
        %mul3A_464 = arith.mulf %get3A_463, %bitcast3A_460 : vector<16xf32>
        %swap3A_465 = arith.index_cast %scan3A_456 : i32 to index
        %swap3A_466 = arith.constant 0 : index
        %swap3A_467 = tpu.vector_load %arg12[%swap3A_465, %swap3A_466] {strides = array<i32>} : memref<120x128xf32, #tpu.memory_space<vmem>>, vector<16xf32>,
        tpu.vector_store %arg12[%swap3A_465, %swap3A_466], %mul3A_464 {strides = array<i32>} : memref<120x128xf32, #tpu.memory_space<vmem>>, vector<16xf32>,
        %get3A_468 = arith.index_cast %scan3A_456 : i32 to index
        %get3A_469 = arith.constant 16 : index
        %get3A_470 = tpu.vector_load %arg12[%get3A_468, %get3A_469] {strides = array<i32>} : memref<120x128xf32, #tpu.memory_space<vmem>>, vector<16xf32>,
        %mul3A_471 = arith.mulf %get3A_470, %bitcast3A_460 : vector<16xf32>
        %swap3A_472 = arith.index_cast %scan3A_456 : i32 to index
        %swap3A_473 = arith.constant 16 : index
        %swap3A_474 = tpu.vector_load %arg12[%swap3A_472, %swap3A_473] {strides = array<i32>} : memref<120x128xf32, #tpu.memory_space<vmem>>, vector<16xf32>,
        tpu.vector_store %arg12[%swap3A_472, %swap3A_473], %mul3A_471 {strides = array<i32>} : memref<120x128xf32, #tpu.memory_space<vmem>>, vector<16xf32>,
        %get3A_475 = arith.index_cast %scan3A_456 : i32 to index
        %get3A_476 = arith.constant 32 : index
        %get3A_477 = tpu.vector_load %arg12[%get3A_475, %get3A_476] {strides = array<i32>} : memref<120x128xf32, #tpu.memory_space<vmem>>, vector<16xf32>,
        %mul3A_478 = arith.mulf %get3A_477, %bitcast3A_460 : vector<16xf32>
        %swap3A_479 = arith.index_cast %scan3A_456 : i32 to index
        %swap3A_480 = arith.constant 32 : index
        %swap3A_481 = tpu.vector_load %arg12[%swap3A_479, %swap3A_480] {strides = array<i32>} : memref<120x128xf32, #tpu.memory_space<vmem>>, vector<16xf32>,
        tpu.vector_store %arg12[%swap3A_479, %swap3A_480], %mul3A_478 {strides = array<i32>} : memref<120x128xf32, #tpu.memory_space<vmem>>, vector<16xf32>,
        %get3A_482 = arith.index_cast %scan3A_456 : i32 to index
        %get3A_483 = arith.constant 48 : index
        %get3A_484 = tpu.vector_load %arg12[%get3A_482, %get3A_483] {strides = array<i32>} : memref<120x128xf32, #tpu.memory_space<vmem>>, vector<16xf32>,
        %mul3A_485 = arith.mulf %get3A_484, %bitcast3A_460 : vector<16xf32>
        %swap3A_486 = arith.index_cast %scan3A_456 : i32 to index
        %swap3A_487 = arith.constant 48 : index
        %swap3A_488 = tpu.vector_load %arg12[%swap3A_486, %swap3A_487] {strides = array<i32>} : memref<120x128xf32, #tpu.memory_space<vmem>>, vector<16xf32>,
        tpu.vector_store %arg12[%swap3A_486, %swap3A_487], %mul3A_485 {strides = array<i32>} : memref<120x128xf32, #tpu.memory_space<vmem>>, vector<16xf32>,
        %get3A_489 = arith.index_cast %scan3A_456 : i32 to index
        %get3A_490 = arith.constant 64 : index
        %get3A_491 = tpu.vector_load %arg12[%get3A_489, %get3A_490] {strides = array<i32>} : memref<120x128xf32, #tpu.memory_space<vmem>>, vector<16xf32>,
        %mul3A_492 = arith.mulf %get3A_491, %bitcast3A_460 : vector<16xf32>
        %swap3A_493 = arith.index_cast %scan3A_456 : i32 to index
        %swap3A_494 = arith.constant 64 : index
        %swap3A_495 = tpu.vector_load %arg12[%swap3A_493, %swap3A_494] {strides = array<i32>} : memref<120x128xf32, #tpu.memory_space<vmem>>, vector<16xf32>,
        tpu.vector_store %arg12[%swap3A_493, %swap3A_494], %mul3A_492 {strides = array<i32>} : memref<120x128xf32, #tpu.memory_space<vmem>>, vector<16xf32>,
        %get3A_496 = arith.index_cast %scan3A_456 : i32 to index
        %get3A_497 = arith.constant 80 : index
        %get3A_498 = tpu.vector_load %arg12[%get3A_496, %get3A_497] {strides = array<i32>} : memref<120x128xf32, #tpu.memory_space<vmem>>, vector<16xf32>,
        %mul3A_499 = arith.mulf %get3A_498, %bitcast3A_460 : vector<16xf32>
        %swap3A_500 = arith.index_cast %scan3A_456 : i32 to index
        %swap3A_501 = arith.constant 80 : index
        %swap3A_502 = tpu.vector_load %arg12[%swap3A_500, %swap3A_501] {strides = array<i32>} : memref<120x128xf32, #tpu.memory_space<vmem>>, vector<16xf32>,
        tpu.vector_store %arg12[%swap3A_500, %swap3A_501], %mul3A_499 {strides = array<i32>} : memref<120x128xf32, #tpu.memory_space<vmem>>, vector<16xf32>,
        %get3A_503 = arith.index_cast %scan3A_456 : i32 to index
        %get3A_504 = arith.constant 96 : index
        %get3A_505 = tpu.vector_load %arg12[%get3A_503, %get3A_504] {strides = array<i32>} : memref<120x128xf32, #tpu.memory_space<vmem>>, vector<16xf32>,
        %mul3A_506 = arith.mulf %get3A_505, %bitcast3A_460 : vector<16xf32>
        %swap3A_507 = arith.index_cast %scan3A_456 : i32 to index
        %swap3A_508 = arith.constant 96 : index
        %swap3A_509 = tpu.vector_load %arg12[%swap3A_507, %swap3A_508] {strides = array<i32>} : memref<120x128xf32, #tpu.memory_space<vmem>>, vector<16xf32>,
        tpu.vector_store %arg12[%swap3A_507, %swap3A_508], %mul3A_506 {strides = array<i32>} : memref<120x128xf32, #tpu.memory_space<vmem>>, vector<16xf32>,
        %get3A_510 = arith.index_cast %scan3A_456 : i32 to index
        %get3A_511 = arith.constant 112 : index
        %get3A_512 = tpu.vector_load %arg12[%get3A_510, %get3A_511] {strides = array<i32>} : memref<120x128xf32, #tpu.memory_space<vmem>>, vector<16xf32>,
        %mul3A_513 = arith.mulf %get3A_512, %bitcast3A_460 : vector<16xf32>
        %swap3A_514 = arith.index_cast %scan3A_456 : i32 to index
        %swap3A_515 = arith.constant 112 : index
        %swap3A_516 = tpu.vector_load %arg12[%swap3A_514, %swap3A_515] {strides = array<i32>} : memref<120x128xf32, #tpu.memory_space<vmem>>, vector<16xf32>,
        tpu.vector_store %arg12[%swap3A_514, %swap3A_515], %mul3A_513 {strides = array<i32>} : memref<120x128xf32, #tpu.memory_space<vmem>>, vector<16xf32>,
        %scan3A_517 = arith.constant 0 : i32
        scf.yield %scan3A_517 : i32
      }
      %scan3A_268 = arith.constant 120 : i32
      %ge3A_269 = arith.constant 1 : i32
      %ge3A_270 = arith.cmpi sge, %add3A_254, %ge3A_269 : i32
      %convert_element_type3A_271 = arith.extui %ge3A_270 : i1 to i32
      %cond3A_272 = arith.constant 0 : i32
      %cond3A_273 = arith.cmpi ne, %convert_element_type3A_271, %cond3A_272 : i32
      scf.if %cond3A_273 {
        %sub3A_396 = arith.constant 1 : i32
        %sub3A_397 = arith.subi %add3A_254, %sub3A_396 : i32
        %dma_wait3A_398 = arith.constant 1 : i32
        %dma_wait3A_399 = arith.constant 0 : i32
        %dma_wait3A_400 = tpu.memref_slice %arg8[%dma_wait3A_398, %dma_wait3A_399] : memref<3x120xi32, #tpu.memory_space<vmem>> -> memref<1x120xi32, #tpu.memory_space<vmem>>
        %dma_wait3A_401 = tpu.memref_squeeze %dma_wait3A_400 : memref<1x120xi32, #tpu.memory_space<vmem>> -> memref<120xi32, #tpu.memory_space<vmem>>
        %dma_wait3A_402 = arith.constant 0 : i32
        %dma_wait3A_403 = arith.constant 0 : i32
        %dma_wait3A_404 = tpu.memref_slice %arg27[%dma_wait3A_402, %dma_wait3A_403] : memref<10000x128xf32, #tpu.memory_space<vmem_shared>> -> memref<10000x128xf32, #tpu.memory_space<vmem_shared>>
        tpu.wait_indirect_dma semaphore(%arg26 : memref<!tpu.dma_semaphore, #tpu.memory_space<semaphore_mem>>) src(%arg14 : memref<120x128xf32, #tpu.memory_space<vmem>>) dst(%dma_wait3A_404 : memref<10000x128xf32, #tpu.memory_space<vmem_shared>>)
      } else {
      }
      %dma_start3A_274 = arith.constant 1 : i32
      %dma_start3A_275 = arith.constant 0 : i32
      %dma_start3A_276 = tpu.memref_slice %arg9[%dma_start3A_274, %dma_start3A_275] : memref<3x120xi32, #tpu.memory_space<vmem>> -> memref<1x120xi32, #tpu.memory_space<vmem>>
      %dma_start3A_277 = tpu.memref_squeeze %dma_start3A_276 : memref<1x120xi32, #tpu.memory_space<vmem>> -> memref<120xi32, #tpu.memory_space<vmem>>
      %dma_start3A_278 = arith.constant 0 : i32
      %dma_start3A_279 = arith.constant 0 : i32
      %dma_start3A_280 = tpu.memref_slice %arg27[%dma_start3A_278, %dma_start3A_279] : memref<10000x128xf32, #tpu.memory_space<vmem_shared>> -> memref<10000x128xf32, #tpu.memory_space<vmem_shared>>
      tpu.enqueue_indirect_dma source(%arg12 : memref<120x128xf32, #tpu.memory_space<vmem>>) target(%dma_start3A_280 : memref<10000x128xf32, #tpu.memory_space<vmem_shared>>) offsets(%dma_start3A_277 : memref<120xi32, #tpu.memory_space<vmem>>) semaphore(%arg24 : memref<!tpu.dma_semaphore, #tpu.memory_space<semaphore_mem>>) {add = true}
      %add3A_281 = arith.constant 6 : i32
      %add3A_282 = arith.addi %add3A_254, %add3A_281 : i32
      %sub3A_283 = arith.constant 1 : i32
      %sub3A_284 = arith.subi %add3A_282, %sub3A_283 : i32
      %lt3A_285 = arith.constant 84 : i32
      %lt3A_286 = arith.cmpi slt, %sub3A_284, %lt3A_285 : i32
      %convert_element_type3A_287 = arith.extui %lt3A_286 : i1 to i32
      %cond3A_288 = arith.constant 0 : i32
      %cond3A_289 = arith.cmpi ne, %convert_element_type3A_287, %cond3A_288 : i32
      scf.if %cond3A_289 {
        %add3A_396 = arith.constant 6 : i32
        %add3A_397 = arith.addi %add3A_254, %add3A_396 : i32
        %sub3A_398 = arith.constant 1 : i32
        %sub3A_399 = arith.subi %add3A_397, %sub3A_398 : i32
        %dma_start3A_400 = arith.constant 0 : i32
        %dma_start3A_401 = arith.constant 0 : i32
        %dma_start3A_402 = tpu.memref_slice %arg3[%add3A, %sub3A_399, %dma_start3A_400, %dma_start3A_401] : memref<32x84x3x120xi32, #tpu.memory_space<hbm>> -> memref<1x1x3x120xi32, #tpu.memory_space<hbm>>
        %dma_start3A_403 = tpu.memref_squeeze %dma_start3A_402 : memref<1x1x3x120xi32, #tpu.memory_space<hbm>> -> memref<3x120xi32, #tpu.memory_space<hbm>>
        %dma_start3A_404 = arith.constant 0 : i32
        %dma_start3A_405 = arith.constant 0 : i32
        %dma_start3A_406 = tpu.memref_slice %arg3[%add3A, %sub3A_399, %dma_start3A_404, %dma_start3A_405] : memref<32x84x3x120xi32, #tpu.memory_space<hbm>> -> memref<1x1x3x120xi32, #tpu.memory_space<hbm>>
        %dma_start3A_407 = tpu.memref_squeeze %dma_start3A_406 : memref<1x1x3x120xi32, #tpu.memory_space<hbm>> -> memref<3x120xi32, #tpu.memory_space<hbm>>
        tpu.enqueue_dma source(%dma_start3A_407 : memref<3x120xi32, #tpu.memory_space<hbm>>) target(%arg8 : memref<3x120xi32, #tpu.memory_space<vmem>>) target_semaphore(%arg17 : memref<!tpu.dma_semaphore, #tpu.memory_space<semaphore_mem>>)
      } else {
      }
      %add3A_290 = arith.constant 3 : i32
      %add3A_291 = arith.addi %add3A_254, %add3A_290 : i32
      %sub3A_292 = arith.constant 1 : i32
      %sub3A_293 = arith.subi %add3A_291, %sub3A_292 : i32
      %lt3A_294 = arith.constant 84 : i32
      %lt3A_295 = arith.cmpi slt, %sub3A_293, %lt3A_294 : i32
      %convert_element_type3A_296 = arith.extui %lt3A_295 : i1 to i32
      %cond3A_297 = arith.constant 0 : i32
      %cond3A_298 = arith.cmpi ne, %convert_element_type3A_296, %cond3A_297 : i32
      scf.if %cond3A_298 {
        %add3A_396 = arith.constant 3 : i32
        %add3A_397 = arith.addi %add3A_254, %add3A_396 : i32
        %sub3A_398 = arith.constant 1 : i32
        %sub3A_399 = arith.subi %add3A_397, %sub3A_398 : i32
        %dma_wait3A_400 = arith.constant 0 : i32
        %dma_wait3A_401 = arith.constant 0 : i32
        %dma_wait3A_402 = tpu.memref_slice %arg3[%add3A, %sub3A_399, %dma_wait3A_400, %dma_wait3A_401] : memref<32x84x3x120xi32, #tpu.memory_space<hbm>> -> memref<1x1x3x120xi32, #tpu.memory_space<hbm>>
        %dma_wait3A_403 = tpu.memref_squeeze %dma_wait3A_402 : memref<1x1x3x120xi32, #tpu.memory_space<hbm>> -> memref<3x120xi32, #tpu.memory_space<hbm>>
        %dma_wait3A_404 = arith.constant 0 : i32
        %dma_wait3A_405 = arith.constant 0 : i32
        %dma_wait3A_406 = tpu.memref_slice %arg3[%add3A, %sub3A_399, %dma_wait3A_404, %dma_wait3A_405] : memref<32x84x3x120xi32, #tpu.memory_space<hbm>> -> memref<1x1x3x120xi32, #tpu.memory_space<hbm>>
        %dma_wait3A_407 = tpu.memref_squeeze %dma_wait3A_406 : memref<1x1x3x120xi32, #tpu.memory_space<hbm>> -> memref<3x120xi32, #tpu.memory_space<hbm>>
        tpu.wait_dma2 semaphore(%arg20 : memref<!tpu.dma_semaphore, #tpu.memory_space<semaphore_mem>>) src(%dma_wait3A_407 : memref<3x120xi32, #tpu.memory_space<hbm>>) dst(%arg11 : memref<3x120xi32, #tpu.memory_space<vmem>>)
        %add3A_408 = arith.constant 3 : i32
        %add3A_409 = arith.addi %add3A_254, %add3A_408 : i32
        %sub3A_410 = arith.constant 1 : i32
        %sub3A_411 = arith.subi %add3A_409, %sub3A_410 : i32
        %dma_start3A_412 = arith.constant 0 : i32
        %dma_start3A_413 = arith.constant 0 : i32
        %dma_start3A_414 = tpu.memref_slice %arg11[%dma_start3A_412, %dma_start3A_413] : memref<3x120xi32, #tpu.memory_space<vmem>> -> memref<1x120xi32, #tpu.memory_space<vmem>>
        %dma_start3A_415 = tpu.memref_squeeze %dma_start3A_414 : memref<1x120xi32, #tpu.memory_space<vmem>> -> memref<120xi32, #tpu.memory_space<vmem>>
        %dma_start3A_416 = arith.constant 0 : i32
        %dma_start3A_417 = arith.constant 0 : i32
        %dma_start3A_418 = tpu.memref_slice %arg2[%dma_start3A_416, %dma_start3A_417] : memref<10000x128xf32, #tpu.memory_space<hbm>> -> memref<10000x128xf32, #tpu.memory_space<hbm>>
        tpu.enqueue_indirect_dma source(%dma_start3A_418 : memref<10000x128xf32, #tpu.memory_space<hbm>>) target(%arg14 : memref<120x128xf32, #tpu.memory_space<vmem>>) offsets(%dma_start3A_415 : memref<120xi32, #tpu.memory_space<vmem>>) semaphore(%arg23 : memref<!tpu.dma_semaphore, #tpu.memory_space<semaphore_mem>>)
      } else {
      }
      %mul3A_299 = arith.constant 6 : i32
      %mul3A_300 = arith.muli %scan3A_108, %mul3A_299 : i32
      %add3A_301 = arith.constant 4 : i32
      %add3A_302 = arith.addi %mul3A_300, %add3A_301 : i32
      %dma_wait3A_303 = arith.constant 0 : i32
      %dma_wait3A_304 = arith.constant 0 : i32
      %dma_wait3A_305 = tpu.memref_slice %arg10[%dma_wait3A_303, %dma_wait3A_304] : memref<3x120xi32, #tpu.memory_space<vmem>> -> memref<1x120xi32, #tpu.memory_space<vmem>>
      %dma_wait3A_306 = tpu.memref_squeeze %dma_wait3A_305 : memref<1x120xi32, #tpu.memory_space<vmem>> -> memref<120xi32, #tpu.memory_space<vmem>>
      %dma_wait3A_307 = arith.constant 0 : i32
      %dma_wait3A_308 = arith.constant 0 : i32
      %dma_wait3A_309 = tpu.memref_slice %arg2[%dma_wait3A_307, %dma_wait3A_308] : memref<10000x128xf32, #tpu.memory_space<hbm>> -> memref<10000x128xf32, #tpu.memory_space<hbm>>
      tpu.wait_indirect_dma semaphore(%arg22 : memref<!tpu.dma_semaphore, #tpu.memory_space<semaphore_mem>>) src(%dma_wait3A_309 : memref<10000x128xf32, #tpu.memory_space<hbm>>) dst(%arg13 : memref<120x128xf32, #tpu.memory_space<vmem>>)
      %scan3A_310 = arith.constant 0 : i32
      %scan3A_311 = arith.constant 0 : i32
      %scan3A_312 = arith.constant 120 : i32
      %scan3A_313 = arith.addi %scan3A_311, %scan3A_312 : i32
      %scan3A_314 = arith.constant 2 : i32
      %scan3A_315 = scf.for %scan3A_396 = %scan3A_311 to %scan3A_313 step %scan3A_314 iter_args(%scan3A_397 = %scan3A_310) -> (i32)  : i32 {
        %add3A_398 = vector.broadcast %scan3A_396 : i32 to vector<16xi32>
        %add3A_399 = arith.addi %broadcast_in_dim3A_9, %add3A_398 : vector<16xi32>
        %gather3A = tpu.vector_load_idx %arg10[%broadcast_in_dim3A_7, %add3A_399] : memref<3x120xi32, #tpu.memory_space<vmem>>[vector<16xi32>, vector<16xi32>], vector<16xi32>,
        %bitcast3A = vector.bitcast %gather3A : vector<16xi32> to vector<16xf32>
        %get3A = arith.index_cast %scan3A_396 : i32 to index
        %get3A_400 = arith.constant 0 : index
        %get3A_401 = tpu.vector_load %arg13[%get3A, %get3A_400] {strides = array<i32>} : memref<120x128xf32, #tpu.memory_space<vmem>>, vector<16xf32>,
        %mul3A_402 = arith.mulf %get3A_401, %bitcast3A : vector<16xf32>
        %swap3A = arith.index_cast %scan3A_396 : i32 to index
        %swap3A_403 = arith.constant 0 : index
        %swap3A_404 = tpu.vector_load %arg13[%swap3A, %swap3A_403] {strides = array<i32>} : memref<120x128xf32, #tpu.memory_space<vmem>>, vector<16xf32>,
        tpu.vector_store %arg13[%swap3A, %swap3A_403], %mul3A_402 {strides = array<i32>} : memref<120x128xf32, #tpu.memory_space<vmem>>, vector<16xf32>,
        %get3A_405 = arith.index_cast %scan3A_396 : i32 to index
        %get3A_406 = arith.constant 16 : index
        %get3A_407 = tpu.vector_load %arg13[%get3A_405, %get3A_406] {strides = array<i32>} : memref<120x128xf32, #tpu.memory_space<vmem>>, vector<16xf32>,
        %mul3A_408 = arith.mulf %get3A_407, %bitcast3A : vector<16xf32>
        %swap3A_409 = arith.index_cast %scan3A_396 : i32 to index
        %swap3A_410 = arith.constant 16 : index
        %swap3A_411 = tpu.vector_load %arg13[%swap3A_409, %swap3A_410] {strides = array<i32>} : memref<120x128xf32, #tpu.memory_space<vmem>>, vector<16xf32>,
        tpu.vector_store %arg13[%swap3A_409, %swap3A_410], %mul3A_408 {strides = array<i32>} : memref<120x128xf32, #tpu.memory_space<vmem>>, vector<16xf32>,
        %get3A_412 = arith.index_cast %scan3A_396 : i32 to index
        %get3A_413 = arith.constant 32 : index
        %get3A_414 = tpu.vector_load %arg13[%get3A_412, %get3A_413] {strides = array<i32>} : memref<120x128xf32, #tpu.memory_space<vmem>>, vector<16xf32>,
        %mul3A_415 = arith.mulf %get3A_414, %bitcast3A : vector<16xf32>
        %swap3A_416 = arith.index_cast %scan3A_396 : i32 to index
        %swap3A_417 = arith.constant 32 : index
        %swap3A_418 = tpu.vector_load %arg13[%swap3A_416, %swap3A_417] {strides = array<i32>} : memref<120x128xf32, #tpu.memory_space<vmem>>, vector<16xf32>,
        tpu.vector_store %arg13[%swap3A_416, %swap3A_417], %mul3A_415 {strides = array<i32>} : memref<120x128xf32, #tpu.memory_space<vmem>>, vector<16xf32>,
        %get3A_419 = arith.index_cast %scan3A_396 : i32 to index
        %get3A_420 = arith.constant 48 : index
        %get3A_421 = tpu.vector_load %arg13[%get3A_419, %get3A_420] {strides = array<i32>} : memref<120x128xf32, #tpu.memory_space<vmem>>, vector<16xf32>,
        %mul3A_422 = arith.mulf %get3A_421, %bitcast3A : vector<16xf32>
        %swap3A_423 = arith.index_cast %scan3A_396 : i32 to index
        %swap3A_424 = arith.constant 48 : index
        %swap3A_425 = tpu.vector_load %arg13[%swap3A_423, %swap3A_424] {strides = array<i32>} : memref<120x128xf32, #tpu.memory_space<vmem>>, vector<16xf32>,
        tpu.vector_store %arg13[%swap3A_423, %swap3A_424], %mul3A_422 {strides = array<i32>} : memref<120x128xf32, #tpu.memory_space<vmem>>, vector<16xf32>,
        %get3A_426 = arith.index_cast %scan3A_396 : i32 to index
        %get3A_427 = arith.constant 64 : index
        %get3A_428 = tpu.vector_load %arg13[%get3A_426, %get3A_427] {strides = array<i32>} : memref<120x128xf32, #tpu.memory_space<vmem>>, vector<16xf32>,
        %mul3A_429 = arith.mulf %get3A_428, %bitcast3A : vector<16xf32>
        %swap3A_430 = arith.index_cast %scan3A_396 : i32 to index
        %swap3A_431 = arith.constant 64 : index
        %swap3A_432 = tpu.vector_load %arg13[%swap3A_430, %swap3A_431] {strides = array<i32>} : memref<120x128xf32, #tpu.memory_space<vmem>>, vector<16xf32>,
        tpu.vector_store %arg13[%swap3A_430, %swap3A_431], %mul3A_429 {strides = array<i32>} : memref<120x128xf32, #tpu.memory_space<vmem>>, vector<16xf32>,
        %get3A_433 = arith.index_cast %scan3A_396 : i32 to index
        %get3A_434 = arith.constant 80 : index
        %get3A_435 = tpu.vector_load %arg13[%get3A_433, %get3A_434] {strides = array<i32>} : memref<120x128xf32, #tpu.memory_space<vmem>>, vector<16xf32>,
        %mul3A_436 = arith.mulf %get3A_435, %bitcast3A : vector<16xf32>
        %swap3A_437 = arith.index_cast %scan3A_396 : i32 to index
        %swap3A_438 = arith.constant 80 : index
        %swap3A_439 = tpu.vector_load %arg13[%swap3A_437, %swap3A_438] {strides = array<i32>} : memref<120x128xf32, #tpu.memory_space<vmem>>, vector<16xf32>,
        tpu.vector_store %arg13[%swap3A_437, %swap3A_438], %mul3A_436 {strides = array<i32>} : memref<120x128xf32, #tpu.memory_space<vmem>>, vector<16xf32>,
        %get3A_440 = arith.index_cast %scan3A_396 : i32 to index
        %get3A_441 = arith.constant 96 : index
        %get3A_442 = tpu.vector_load %arg13[%get3A_440, %get3A_441] {strides = array<i32>} : memref<120x128xf32, #tpu.memory_space<vmem>>, vector<16xf32>,
        %mul3A_443 = arith.mulf %get3A_442, %bitcast3A : vector<16xf32>
        %swap3A_444 = arith.index_cast %scan3A_396 : i32 to index
        %swap3A_445 = arith.constant 96 : index
        %swap3A_446 = tpu.vector_load %arg13[%swap3A_444, %swap3A_445] {strides = array<i32>} : memref<120x128xf32, #tpu.memory_space<vmem>>, vector<16xf32>,
        tpu.vector_store %arg13[%swap3A_444, %swap3A_445], %mul3A_443 {strides = array<i32>} : memref<120x128xf32, #tpu.memory_space<vmem>>, vector<16xf32>,
        %get3A_447 = arith.index_cast %scan3A_396 : i32 to index
        %get3A_448 = arith.constant 112 : index
        %get3A_449 = tpu.vector_load %arg13[%get3A_447, %get3A_448] {strides = array<i32>} : memref<120x128xf32, #tpu.memory_space<vmem>>, vector<16xf32>,
        %mul3A_450 = arith.mulf %get3A_449, %bitcast3A : vector<16xf32>
        %swap3A_451 = arith.index_cast %scan3A_396 : i32 to index
        %swap3A_452 = arith.constant 112 : index
        %swap3A_453 = tpu.vector_load %arg13[%swap3A_451, %swap3A_452] {strides = array<i32>} : memref<120x128xf32, #tpu.memory_space<vmem>>, vector<16xf32>,
        tpu.vector_store %arg13[%swap3A_451, %swap3A_452], %mul3A_450 {strides = array<i32>} : memref<120x128xf32, #tpu.memory_space<vmem>>, vector<16xf32>,
        %scan3A_454 = arith.constant 0 : i32
        %scan3A_455 = arith.constant 1 : i32
        %scan3A_456 = arith.addi %scan3A_396, %scan3A_455 : i32
        %add3A_457 = vector.broadcast %scan3A_456 : i32 to vector<16xi32>
        %add3A_458 = arith.addi %broadcast_in_dim3A_9, %add3A_457 : vector<16xi32>
        %gather3A_459 = tpu.vector_load_idx %arg10[%broadcast_in_dim3A_7, %add3A_458] : memref<3x120xi32, #tpu.memory_space<vmem>>[vector<16xi32>, vector<16xi32>], vector<16xi32>,
        %bitcast3A_460 = vector.bitcast %gather3A_459 : vector<16xi32> to vector<16xf32>
        %get3A_461 = arith.index_cast %scan3A_456 : i32 to index
        %get3A_462 = arith.constant 0 : index
        %get3A_463 = tpu.vector_load %arg13[%get3A_461, %get3A_462] {strides = array<i32>} : memref<120x128xf32, #tpu.memory_space<vmem>>, vector<16xf32>,
        %mul3A_464 = arith.mulf %get3A_463, %bitcast3A_460 : vector<16xf32>
        %swap3A_465 = arith.index_cast %scan3A_456 : i32 to index
        %swap3A_466 = arith.constant 0 : index
        %swap3A_467 = tpu.vector_load %arg13[%swap3A_465, %swap3A_466] {strides = array<i32>} : memref<120x128xf32, #tpu.memory_space<vmem>>, vector<16xf32>,
        tpu.vector_store %arg13[%swap3A_465, %swap3A_466], %mul3A_464 {strides = array<i32>} : memref<120x128xf32, #tpu.memory_space<vmem>>, vector<16xf32>,
        %get3A_468 = arith.index_cast %scan3A_456 : i32 to index
        %get3A_469 = arith.constant 16 : index
        %get3A_470 = tpu.vector_load %arg13[%get3A_468, %get3A_469] {strides = array<i32>} : memref<120x128xf32, #tpu.memory_space<vmem>>, vector<16xf32>,
        %mul3A_471 = arith.mulf %get3A_470, %bitcast3A_460 : vector<16xf32>
        %swap3A_472 = arith.index_cast %scan3A_456 : i32 to index
        %swap3A_473 = arith.constant 16 : index
        %swap3A_474 = tpu.vector_load %arg13[%swap3A_472, %swap3A_473] {strides = array<i32>} : memref<120x128xf32, #tpu.memory_space<vmem>>, vector<16xf32>,
        tpu.vector_store %arg13[%swap3A_472, %swap3A_473], %mul3A_471 {strides = array<i32>} : memref<120x128xf32, #tpu.memory_space<vmem>>, vector<16xf32>,
        %get3A_475 = arith.index_cast %scan3A_456 : i32 to index
        %get3A_476 = arith.constant 32 : index
        %get3A_477 = tpu.vector_load %arg13[%get3A_475, %get3A_476] {strides = array<i32>} : memref<120x128xf32, #tpu.memory_space<vmem>>, vector<16xf32>,
        %mul3A_478 = arith.mulf %get3A_477, %bitcast3A_460 : vector<16xf32>
        %swap3A_479 = arith.index_cast %scan3A_456 : i32 to index
        %swap3A_480 = arith.constant 32 : index
        %swap3A_481 = tpu.vector_load %arg13[%swap3A_479, %swap3A_480] {strides = array<i32>} : memref<120x128xf32, #tpu.memory_space<vmem>>, vector<16xf32>,
        tpu.vector_store %arg13[%swap3A_479, %swap3A_480], %mul3A_478 {strides = array<i32>} : memref<120x128xf32, #tpu.memory_space<vmem>>, vector<16xf32>,
        %get3A_482 = arith.index_cast %scan3A_456 : i32 to index
        %get3A_483 = arith.constant 48 : index
        %get3A_484 = tpu.vector_load %arg13[%get3A_482, %get3A_483] {strides = array<i32>} : memref<120x128xf32, #tpu.memory_space<vmem>>, vector<16xf32>,
        %mul3A_485 = arith.mulf %get3A_484, %bitcast3A_460 : vector<16xf32>
        %swap3A_486 = arith.index_cast %scan3A_456 : i32 to index
        %swap3A_487 = arith.constant 48 : index
        %swap3A_488 = tpu.vector_load %arg13[%swap3A_486, %swap3A_487] {strides = array<i32>} : memref<120x128xf32, #tpu.memory_space<vmem>>, vector<16xf32>,
        tpu.vector_store %arg13[%swap3A_486, %swap3A_487], %mul3A_485 {strides = array<i32>} : memref<120x128xf32, #tpu.memory_space<vmem>>, vector<16xf32>,
        %get3A_489 = arith.index_cast %scan3A_456 : i32 to index
        %get3A_490 = arith.constant 64 : index
        %get3A_491 = tpu.vector_load %arg13[%get3A_489, %get3A_490] {strides = array<i32>} : memref<120x128xf32, #tpu.memory_space<vmem>>, vector<16xf32>,
        %mul3A_492 = arith.mulf %get3A_491, %bitcast3A_460 : vector<16xf32>
        %swap3A_493 = arith.index_cast %scan3A_456 : i32 to index
        %swap3A_494 = arith.constant 64 : index
        %swap3A_495 = tpu.vector_load %arg13[%swap3A_493, %swap3A_494] {strides = array<i32>} : memref<120x128xf32, #tpu.memory_space<vmem>>, vector<16xf32>,
        tpu.vector_store %arg13[%swap3A_493, %swap3A_494], %mul3A_492 {strides = array<i32>} : memref<120x128xf32, #tpu.memory_space<vmem>>, vector<16xf32>,
        %get3A_496 = arith.index_cast %scan3A_456 : i32 to index
        %get3A_497 = arith.constant 80 : index
        %get3A_498 = tpu.vector_load %arg13[%get3A_496, %get3A_497] {strides = array<i32>} : memref<120x128xf32, #tpu.memory_space<vmem>>, vector<16xf32>,
        %mul3A_499 = arith.mulf %get3A_498, %bitcast3A_460 : vector<16xf32>
        %swap3A_500 = arith.index_cast %scan3A_456 : i32 to index
        %swap3A_501 = arith.constant 80 : index
        %swap3A_502 = tpu.vector_load %arg13[%swap3A_500, %swap3A_501] {strides = array<i32>} : memref<120x128xf32, #tpu.memory_space<vmem>>, vector<16xf32>,
        tpu.vector_store %arg13[%swap3A_500, %swap3A_501], %mul3A_499 {strides = array<i32>} : memref<120x128xf32, #tpu.memory_space<vmem>>, vector<16xf32>,
        %get3A_503 = arith.index_cast %scan3A_456 : i32 to index
        %get3A_504 = arith.constant 96 : index
        %get3A_505 = tpu.vector_load %arg13[%get3A_503, %get3A_504] {strides = array<i32>} : memref<120x128xf32, #tpu.memory_space<vmem>>, vector<16xf32>,
        %mul3A_506 = arith.mulf %get3A_505, %bitcast3A_460 : vector<16xf32>
        %swap3A_507 = arith.index_cast %scan3A_456 : i32 to index
        %swap3A_508 = arith.constant 96 : index
        %swap3A_509 = tpu.vector_load %arg13[%swap3A_507, %swap3A_508] {strides = array<i32>} : memref<120x128xf32, #tpu.memory_space<vmem>>, vector<16xf32>,
        tpu.vector_store %arg13[%swap3A_507, %swap3A_508], %mul3A_506 {strides = array<i32>} : memref<120x128xf32, #tpu.memory_space<vmem>>, vector<16xf32>,
        %get3A_510 = arith.index_cast %scan3A_456 : i32 to index
        %get3A_511 = arith.constant 112 : index
        %get3A_512 = tpu.vector_load %arg13[%get3A_510, %get3A_511] {strides = array<i32>} : memref<120x128xf32, #tpu.memory_space<vmem>>, vector<16xf32>,
        %mul3A_513 = arith.mulf %get3A_512, %bitcast3A_460 : vector<16xf32>
        %swap3A_514 = arith.index_cast %scan3A_456 : i32 to index
        %swap3A_515 = arith.constant 112 : index
        %swap3A_516 = tpu.vector_load %arg13[%swap3A_514, %swap3A_515] {strides = array<i32>} : memref<120x128xf32, #tpu.memory_space<vmem>>, vector<16xf32>,
        tpu.vector_store %arg13[%swap3A_514, %swap3A_515], %mul3A_513 {strides = array<i32>} : memref<120x128xf32, #tpu.memory_space<vmem>>, vector<16xf32>,
        %scan3A_517 = arith.constant 0 : i32
        scf.yield %scan3A_517 : i32
      }
      %scan3A_316 = arith.constant 120 : i32
      %ge3A_317 = arith.constant 1 : i32
      %ge3A_318 = arith.cmpi sge, %add3A_302, %ge3A_317 : i32
      %convert_element_type3A_319 = arith.extui %ge3A_318 : i1 to i32
      %cond3A_320 = arith.constant 0 : i32
      %cond3A_321 = arith.cmpi ne, %convert_element_type3A_319, %cond3A_320 : i32
      scf.if %cond3A_321 {
        %sub3A_396 = arith.constant 1 : i32
        %sub3A_397 = arith.subi %add3A_302, %sub3A_396 : i32
        %dma_wait3A_398 = arith.constant 1 : i32
        %dma_wait3A_399 = arith.constant 0 : i32
        %dma_wait3A_400 = tpu.memref_slice %arg9[%dma_wait3A_398, %dma_wait3A_399] : memref<3x120xi32, #tpu.memory_space<vmem>> -> memref<1x120xi32, #tpu.memory_space<vmem>>
        %dma_wait3A_401 = tpu.memref_squeeze %dma_wait3A_400 : memref<1x120xi32, #tpu.memory_space<vmem>> -> memref<120xi32, #tpu.memory_space<vmem>>
        %dma_wait3A_402 = arith.constant 0 : i32
        %dma_wait3A_403 = arith.constant 0 : i32
        %dma_wait3A_404 = tpu.memref_slice %arg27[%dma_wait3A_402, %dma_wait3A_403] : memref<10000x128xf32, #tpu.memory_space<vmem_shared>> -> memref<10000x128xf32, #tpu.memory_space<vmem_shared>>
        tpu.wait_indirect_dma semaphore(%arg24 : memref<!tpu.dma_semaphore, #tpu.memory_space<semaphore_mem>>) src(%arg12 : memref<120x128xf32, #tpu.memory_space<vmem>>) dst(%dma_wait3A_404 : memref<10000x128xf32, #tpu.memory_space<vmem_shared>>)
      } else {
      }
      %dma_start3A_322 = arith.constant 1 : i32
      %dma_start3A_323 = arith.constant 0 : i32
      %dma_start3A_324 = tpu.memref_slice %arg10[%dma_start3A_322, %dma_start3A_323] : memref<3x120xi32, #tpu.memory_space<vmem>> -> memref<1x120xi32, #tpu.memory_space<vmem>>
      %dma_start3A_325 = tpu.memref_squeeze %dma_start3A_324 : memref<1x120xi32, #tpu.memory_space<vmem>> -> memref<120xi32, #tpu.memory_space<vmem>>
      %dma_start3A_326 = arith.constant 0 : i32
      %dma_start3A_327 = arith.constant 0 : i32
      %dma_start3A_328 = tpu.memref_slice %arg27[%dma_start3A_326, %dma_start3A_327] : memref<10000x128xf32, #tpu.memory_space<vmem_shared>> -> memref<10000x128xf32, #tpu.memory_space<vmem_shared>>
      tpu.enqueue_indirect_dma source(%arg13 : memref<120x128xf32, #tpu.memory_space<vmem>>) target(%dma_start3A_328 : memref<10000x128xf32, #tpu.memory_space<vmem_shared>>) offsets(%dma_start3A_325 : memref<120xi32, #tpu.memory_space<vmem>>) semaphore(%arg25 : memref<!tpu.dma_semaphore, #tpu.memory_space<semaphore_mem>>) {add = true}
      %add3A_329 = arith.constant 6 : i32
      %add3A_330 = arith.addi %add3A_302, %add3A_329 : i32
      %sub3A_331 = arith.constant 1 : i32
      %sub3A_332 = arith.subi %add3A_330, %sub3A_331 : i32
      %lt3A_333 = arith.constant 84 : i32
      %lt3A_334 = arith.cmpi slt, %sub3A_332, %lt3A_333 : i32
      %convert_element_type3A_335 = arith.extui %lt3A_334 : i1 to i32
      %cond3A_336 = arith.constant 0 : i32
      %cond3A_337 = arith.cmpi ne, %convert_element_type3A_335, %cond3A_336 : i32
      scf.if %cond3A_337 {
        %add3A_396 = arith.constant 6 : i32
        %add3A_397 = arith.addi %add3A_302, %add3A_396 : i32
        %sub3A_398 = arith.constant 1 : i32
        %sub3A_399 = arith.subi %add3A_397, %sub3A_398 : i32
        %dma_start3A_400 = arith.constant 0 : i32
        %dma_start3A_401 = arith.constant 0 : i32
        %dma_start3A_402 = tpu.memref_slice %arg3[%add3A, %sub3A_399, %dma_start3A_400, %dma_start3A_401] : memref<32x84x3x120xi32, #tpu.memory_space<hbm>> -> memref<1x1x3x120xi32, #tpu.memory_space<hbm>>
        %dma_start3A_403 = tpu.memref_squeeze %dma_start3A_402 : memref<1x1x3x120xi32, #tpu.memory_space<hbm>> -> memref<3x120xi32, #tpu.memory_space<hbm>>
        %dma_start3A_404 = arith.constant 0 : i32
        %dma_start3A_405 = arith.constant 0 : i32
        %dma_start3A_406 = tpu.memref_slice %arg3[%add3A, %sub3A_399, %dma_start3A_404, %dma_start3A_405] : memref<32x84x3x120xi32, #tpu.memory_space<hbm>> -> memref<1x1x3x120xi32, #tpu.memory_space<hbm>>
        %dma_start3A_407 = tpu.memref_squeeze %dma_start3A_406 : memref<1x1x3x120xi32, #tpu.memory_space<hbm>> -> memref<3x120xi32, #tpu.memory_space<hbm>>
        tpu.enqueue_dma source(%dma_start3A_407 : memref<3x120xi32, #tpu.memory_space<hbm>>) target(%arg9 : memref<3x120xi32, #tpu.memory_space<vmem>>) target_semaphore(%arg18 : memref<!tpu.dma_semaphore, #tpu.memory_space<semaphore_mem>>)
      } else {
      }
      %add3A_338 = arith.constant 3 : i32
      %add3A_339 = arith.addi %add3A_302, %add3A_338 : i32
      %sub3A_340 = arith.constant 1 : i32
      %sub3A_341 = arith.subi %add3A_339, %sub3A_340 : i32
      %lt3A_342 = arith.constant 84 : i32
      %lt3A_343 = arith.cmpi slt, %sub3A_341, %lt3A_342 : i32
      %convert_element_type3A_344 = arith.extui %lt3A_343 : i1 to i32
      %cond3A_345 = arith.constant 0 : i32
      %cond3A_346 = arith.cmpi ne, %convert_element_type3A_344, %cond3A_345 : i32
      scf.if %cond3A_346 {
        %add3A_396 = arith.constant 3 : i32
        %add3A_397 = arith.addi %add3A_302, %add3A_396 : i32
        %sub3A_398 = arith.constant 1 : i32
        %sub3A_399 = arith.subi %add3A_397, %sub3A_398 : i32
        %dma_wait3A_400 = arith.constant 0 : i32
        %dma_wait3A_401 = arith.constant 0 : i32
        %dma_wait3A_402 = tpu.memref_slice %arg3[%add3A, %sub3A_399, %dma_wait3A_400, %dma_wait3A_401] : memref<32x84x3x120xi32, #tpu.memory_space<hbm>> -> memref<1x1x3x120xi32, #tpu.memory_space<hbm>>
        %dma_wait3A_403 = tpu.memref_squeeze %dma_wait3A_402 : memref<1x1x3x120xi32, #tpu.memory_space<hbm>> -> memref<3x120xi32, #tpu.memory_space<hbm>>
        %dma_wait3A_404 = arith.constant 0 : i32
        %dma_wait3A_405 = arith.constant 0 : i32
        %dma_wait3A_406 = tpu.memref_slice %arg3[%add3A, %sub3A_399, %dma_wait3A_404, %dma_wait3A_405] : memref<32x84x3x120xi32, #tpu.memory_space<hbm>> -> memref<1x1x3x120xi32, #tpu.memory_space<hbm>>
        %dma_wait3A_407 = tpu.memref_squeeze %dma_wait3A_406 : memref<1x1x3x120xi32, #tpu.memory_space<hbm>> -> memref<3x120xi32, #tpu.memory_space<hbm>>
        tpu.wait_dma2 semaphore(%arg15 : memref<!tpu.dma_semaphore, #tpu.memory_space<semaphore_mem>>) src(%dma_wait3A_407 : memref<3x120xi32, #tpu.memory_space<hbm>>) dst(%arg6 : memref<3x120xi32, #tpu.memory_space<vmem>>)
        %add3A_408 = arith.constant 3 : i32
        %add3A_409 = arith.addi %add3A_302, %add3A_408 : i32
        %sub3A_410 = arith.constant 1 : i32
        %sub3A_411 = arith.subi %add3A_409, %sub3A_410 : i32
        %dma_start3A_412 = arith.constant 0 : i32
        %dma_start3A_413 = arith.constant 0 : i32
        %dma_start3A_414 = tpu.memref_slice %arg6[%dma_start3A_412, %dma_start3A_413] : memref<3x120xi32, #tpu.memory_space<vmem>> -> memref<1x120xi32, #tpu.memory_space<vmem>>
        %dma_start3A_415 = tpu.memref_squeeze %dma_start3A_414 : memref<1x120xi32, #tpu.memory_space<vmem>> -> memref<120xi32, #tpu.memory_space<vmem>>
        %dma_start3A_416 = arith.constant 0 : i32
        %dma_start3A_417 = arith.constant 0 : i32
        %dma_start3A_418 = tpu.memref_slice %arg2[%dma_start3A_416, %dma_start3A_417] : memref<10000x128xf32, #tpu.memory_space<hbm>> -> memref<10000x128xf32, #tpu.memory_space<hbm>>
        tpu.enqueue_indirect_dma source(%dma_start3A_418 : memref<10000x128xf32, #tpu.memory_space<hbm>>) target(%arg12 : memref<120x128xf32, #tpu.memory_space<vmem>>) offsets(%dma_start3A_415 : memref<120xi32, #tpu.memory_space<vmem>>) semaphore(%arg21 : memref<!tpu.dma_semaphore, #tpu.memory_space<semaphore_mem>>)
      } else {
      }
      %mul3A_347 = arith.constant 6 : i32
      %mul3A_348 = arith.muli %scan3A_108, %mul3A_347 : i32
      %add3A_349 = arith.constant 5 : i32
      %add3A_350 = arith.addi %mul3A_348, %add3A_349 : i32
      %dma_wait3A_351 = arith.constant 0 : i32
      %dma_wait3A_352 = arith.constant 0 : i32
      %dma_wait3A_353 = tpu.memref_slice %arg11[%dma_wait3A_351, %dma_wait3A_352] : memref<3x120xi32, #tpu.memory_space<vmem>> -> memref<1x120xi32, #tpu.memory_space<vmem>>
      %dma_wait3A_354 = tpu.memref_squeeze %dma_wait3A_353 : memref<1x120xi32, #tpu.memory_space<vmem>> -> memref<120xi32, #tpu.memory_space<vmem>>
      %dma_wait3A_355 = arith.constant 0 : i32
      %dma_wait3A_356 = arith.constant 0 : i32
      %dma_wait3A_357 = tpu.memref_slice %arg2[%dma_wait3A_355, %dma_wait3A_356] : memref<10000x128xf32, #tpu.memory_space<hbm>> -> memref<10000x128xf32, #tpu.memory_space<hbm>>
      tpu.wait_indirect_dma semaphore(%arg23 : memref<!tpu.dma_semaphore, #tpu.memory_space<semaphore_mem>>) src(%dma_wait3A_357 : memref<10000x128xf32, #tpu.memory_space<hbm>>) dst(%arg14 : memref<120x128xf32, #tpu.memory_space<vmem>>)
      %scan3A_358 = arith.constant 0 : i32
      %scan3A_359 = arith.constant 0 : i32
      %scan3A_360 = arith.constant 120 : i32
      %scan3A_361 = arith.addi %scan3A_359, %scan3A_360 : i32
      %scan3A_362 = arith.constant 2 : i32
      %scan3A_363 = scf.for %scan3A_396 = %scan3A_359 to %scan3A_361 step %scan3A_362 iter_args(%scan3A_397 = %scan3A_358) -> (i32)  : i32 {
        %add3A_398 = vector.broadcast %scan3A_396 : i32 to vector<16xi32>
        %add3A_399 = arith.addi %broadcast_in_dim3A_9, %add3A_398 : vector<16xi32>
        %gather3A = tpu.vector_load_idx %arg11[%broadcast_in_dim3A_7, %add3A_399] : memref<3x120xi32, #tpu.memory_space<vmem>>[vector<16xi32>, vector<16xi32>], vector<16xi32>,
        %bitcast3A = vector.bitcast %gather3A : vector<16xi32> to vector<16xf32>
        %get3A = arith.index_cast %scan3A_396 : i32 to index
        %get3A_400 = arith.constant 0 : index
        %get3A_401 = tpu.vector_load %arg14[%get3A, %get3A_400] {strides = array<i32>} : memref<120x128xf32, #tpu.memory_space<vmem>>, vector<16xf32>,
        %mul3A_402 = arith.mulf %get3A_401, %bitcast3A : vector<16xf32>
        %swap3A = arith.index_cast %scan3A_396 : i32 to index
        %swap3A_403 = arith.constant 0 : index
        %swap3A_404 = tpu.vector_load %arg14[%swap3A, %swap3A_403] {strides = array<i32>} : memref<120x128xf32, #tpu.memory_space<vmem>>, vector<16xf32>,
        tpu.vector_store %arg14[%swap3A, %swap3A_403], %mul3A_402 {strides = array<i32>} : memref<120x128xf32, #tpu.memory_space<vmem>>, vector<16xf32>,
        %get3A_405 = arith.index_cast %scan3A_396 : i32 to index
        %get3A_406 = arith.constant 16 : index
        %get3A_407 = tpu.vector_load %arg14[%get3A_405, %get3A_406] {strides = array<i32>} : memref<120x128xf32, #tpu.memory_space<vmem>>, vector<16xf32>,
        %mul3A_408 = arith.mulf %get3A_407, %bitcast3A : vector<16xf32>
        %swap3A_409 = arith.index_cast %scan3A_396 : i32 to index
        %swap3A_410 = arith.constant 16 : index
        %swap3A_411 = tpu.vector_load %arg14[%swap3A_409, %swap3A_410] {strides = array<i32>} : memref<120x128xf32, #tpu.memory_space<vmem>>, vector<16xf32>,
        tpu.vector_store %arg14[%swap3A_409, %swap3A_410], %mul3A_408 {strides = array<i32>} : memref<120x128xf32, #tpu.memory_space<vmem>>, vector<16xf32>,
        %get3A_412 = arith.index_cast %scan3A_396 : i32 to index
        %get3A_413 = arith.constant 32 : index
        %get3A_414 = tpu.vector_load %arg14[%get3A_412, %get3A_413] {strides = array<i32>} : memref<120x128xf32, #tpu.memory_space<vmem>>, vector<16xf32>,
        %mul3A_415 = arith.mulf %get3A_414, %bitcast3A : vector<16xf32>
        %swap3A_416 = arith.index_cast %scan3A_396 : i32 to index
        %swap3A_417 = arith.constant 32 : index
        %swap3A_418 = tpu.vector_load %arg14[%swap3A_416, %swap3A_417] {strides = array<i32>} : memref<120x128xf32, #tpu.memory_space<vmem>>, vector<16xf32>,
        tpu.vector_store %arg14[%swap3A_416, %swap3A_417], %mul3A_415 {strides = array<i32>} : memref<120x128xf32, #tpu.memory_space<vmem>>, vector<16xf32>,
        %get3A_419 = arith.index_cast %scan3A_396 : i32 to index
        %get3A_420 = arith.constant 48 : index
        %get3A_421 = tpu.vector_load %arg14[%get3A_419, %get3A_420] {strides = array<i32>} : memref<120x128xf32, #tpu.memory_space<vmem>>, vector<16xf32>,
        %mul3A_422 = arith.mulf %get3A_421, %bitcast3A : vector<16xf32>
        %swap3A_423 = arith.index_cast %scan3A_396 : i32 to index
        %swap3A_424 = arith.constant 48 : index
        %swap3A_425 = tpu.vector_load %arg14[%swap3A_423, %swap3A_424] {strides = array<i32>} : memref<120x128xf32, #tpu.memory_space<vmem>>, vector<16xf32>,
        tpu.vector_store %arg14[%swap3A_423, %swap3A_424], %mul3A_422 {strides = array<i32>} : memref<120x128xf32, #tpu.memory_space<vmem>>, vector<16xf32>,
        %get3A_426 = arith.index_cast %scan3A_396 : i32 to index
        %get3A_427 = arith.constant 64 : index
        %get3A_428 = tpu.vector_load %arg14[%get3A_426, %get3A_427] {strides = array<i32>} : memref<120x128xf32, #tpu.memory_space<vmem>>, vector<16xf32>,
        %mul3A_429 = arith.mulf %get3A_428, %bitcast3A : vector<16xf32>
        %swap3A_430 = arith.index_cast %scan3A_396 : i32 to index
        %swap3A_431 = arith.constant 64 : index
        %swap3A_432 = tpu.vector_load %arg14[%swap3A_430, %swap3A_431] {strides = array<i32>} : memref<120x128xf32, #tpu.memory_space<vmem>>, vector<16xf32>,
        tpu.vector_store %arg14[%swap3A_430, %swap3A_431], %mul3A_429 {strides = array<i32>} : memref<120x128xf32, #tpu.memory_space<vmem>>, vector<16xf32>,
        %get3A_433 = arith.index_cast %scan3A_396 : i32 to index
        %get3A_434 = arith.constant 80 : index
        %get3A_435 = tpu.vector_load %arg14[%get3A_433, %get3A_434] {strides = array<i32>} : memref<120x128xf32, #tpu.memory_space<vmem>>, vector<16xf32>,
        %mul3A_436 = arith.mulf %get3A_435, %bitcast3A : vector<16xf32>
        %swap3A_437 = arith.index_cast %scan3A_396 : i32 to index
        %swap3A_438 = arith.constant 80 : index
        %swap3A_439 = tpu.vector_load %arg14[%swap3A_437, %swap3A_438] {strides = array<i32>} : memref<120x128xf32, #tpu.memory_space<vmem>>, vector<16xf32>,
        tpu.vector_store %arg14[%swap3A_437, %swap3A_438], %mul3A_436 {strides = array<i32>} : memref<120x128xf32, #tpu.memory_space<vmem>>, vector<16xf32>,
        %get3A_440 = arith.index_cast %scan3A_396 : i32 to index
        %get3A_441 = arith.constant 96 : index
        %get3A_442 = tpu.vector_load %arg14[%get3A_440, %get3A_441] {strides = array<i32>} : memref<120x128xf32, #tpu.memory_space<vmem>>, vector<16xf32>,
        %mul3A_443 = arith.mulf %get3A_442, %bitcast3A : vector<16xf32>
        %swap3A_444 = arith.index_cast %scan3A_396 : i32 to index
        %swap3A_445 = arith.constant 96 : index
        %swap3A_446 = tpu.vector_load %arg14[%swap3A_444, %swap3A_445] {strides = array<i32>} : memref<120x128xf32, #tpu.memory_space<vmem>>, vector<16xf32>,
        tpu.vector_store %arg14[%swap3A_444, %swap3A_445], %mul3A_443 {strides = array<i32>} : memref<120x128xf32, #tpu.memory_space<vmem>>, vector<16xf32>,
        %get3A_447 = arith.index_cast %scan3A_396 : i32 to index
        %get3A_448 = arith.constant 112 : index
        %get3A_449 = tpu.vector_load %arg14[%get3A_447, %get3A_448] {strides = array<i32>} : memref<120x128xf32, #tpu.memory_space<vmem>>, vector<16xf32>,
        %mul3A_450 = arith.mulf %get3A_449, %bitcast3A : vector<16xf32>
        %swap3A_451 = arith.index_cast %scan3A_396 : i32 to index
        %swap3A_452 = arith.constant 112 : index
        %swap3A_453 = tpu.vector_load %arg14[%swap3A_451, %swap3A_452] {strides = array<i32>} : memref<120x128xf32, #tpu.memory_space<vmem>>, vector<16xf32>,
        tpu.vector_store %arg14[%swap3A_451, %swap3A_452], %mul3A_450 {strides = array<i32>} : memref<120x128xf32, #tpu.memory_space<vmem>>, vector<16xf32>,
        %scan3A_454 = arith.constant 0 : i32
        %scan3A_455 = arith.constant 1 : i32
        %scan3A_456 = arith.addi %scan3A_396, %scan3A_455 : i32
        %add3A_457 = vector.broadcast %scan3A_456 : i32 to vector<16xi32>
        %add3A_458 = arith.addi %broadcast_in_dim3A_9, %add3A_457 : vector<16xi32>
        %gather3A_459 = tpu.vector_load_idx %arg11[%broadcast_in_dim3A_7, %add3A_458] : memref<3x120xi32, #tpu.memory_space<vmem>>[vector<16xi32>, vector<16xi32>], vector<16xi32>,
        %bitcast3A_460 = vector.bitcast %gather3A_459 : vector<16xi32> to vector<16xf32>
        %get3A_461 = arith.index_cast %scan3A_456 : i32 to index
        %get3A_462 = arith.constant 0 : index
        %get3A_463 = tpu.vector_load %arg14[%get3A_461, %get3A_462] {strides = array<i32>} : memref<120x128xf32, #tpu.memory_space<vmem>>, vector<16xf32>,
        %mul3A_464 = arith.mulf %get3A_463, %bitcast3A_460 : vector<16xf32>
        %swap3A_465 = arith.index_cast %scan3A_456 : i32 to index
        %swap3A_466 = arith.constant 0 : index
        %swap3A_467 = tpu.vector_load %arg14[%swap3A_465, %swap3A_466] {strides = array<i32>} : memref<120x128xf32, #tpu.memory_space<vmem>>, vector<16xf32>,
        tpu.vector_store %arg14[%swap3A_465, %swap3A_466], %mul3A_464 {strides = array<i32>} : memref<120x128xf32, #tpu.memory_space<vmem>>, vector<16xf32>,
        %get3A_468 = arith.index_cast %scan3A_456 : i32 to index
        %get3A_469 = arith.constant 16 : index
        %get3A_470 = tpu.vector_load %arg14[%get3A_468, %get3A_469] {strides = array<i32>} : memref<120x128xf32, #tpu.memory_space<vmem>>, vector<16xf32>,
        %mul3A_471 = arith.mulf %get3A_470, %bitcast3A_460 : vector<16xf32>
        %swap3A_472 = arith.index_cast %scan3A_456 : i32 to index
        %swap3A_473 = arith.constant 16 : index
        %swap3A_474 = tpu.vector_load %arg14[%swap3A_472, %swap3A_473] {strides = array<i32>} : memref<120x128xf32, #tpu.memory_space<vmem>>, vector<16xf32>,
        tpu.vector_store %arg14[%swap3A_472, %swap3A_473], %mul3A_471 {strides = array<i32>} : memref<120x128xf32, #tpu.memory_space<vmem>>, vector<16xf32>,
        %get3A_475 = arith.index_cast %scan3A_456 : i32 to index
        %get3A_476 = arith.constant 32 : index
        %get3A_477 = tpu.vector_load %arg14[%get3A_475, %get3A_476] {strides = array<i32>} : memref<120x128xf32, #tpu.memory_space<vmem>>, vector<16xf32>,
        %mul3A_478 = arith.mulf %get3A_477, %bitcast3A_460 : vector<16xf32>
        %swap3A_479 = arith.index_cast %scan3A_456 : i32 to index
        %swap3A_480 = arith.constant 32 : index
        %swap3A_481 = tpu.vector_load %arg14[%swap3A_479, %swap3A_480] {strides = array<i32>} : memref<120x128xf32, #tpu.memory_space<vmem>>, vector<16xf32>,
        tpu.vector_store %arg14[%swap3A_479, %swap3A_480], %mul3A_478 {strides = array<i32>} : memref<120x128xf32, #tpu.memory_space<vmem>>, vector<16xf32>,
        %get3A_482 = arith.index_cast %scan3A_456 : i32 to index
        %get3A_483 = arith.constant 48 : index
        %get3A_484 = tpu.vector_load %arg14[%get3A_482, %get3A_483] {strides = array<i32>} : memref<120x128xf32, #tpu.memory_space<vmem>>, vector<16xf32>,
        %mul3A_485 = arith.mulf %get3A_484, %bitcast3A_460 : vector<16xf32>
        %swap3A_486 = arith.index_cast %scan3A_456 : i32 to index
        %swap3A_487 = arith.constant 48 : index
        %swap3A_488 = tpu.vector_load %arg14[%swap3A_486, %swap3A_487] {strides = array<i32>} : memref<120x128xf32, #tpu.memory_space<vmem>>, vector<16xf32>,
        tpu.vector_store %arg14[%swap3A_486, %swap3A_487], %mul3A_485 {strides = array<i32>} : memref<120x128xf32, #tpu.memory_space<vmem>>, vector<16xf32>,
        %get3A_489 = arith.index_cast %scan3A_456 : i32 to index
        %get3A_490 = arith.constant 64 : index
        %get3A_491 = tpu.vector_load %arg14[%get3A_489, %get3A_490] {strides = array<i32>} : memref<120x128xf32, #tpu.memory_space<vmem>>, vector<16xf32>,
        %mul3A_492 = arith.mulf %get3A_491, %bitcast3A_460 : vector<16xf32>
        %swap3A_493 = arith.index_cast %scan3A_456 : i32 to index
        %swap3A_494 = arith.constant 64 : index
        %swap3A_495 = tpu.vector_load %arg14[%swap3A_493, %swap3A_494] {strides = array<i32>} : memref<120x128xf32, #tpu.memory_space<vmem>>, vector<16xf32>,
        tpu.vector_store %arg14[%swap3A_493, %swap3A_494], %mul3A_492 {strides = array<i32>} : memref<120x128xf32, #tpu.memory_space<vmem>>, vector<16xf32>,
        %get3A_496 = arith.index_cast %scan3A_456 : i32 to index
        %get3A_497 = arith.constant 80 : index
        %get3A_498 = tpu.vector_load %arg14[%get3A_496, %get3A_497] {strides = array<i32>} : memref<120x128xf32, #tpu.memory_space<vmem>>, vector<16xf32>,
        %mul3A_499 = arith.mulf %get3A_498, %bitcast3A_460 : vector<16xf32>
        %swap3A_500 = arith.index_cast %scan3A_456 : i32 to index
        %swap3A_501 = arith.constant 80 : index
        %swap3A_502 = tpu.vector_load %arg14[%swap3A_500, %swap3A_501] {strides = array<i32>} : memref<120x128xf32, #tpu.memory_space<vmem>>, vector<16xf32>,
        tpu.vector_store %arg14[%swap3A_500, %swap3A_501], %mul3A_499 {strides = array<i32>} : memref<120x128xf32, #tpu.memory_space<vmem>>, vector<16xf32>,
        %get3A_503 = arith.index_cast %scan3A_456 : i32 to index
        %get3A_504 = arith.constant 96 : index
        %get3A_505 = tpu.vector_load %arg14[%get3A_503, %get3A_504] {strides = array<i32>} : memref<120x128xf32, #tpu.memory_space<vmem>>, vector<16xf32>,
        %mul3A_506 = arith.mulf %get3A_505, %bitcast3A_460 : vector<16xf32>
        %swap3A_507 = arith.index_cast %scan3A_456 : i32 to index
        %swap3A_508 = arith.constant 96 : index
        %swap3A_509 = tpu.vector_load %arg14[%swap3A_507, %swap3A_508] {strides = array<i32>} : memref<120x128xf32, #tpu.memory_space<vmem>>, vector<16xf32>,
        tpu.vector_store %arg14[%swap3A_507, %swap3A_508], %mul3A_506 {strides = array<i32>} : memref<120x128xf32, #tpu.memory_space<vmem>>, vector<16xf32>,
        %get3A_510 = arith.index_cast %scan3A_456 : i32 to index
        %get3A_511 = arith.constant 112 : index
        %get3A_512 = tpu.vector_load %arg14[%get3A_510, %get3A_511] {strides = array<i32>} : memref<120x128xf32, #tpu.memory_space<vmem>>, vector<16xf32>,
        %mul3A_513 = arith.mulf %get3A_512, %bitcast3A_460 : vector<16xf32>
        %swap3A_514 = arith.index_cast %scan3A_456 : i32 to index
        %swap3A_515 = arith.constant 112 : index
        %swap3A_516 = tpu.vector_load %arg14[%swap3A_514, %swap3A_515] {strides = array<i32>} : memref<120x128xf32, #tpu.memory_space<vmem>>, vector<16xf32>,
        tpu.vector_store %arg14[%swap3A_514, %swap3A_515], %mul3A_513 {strides = array<i32>} : memref<120x128xf32, #tpu.memory_space<vmem>>, vector<16xf32>,
        %scan3A_517 = arith.constant 0 : i32
        scf.yield %scan3A_517 : i32
      }
      %scan3A_364 = arith.constant 120 : i32
      %ge3A_365 = arith.constant 1 : i32
      %ge3A_366 = arith.cmpi sge, %add3A_350, %ge3A_365 : i32
      %convert_element_type3A_367 = arith.extui %ge3A_366 : i1 to i32
      %cond3A_368 = arith.constant 0 : i32
      %cond3A_369 = arith.cmpi ne, %convert_element_type3A_367, %cond3A_368 : i32
      scf.if %cond3A_369 {
        %sub3A_396 = arith.constant 1 : i32
        %sub3A_397 = arith.subi %add3A_350, %sub3A_396 : i32
        %dma_wait3A_398 = arith.constant 1 : i32
        %dma_wait3A_399 = arith.constant 0 : i32
        %dma_wait3A_400 = tpu.memref_slice %arg10[%dma_wait3A_398, %dma_wait3A_399] : memref<3x120xi32, #tpu.memory_space<vmem>> -> memref<1x120xi32, #tpu.memory_space<vmem>>
        %dma_wait3A_401 = tpu.memref_squeeze %dma_wait3A_400 : memref<1x120xi32, #tpu.memory_space<vmem>> -> memref<120xi32, #tpu.memory_space<vmem>>
        %dma_wait3A_402 = arith.constant 0 : i32
        %dma_wait3A_403 = arith.constant 0 : i32
        %dma_wait3A_404 = tpu.memref_slice %arg27[%dma_wait3A_402, %dma_wait3A_403] : memref<10000x128xf32, #tpu.memory_space<vmem_shared>> -> memref<10000x128xf32, #tpu.memory_space<vmem_shared>>
        tpu.wait_indirect_dma semaphore(%arg25 : memref<!tpu.dma_semaphore, #tpu.memory_space<semaphore_mem>>) src(%arg13 : memref<120x128xf32, #tpu.memory_space<vmem>>) dst(%dma_wait3A_404 : memref<10000x128xf32, #tpu.memory_space<vmem_shared>>)
      } else {
      }
      %dma_start3A_370 = arith.constant 1 : i32
      %dma_start3A_371 = arith.constant 0 : i32
      %dma_start3A_372 = tpu.memref_slice %arg11[%dma_start3A_370, %dma_start3A_371] : memref<3x120xi32, #tpu.memory_space<vmem>> -> memref<1x120xi32, #tpu.memory_space<vmem>>
      %dma_start3A_373 = tpu.memref_squeeze %dma_start3A_372 : memref<1x120xi32, #tpu.memory_space<vmem>> -> memref<120xi32, #tpu.memory_space<vmem>>
      %dma_start3A_374 = arith.constant 0 : i32
      %dma_start3A_375 = arith.constant 0 : i32
      %dma_start3A_376 = tpu.memref_slice %arg27[%dma_start3A_374, %dma_start3A_375] : memref<10000x128xf32, #tpu.memory_space<vmem_shared>> -> memref<10000x128xf32, #tpu.memory_space<vmem_shared>>
      tpu.enqueue_indirect_dma source(%arg14 : memref<120x128xf32, #tpu.memory_space<vmem>>) target(%dma_start3A_376 : memref<10000x128xf32, #tpu.memory_space<vmem_shared>>) offsets(%dma_start3A_373 : memref<120xi32, #tpu.memory_space<vmem>>) semaphore(%arg26 : memref<!tpu.dma_semaphore, #tpu.memory_space<semaphore_mem>>) {add = true}
      %add3A_377 = arith.constant 6 : i32
      %add3A_378 = arith.addi %add3A_350, %add3A_377 : i32
      %sub3A_379 = arith.constant 1 : i32
      %sub3A_380 = arith.subi %add3A_378, %sub3A_379 : i32
      %lt3A_381 = arith.constant 84 : i32
      %lt3A_382 = arith.cmpi slt, %sub3A_380, %lt3A_381 : i32
      %convert_element_type3A_383 = arith.extui %lt3A_382 : i1 to i32
      %cond3A_384 = arith.constant 0 : i32
      %cond3A_385 = arith.cmpi ne, %convert_element_type3A_383, %cond3A_384 : i32
      scf.if %cond3A_385 {
        %add3A_396 = arith.constant 6 : i32
        %add3A_397 = arith.addi %add3A_350, %add3A_396 : i32
        %sub3A_398 = arith.constant 1 : i32
        %sub3A_399 = arith.subi %add3A_397, %sub3A_398 : i32
        %dma_start3A_400 = arith.constant 0 : i32
        %dma_start3A_401 = arith.constant 0 : i32
        %dma_start3A_402 = tpu.memref_slice %arg3[%add3A, %sub3A_399, %dma_start3A_400, %dma_start3A_401] : memref<32x84x3x120xi32, #tpu.memory_space<hbm>> -> memref<1x1x3x120xi32, #tpu.memory_space<hbm>>
        %dma_start3A_403 = tpu.memref_squeeze %dma_start3A_402 : memref<1x1x3x120xi32, #tpu.memory_space<hbm>> -> memref<3x120xi32, #tpu.memory_space<hbm>>
        %dma_start3A_404 = arith.constant 0 : i32
        %dma_start3A_405 = arith.constant 0 : i32
        %dma_start3A_406 = tpu.memref_slice %arg3[%add3A, %sub3A_399, %dma_start3A_404, %dma_start3A_405] : memref<32x84x3x120xi32, #tpu.memory_space<hbm>> -> memref<1x1x3x120xi32, #tpu.memory_space<hbm>>
        %dma_start3A_407 = tpu.memref_squeeze %dma_start3A_406 : memref<1x1x3x120xi32, #tpu.memory_space<hbm>> -> memref<3x120xi32, #tpu.memory_space<hbm>>
        tpu.enqueue_dma source(%dma_start3A_407 : memref<3x120xi32, #tpu.memory_space<hbm>>) target(%arg10 : memref<3x120xi32, #tpu.memory_space<vmem>>) target_semaphore(%arg19 : memref<!tpu.dma_semaphore, #tpu.memory_space<semaphore_mem>>)
      } else {
      }
      %add3A_386 = arith.constant 3 : i32
      %add3A_387 = arith.addi %add3A_350, %add3A_386 : i32
      %sub3A_388 = arith.constant 1 : i32
      %sub3A_389 = arith.subi %add3A_387, %sub3A_388 : i32
      %lt3A_390 = arith.constant 84 : i32
      %lt3A_391 = arith.cmpi slt, %sub3A_389, %lt3A_390 : i32
      %convert_element_type3A_392 = arith.extui %lt3A_391 : i1 to i32
      %cond3A_393 = arith.constant 0 : i32
      %cond3A_394 = arith.cmpi ne, %convert_element_type3A_392, %cond3A_393 : i32
      scf.if %cond3A_394 {
        %add3A_396 = arith.constant 3 : i32
        %add3A_397 = arith.addi %add3A_350, %add3A_396 : i32
        %sub3A_398 = arith.constant 1 : i32
        %sub3A_399 = arith.subi %add3A_397, %sub3A_398 : i32
        %dma_wait3A_400 = arith.constant 0 : i32
        %dma_wait3A_401 = arith.constant 0 : i32
        %dma_wait3A_402 = tpu.memref_slice %arg3[%add3A, %sub3A_399, %dma_wait3A_400, %dma_wait3A_401] : memref<32x84x3x120xi32, #tpu.memory_space<hbm>> -> memref<1x1x3x120xi32, #tpu.memory_space<hbm>>
        %dma_wait3A_403 = tpu.memref_squeeze %dma_wait3A_402 : memref<1x1x3x120xi32, #tpu.memory_space<hbm>> -> memref<3x120xi32, #tpu.memory_space<hbm>>
        %dma_wait3A_404 = arith.constant 0 : i32
        %dma_wait3A_405 = arith.constant 0 : i32
        %dma_wait3A_406 = tpu.memref_slice %arg3[%add3A, %sub3A_399, %dma_wait3A_404, %dma_wait3A_405] : memref<32x84x3x120xi32, #tpu.memory_space<hbm>> -> memref<1x1x3x120xi32, #tpu.memory_space<hbm>>
        %dma_wait3A_407 = tpu.memref_squeeze %dma_wait3A_406 : memref<1x1x3x120xi32, #tpu.memory_space<hbm>> -> memref<3x120xi32, #tpu.memory_space<hbm>>
        tpu.wait_dma2 semaphore(%arg16 : memref<!tpu.dma_semaphore, #tpu.memory_space<semaphore_mem>>) src(%dma_wait3A_407 : memref<3x120xi32, #tpu.memory_space<hbm>>) dst(%arg7 : memref<3x120xi32, #tpu.memory_space<vmem>>)
        %add3A_408 = arith.constant 3 : i32
        %add3A_409 = arith.addi %add3A_350, %add3A_408 : i32
        %sub3A_410 = arith.constant 1 : i32
        %sub3A_411 = arith.subi %add3A_409, %sub3A_410 : i32
        %dma_start3A_412 = arith.constant 0 : i32
        %dma_start3A_413 = arith.constant 0 : i32
        %dma_start3A_414 = tpu.memref_slice %arg7[%dma_start3A_412, %dma_start3A_413] : memref<3x120xi32, #tpu.memory_space<vmem>> -> memref<1x120xi32, #tpu.memory_space<vmem>>
        %dma_start3A_415 = tpu.memref_squeeze %dma_start3A_414 : memref<1x120xi32, #tpu.memory_space<vmem>> -> memref<120xi32, #tpu.memory_space<vmem>>
        %dma_start3A_416 = arith.constant 0 : i32
        %dma_start3A_417 = arith.constant 0 : i32
        %dma_start3A_418 = tpu.memref_slice %arg2[%dma_start3A_416, %dma_start3A_417] : memref<10000x128xf32, #tpu.memory_space<hbm>> -> memref<10000x128xf32, #tpu.memory_space<hbm>>
        tpu.enqueue_indirect_dma source(%dma_start3A_418 : memref<10000x128xf32, #tpu.memory_space<hbm>>) target(%arg13 : memref<120x128xf32, #tpu.memory_space<vmem>>) offsets(%dma_start3A_415 : memref<120xi32, #tpu.memory_space<vmem>>) semaphore(%arg22 : memref<!tpu.dma_semaphore, #tpu.memory_space<semaphore_mem>>)
      } else {
      }
      %scan3A_395 = arith.constant 0 : i32
      scf.yield %scan3A_395 : i32
    }
    %scan3A_90 = arith.constant 14 : i32
    %dma_wait3A_91 = arith.constant 1 : i32
    %dma_wait3A_92 = arith.constant 0 : i32
    %dma_wait3A_93 = tpu.memref_slice %arg11[%dma_wait3A_91, %dma_wait3A_92] : memref<3x120xi32, #tpu.memory_space<vmem>> -> memref<1x120xi32, #tpu.memory_space<vmem>>
    %dma_wait3A_94 = tpu.memref_squeeze %dma_wait3A_93 : memref<1x120xi32, #tpu.memory_space<vmem>> -> memref<120xi32, #tpu.memory_space<vmem>>
    %dma_wait3A_95 = arith.constant 0 : i32
    %dma_wait3A_96 = arith.constant 0 : i32
    %dma_wait3A_97 = tpu.memref_slice %arg27[%dma_wait3A_95, %dma_wait3A_96] : memref<10000x128xf32, #tpu.memory_space<vmem_shared>> -> memref<10000x128xf32, #tpu.memory_space<vmem_shared>>
    tpu.wait_indirect_dma semaphore(%arg26 : memref<!tpu.dma_semaphore, #tpu.memory_space<semaphore_mem>>) src(%arg14 : memref<120x128xf32, #tpu.memory_space<vmem>>) dst(%dma_wait3A_97 : memref<10000x128xf32, #tpu.memory_space<vmem_shared>>)
    %barrier3A_98 = arith.constant 0 : index
    tpu.barrier barrier_id(%barrier3A_98)
    %mul3A_99 = arith.constant 624 : i32
    %mul3A_100 = arith.muli %arg1, %mul3A_99 : i32
    %mul3A_101 = arith.constant 624 : i32
    %mul3A_102 = arith.muli %arg1, %mul3A_101 : i32
    "tpu.region"() ({
      %run_scoped3A = tpu.sem_alloc : memref<!tpu.dma_semaphore, #tpu.memory_space<semaphore_mem>>
      %dma_start3A_108 = arith.constant 0 : i32
      %dma_start3A_109 = tpu.memref_slice %arg5[%arg0, %mul3A_102, %dma_start3A_108] : memref<2x10000x128xf32, #tpu.memory_space<hbm>> -> memref<1x624x128xf32, #tpu.memory_space<hbm>>
      %dma_start3A_110 = tpu.memref_squeeze %dma_start3A_109 : memref<1x624x128xf32, #tpu.memory_space<hbm>> -> memref<624x128xf32, #tpu.memory_space<hbm>>
      %dma_start3A_111 = arith.constant 0 : i32
      %dma_start3A_112 = tpu.memref_slice %arg27[%mul3A_100, %dma_start3A_111] : memref<10000x128xf32, #tpu.memory_space<vmem_shared>> -> memref<624x128xf32, #tpu.memory_space<vmem_shared>>
      tpu.enqueue_dma source(%dma_start3A_112 : memref<624x128xf32, #tpu.memory_space<vmem_shared>>) target(%dma_start3A_110 : memref<624x128xf32, #tpu.memory_space<hbm>>) target_semaphore(%run_scoped3A : memref<!tpu.dma_semaphore, #tpu.memory_space<semaphore_mem>>)
      %dma_wait3A_113 = arith.constant 0 : i32
      %dma_wait3A_114 = tpu.memref_slice %arg5[%arg0, %mul3A_102, %dma_wait3A_113] : memref<2x10000x128xf32, #tpu.memory_space<hbm>> -> memref<1x624x128xf32, #tpu.memory_space<hbm>>
      %dma_wait3A_115 = tpu.memref_squeeze %dma_wait3A_114 : memref<1x624x128xf32, #tpu.memory_space<hbm>> -> memref<624x128xf32, #tpu.memory_space<hbm>>
      %dma_wait3A_116 = arith.constant 0 : i32
      %dma_wait3A_117 = tpu.memref_slice %arg27[%mul3A_100, %dma_wait3A_116] : memref<10000x128xf32, #tpu.memory_space<vmem_shared>> -> memref<624x128xf32, #tpu.memory_space<vmem_shared>>
      tpu.wait_dma2 semaphore(%run_scoped3A : memref<!tpu.dma_semaphore, #tpu.memory_space<semaphore_mem>>) src(%dma_wait3A_117 : memref<624x128xf32, #tpu.memory_space<vmem_shared>>) dst(%dma_wait3A_115 : memref<624x128xf32, #tpu.memory_space<hbm>>)
      tpu.yield
    }) : () -> ()
    %eq3A_103 = arith.constant 15 : i32
    %eq3A_104 = arith.cmpi eq, %arg1, %eq3A_103 : i32
    %convert_element_type3A_105 = arith.extui %eq3A_104 : i1 to i32
    %cond3A_106 = arith.constant 0 : i32
    %cond3A_107 = arith.cmpi ne, %convert_element_type3A_105, %cond3A_106 : i32
    scf.if %cond3A_107 {
      "tpu.region"() ({
        %run_scoped3A = tpu.sem_alloc : memref<!tpu.dma_semaphore, #tpu.memory_space<semaphore_mem>>
        %dma_start3A_108 = arith.constant 9984 : i32
        %dma_start3A_109 = arith.constant 0 : i32
        %dma_start3A_110 = tpu.memref_slice %arg5[%arg0, %dma_start3A_108, %dma_start3A_109] : memref<2x10000x128xf32, #tpu.memory_space<hbm>> -> memref<1x16x128xf32, #tpu.memory_space<hbm>>
        %dma_start3A_111 = tpu.memref_squeeze %dma_start3A_110 : memref<1x16x128xf32, #tpu.memory_space<hbm>> -> memref<16x128xf32, #tpu.memory_space<hbm>>
        %dma_start3A_112 = arith.constant 9984 : i32
        %dma_start3A_113 = arith.constant 0 : i32
        %dma_start3A_114 = tpu.memref_slice %arg27[%dma_start3A_112, %dma_start3A_113] : memref<10000x128xf32, #tpu.memory_space<vmem_shared>> -> memref<16x128xf32, #tpu.memory_space<vmem_shared>>
        tpu.enqueue_dma source(%dma_start3A_114 : memref<16x128xf32, #tpu.memory_space<vmem_shared>>) target(%dma_start3A_111 : memref<16x128xf32, #tpu.memory_space<hbm>>) target_semaphore(%run_scoped3A : memref<!tpu.dma_semaphore, #tpu.memory_space<semaphore_mem>>)
        %dma_wait3A_115 = arith.constant 9984 : i32
        %dma_wait3A_116 = arith.constant 0 : i32
        %dma_wait3A_117 = tpu.memref_slice %arg5[%arg0, %dma_wait3A_115, %dma_wait3A_116] : memref<2x10000x128xf32, #tpu.memory_space<hbm>> -> memref<1x16x128xf32, #tpu.memory_space<hbm>>
        %dma_wait3A_118 = tpu.memref_squeeze %dma_wait3A_117 : memref<1x16x128xf32, #tpu.memory_space<hbm>> -> memref<16x128xf32, #tpu.memory_space<hbm>>
        %dma_wait3A_119 = arith.constant 9984 : i32
        %dma_wait3A_120 = arith.constant 0 : i32
        %dma_wait3A_121 = tpu.memref_slice %arg27[%dma_wait3A_119, %dma_wait3A_120] : memref<10000x128xf32, #tpu.memory_space<vmem_shared>> -> memref<16x128xf32, #tpu.memory_space<vmem_shared>>
        tpu.wait_dma2 semaphore(%run_scoped3A : memref<!tpu.dma_semaphore, #tpu.memory_space<semaphore_mem>>) src(%dma_wait3A_121 : memref<16x128xf32, #tpu.memory_space<vmem_shared>>) dst(%dma_wait3A_118 : memref<16x128xf32, #tpu.memory_space<hbm>>)
        tpu.yield
      }) : () -> ()
    } else {
    }
    return
  }
}

module attributes {stable_mosaic.version = 14 : i64} {
  func.func @_encode_body(%arg0: i32, %arg1: memref<2000x8xf32, #tpu.memory_space<vmem>>, %arg2: memref<8x128xf32, #tpu.memory_space<vmem>>, %arg3: memref<2000x128xf32, #tpu.memory_space<vmem>>) attributes {dimension_semantics = [#tpu.dimension_semantics<arbitrary>], iteration_bounds = array<i64: 5>, scalar_prefetch = 0 : i64, scratch_operands = 0 : i64, tpu.core_type = #tpu.core_type<tc>, window_params = [{transform_indices = @transform_0, window_bounds = array<i64: 2000, 8>}, {pipeline_mode = #tpu.pipeline_mode<synchronous>, transform_indices = @transform_1, window_bounds = array<i64: 8, 128>}, {transform_indices = @transform_2, window_bounds = array<i64: 2000, 128>}]} {
    %get3A = arith.constant 0 : index
    %get3A_0 = arith.constant 0 : index
    %get3A_1 = vector.load %arg1[%get3A, %get3A_0] : memref<2000x8xf32, #tpu.memory_space<vmem>>, vector<2000x8xf32>
    %get3A_2 = arith.constant 0 : index
    %get3A_3 = arith.constant 0 : index
    %get3A_4 = vector.load %arg2[%get3A_2, %get3A_3] : memref<8x128xf32, #tpu.memory_space<vmem>>, vector<8x128xf32>
    %dot_general3A = arith.constant dense<0.000000e+00> : vector<2000x128xf32>
    %dot_general3A_5 = tpu.matmul %get3A_1, %get3A_4, %dot_general3A {dimension_numbers = #tpu.dot_dimension_numbers<[1], [0], [0], [1], [0, 0, 1, 1], [], []>, transpose_lhs_hint = false} : vector<2000x8xf32>, vector<8x128xf32>, vector<2000x128xf32> -> vector<2000x128xf32>
    %max3A = arith.constant 0.000000e+00 : f32
    %max3A_6 = vector.broadcast %max3A : f32 to vector<2000x128xf32>
    %max3A_7 = arith.maximumf %dot_general3A_5, %max3A_6 : vector<2000x128xf32>
    %mul3A = arith.mulf %max3A_7, %max3A_7 : vector<2000x128xf32>
    %reduce_sum3A = arith.constant dense<0.000000e+00> : vector<2000xf32>
    %reduce_sum3A_8 = vector.multi_reduction <add>, %mul3A, %reduce_sum3A [1] : vector<2000x128xf32> to vector<2000xf32>
    %broadcast_in_dim3A = vector.shape_cast %reduce_sum3A_8 : vector<2000xf32> to vector<2000x1xf32>
    %sqrt3A = math.sqrt %broadcast_in_dim3A : vector<2000x1xf32>
    %max3A_9 = arith.constant 9.99999996E-13 : f32
    %max3A_10 = vector.broadcast %max3A_9 : f32 to vector<2000x1xf32>
    %max3A_11 = arith.maximumf %sqrt3A, %max3A_10 : vector<2000x1xf32>
    %div3A = vector.broadcast %max3A_11 : vector<2000x1xf32> to vector<2000x128xf32>
    %div3A_12 = arith.divf %max3A_7, %div3A : vector<2000x128xf32>
    %swap3A = arith.constant 0 : index
    %swap3A_13 = arith.constant 0 : index
    %swap3A_14 = vector.load %arg3[%swap3A, %swap3A_13] : memref<2000x128xf32, #tpu.memory_space<vmem>>, vector<2000x128xf32>
    tpu.vector_store %arg3[%swap3A, %swap3A_13], %div3A_12 {strides = array<i32>} : memref<2000x128xf32, #tpu.memory_space<vmem>>, vector<2000x128xf32>,
    return
  }
  func.func @transform_0(%arg0: i32) -> (i32, i32) {
    %c0_i32 = arith.constant 0 : i32
    %c0_i32_0 = arith.constant 0 : i32
    return %arg0, %c0_i32 : i32, i32
  }
  func.func @transform_1(%arg0: i32) -> (i32, i32) {
    %c0_i32 = arith.constant 0 : i32
    %c0_i32_0 = arith.constant 0 : i32
    %c0_i32_1 = arith.constant 0 : i32
    return %c0_i32, %c0_i32_0 : i32, i32
  }
  func.func @transform_2(%arg0: i32) -> (i32, i32) {
    %c0_i32 = arith.constant 0 : i32
    %c0_i32_0 = arith.constant 0 : i32
    return %arg0, %c0_i32 : i32, i32
  }
}

module attributes {stable_mosaic.version = 14 : i64} {
  func.func @_gru_body(%arg0: i32, %arg1: memref<2x2000x128xf32, #tpu.memory_space<vmem>>, %arg2: memref<2000x128xf32, #tpu.memory_space<vmem>>, %arg3: memref<2000x128xf32, #tpu.memory_space<vmem>>, %arg4: memref<128x384xf32, #tpu.memory_space<vmem>>, %arg5: memref<128x384xf32, #tpu.memory_space<vmem>>, %arg6: memref<1x384xf32, #tpu.memory_space<vmem>>, %arg7: memref<1x384xf32, #tpu.memory_space<vmem>>, %arg8: memref<2000x128xf32, #tpu.memory_space<vmem>>, %arg9: memref<2000x128xf32, #tpu.memory_space<vmem>>) attributes {dimension_semantics = [#tpu.dimension_semantics<arbitrary>], iteration_bounds = array<i64: 5>, scalar_prefetch = 0 : i64, scratch_operands = 0 : i64, tpu.core_type = #tpu.core_type<tc>, window_params = [{transform_indices = @transform_0, window_bounds = array<i64: 2, 2000, 128>}, {transform_indices = @transform_1, window_bounds = array<i64: 2000, 128>}, {transform_indices = @transform_2, window_bounds = array<i64: 2000, 128>}, {pipeline_mode = #tpu.pipeline_mode<synchronous>, transform_indices = @transform_3, window_bounds = array<i64: 128, 384>}, {pipeline_mode = #tpu.pipeline_mode<synchronous>, transform_indices = @transform_4, window_bounds = array<i64: 128, 384>}, {pipeline_mode = #tpu.pipeline_mode<synchronous>, transform_indices = @transform_5, window_bounds = array<i64: 1, 384>}, {pipeline_mode = #tpu.pipeline_mode<synchronous>, transform_indices = @transform_6, window_bounds = array<i64: 1, 384>}, {transform_indices = @transform_7, window_bounds = array<i64: 2000, 128>}, {transform_indices = @transform_8, window_bounds = array<i64: 2000, 128>}]} {
    %get3A = arith.constant 0 : index
    %get3A_0 = arith.constant 0 : index
    %get3A_1 = arith.constant 0 : index
    %get3A_2 = vector.load %arg1[%get3A, %get3A_0, %get3A_1] : memref<2x2000x128xf32, #tpu.memory_space<vmem>>, vector<1x2000x128xf32>
    %get3A_3 = vector.shape_cast %get3A_2 : vector<1x2000x128xf32> to vector<2000x128xf32>
    %get3A_4 = arith.constant 1 : index
    %get3A_5 = arith.constant 0 : index
    %get3A_6 = arith.constant 0 : index
    %get3A_7 = vector.load %arg1[%get3A_4, %get3A_5, %get3A_6] : memref<2x2000x128xf32, #tpu.memory_space<vmem>>, vector<1x2000x128xf32>
    %get3A_8 = vector.shape_cast %get3A_7 : vector<1x2000x128xf32> to vector<2000x128xf32>
    %add3A = arith.addf %get3A_3, %get3A_8 : vector<2000x128xf32>
    %get3A_9 = arith.constant 0 : index
    %get3A_10 = arith.constant 0 : index
    %get3A_11 = vector.load %arg2[%get3A_9, %get3A_10] : memref<2000x128xf32, #tpu.memory_space<vmem>>, vector<2000x128xf32>
    %get3A_12 = arith.constant 0 : index
    %get3A_13 = arith.constant 0 : index
    %get3A_14 = vector.load %arg4[%get3A_12, %get3A_13] : memref<128x384xf32, #tpu.memory_space<vmem>>, vector<128x384xf32>
    %dot_general3A = arith.constant dense<0.000000e+00> : vector<2000x384xf32>
    %dot_general3A_15 = tpu.matmul %add3A, %get3A_14, %dot_general3A {dimension_numbers = #tpu.dot_dimension_numbers<[1], [0], [0], [1], [0, 0, 1, 1], [], []>, transpose_lhs_hint = false} : vector<2000x128xf32>, vector<128x384xf32>, vector<2000x384xf32> -> vector<2000x384xf32>
    %get3A_16 = arith.constant 0 : index
    %get3A_17 = arith.constant 0 : index
    %get3A_18 = vector.load %arg6[%get3A_16, %get3A_17] : memref<1x384xf32, #tpu.memory_space<vmem>>, vector<1x384xf32>
    %add3A_19 = vector.broadcast %get3A_18 : vector<1x384xf32> to vector<2000x384xf32>
    %add3A_20 = arith.addf %dot_general3A_15, %add3A_19 : vector<2000x384xf32>
    %get3A_21 = arith.constant 0 : index
    %get3A_22 = arith.constant 0 : index
    %get3A_23 = vector.load %arg5[%get3A_21, %get3A_22] : memref<128x384xf32, #tpu.memory_space<vmem>>, vector<128x384xf32>
    %dot_general3A_24 = arith.constant dense<0.000000e+00> : vector<2000x384xf32>
    %dot_general3A_25 = tpu.matmul %get3A_11, %get3A_23, %dot_general3A_24 {dimension_numbers = #tpu.dot_dimension_numbers<[1], [0], [0], [1], [0, 0, 1, 1], [], []>, transpose_lhs_hint = false} : vector<2000x128xf32>, vector<128x384xf32>, vector<2000x384xf32> -> vector<2000x384xf32>
    %get3A_26 = arith.constant 0 : index
    %get3A_27 = arith.constant 0 : index
    %get3A_28 = vector.load %arg7[%get3A_26, %get3A_27] : memref<1x384xf32, #tpu.memory_space<vmem>>, vector<1x384xf32>
    %add3A_29 = vector.broadcast %get3A_28 : vector<1x384xf32> to vector<2000x384xf32>
    %add3A_30 = arith.addf %dot_general3A_25, %add3A_29 : vector<2000x384xf32>
    %slice3A = vector.extract_strided_slice %add3A_20 {offsets = [0, 0], sizes = [2000, 128], strides = [1, 1]} : vector<2000x384xf32> to vector<2000x128xf32>
    %slice3A_31 = vector.extract_strided_slice %add3A_30 {offsets = [0, 0], sizes = [2000, 128], strides = [1, 1]} : vector<2000x384xf32> to vector<2000x128xf32>
    %add3A_32 = arith.addf %slice3A, %slice3A_31 : vector<2000x128xf32>
    %logistic3A = arith.negf %add3A_32 : vector<2000x128xf32>
    %logistic3A_33 = math.exp %logistic3A : vector<2000x128xf32>
    %logistic3A_34 = arith.constant 1.000000e+00 : f32
    %logistic3A_35 = vector.broadcast %logistic3A_34 : f32 to vector<2000x128xf32>
    %logistic3A_36 = arith.addf %logistic3A_35, %logistic3A_33 : vector<2000x128xf32>
    %logistic3A_37 = arith.divf %logistic3A_35, %logistic3A_36 : vector<2000x128xf32>
    %slice3A_38 = vector.extract_strided_slice %add3A_20 {offsets = [0, 128], sizes = [2000, 128], strides = [1, 1]} : vector<2000x384xf32> to vector<2000x128xf32>
    %slice3A_39 = vector.extract_strided_slice %add3A_30 {offsets = [0, 128], sizes = [2000, 128], strides = [1, 1]} : vector<2000x384xf32> to vector<2000x128xf32>
    %add3A_40 = arith.addf %slice3A_38, %slice3A_39 : vector<2000x128xf32>
    %logistic3A_41 = arith.negf %add3A_40 : vector<2000x128xf32>
    %logistic3A_42 = math.exp %logistic3A_41 : vector<2000x128xf32>
    %logistic3A_43 = arith.constant 1.000000e+00 : f32
    %logistic3A_44 = vector.broadcast %logistic3A_43 : f32 to vector<2000x128xf32>
    %logistic3A_45 = arith.addf %logistic3A_44, %logistic3A_42 : vector<2000x128xf32>
    %logistic3A_46 = arith.divf %logistic3A_44, %logistic3A_45 : vector<2000x128xf32>
    %slice3A_47 = vector.extract_strided_slice %add3A_20 {offsets = [0, 256], sizes = [2000, 128], strides = [1, 1]} : vector<2000x384xf32> to vector<2000x128xf32>
    %slice3A_48 = vector.extract_strided_slice %add3A_30 {offsets = [0, 256], sizes = [2000, 128], strides = [1, 1]} : vector<2000x384xf32> to vector<2000x128xf32>
    %mul3A = arith.mulf %logistic3A_37, %slice3A_48 : vector<2000x128xf32>
    %add3A_49 = arith.addf %slice3A_47, %mul3A : vector<2000x128xf32>
    %tanh3A = math.tanh %add3A_49 : vector<2000x128xf32>
    %sub3A = arith.constant 1.000000e+00 : f32
    %sub3A_50 = vector.broadcast %sub3A : f32 to vector<2000x128xf32>
    %sub3A_51 = arith.subf %sub3A_50, %logistic3A_46 : vector<2000x128xf32>
    %mul3A_52 = arith.mulf %sub3A_51, %tanh3A : vector<2000x128xf32>
    %mul3A_53 = arith.mulf %logistic3A_46, %get3A_11 : vector<2000x128xf32>
    %add3A_54 = arith.addf %mul3A_52, %mul3A_53 : vector<2000x128xf32>
    %mul3A_55 = arith.mulf %add3A_54, %add3A_54 : vector<2000x128xf32>
    %reduce_sum3A = arith.constant dense<0.000000e+00> : vector<2000xf32>
    %reduce_sum3A_56 = vector.multi_reduction <add>, %mul3A_55, %reduce_sum3A [1] : vector<2000x128xf32> to vector<2000xf32>
    %broadcast_in_dim3A = vector.shape_cast %reduce_sum3A_56 : vector<2000xf32> to vector<2000x1xf32>
    %sqrt3A = math.sqrt %broadcast_in_dim3A : vector<2000x1xf32>
    %max3A = arith.constant 9.99999996E-13 : f32
    %max3A_57 = vector.broadcast %max3A : f32 to vector<2000x1xf32>
    %max3A_58 = arith.maximumf %sqrt3A, %max3A_57 : vector<2000x1xf32>
    %div3A = vector.broadcast %max3A_58 : vector<2000x1xf32> to vector<2000x128xf32>
    %div3A_59 = arith.divf %add3A_54, %div3A : vector<2000x128xf32>
    %swap3A = arith.constant 0 : index
    %swap3A_60 = arith.constant 0 : index
    %swap3A_61 = vector.load %arg8[%swap3A, %swap3A_60] : memref<2000x128xf32, #tpu.memory_space<vmem>>, vector<2000x128xf32>
    tpu.vector_store %arg8[%swap3A, %swap3A_60], %div3A_59 {strides = array<i32>} : memref<2000x128xf32, #tpu.memory_space<vmem>>, vector<2000x128xf32>,
    %get3A_62 = arith.constant 0 : index
    %get3A_63 = arith.constant 0 : index
    %get3A_64 = vector.load %arg3[%get3A_62, %get3A_63] : memref<2000x128xf32, #tpu.memory_space<vmem>>, vector<2000x128xf32>
    %max3A_65 = arith.maximumf %get3A_64, %div3A_59 : vector<2000x128xf32>
    %swap3A_66 = arith.constant 0 : index
    %swap3A_67 = arith.constant 0 : index
    %swap3A_68 = vector.load %arg9[%swap3A_66, %swap3A_67] : memref<2000x128xf32, #tpu.memory_space<vmem>>, vector<2000x128xf32>
    tpu.vector_store %arg9[%swap3A_66, %swap3A_67], %max3A_65 {strides = array<i32>} : memref<2000x128xf32, #tpu.memory_space<vmem>>, vector<2000x128xf32>,
    return
  }
  func.func @transform_0(%arg0: i32) -> (i32, i32, i32) {
    %c0_i32 = arith.constant 0 : i32
    %c0_i32_0 = arith.constant 0 : i32
    %c0_i32_1 = arith.constant 0 : i32
    return %c0_i32, %arg0, %c0_i32_0 : i32, i32, i32
  }
  func.func @transform_1(%arg0: i32) -> (i32, i32) {
    %c0_i32 = arith.constant 0 : i32
    %c0_i32_0 = arith.constant 0 : i32
    return %arg0, %c0_i32 : i32, i32
  }
  func.func @transform_2(%arg0: i32) -> (i32, i32) {
    %c0_i32 = arith.constant 0 : i32
    %c0_i32_0 = arith.constant 0 : i32
    return %arg0, %c0_i32 : i32, i32
  }
  func.func @transform_3(%arg0: i32) -> (i32, i32) {
    %c0_i32 = arith.constant 0 : i32
    %c0_i32_0 = arith.constant 0 : i32
    %c0_i32_1 = arith.constant 0 : i32
    return %c0_i32, %c0_i32_0 : i32, i32
  }
  func.func @transform_4(%arg0: i32) -> (i32, i32) {
    %c0_i32 = arith.constant 0 : i32
    %c0_i32_0 = arith.constant 0 : i32
    %c0_i32_1 = arith.constant 0 : i32
    return %c0_i32, %c0_i32_0 : i32, i32
  }
  func.func @transform_5(%arg0: i32) -> (i32, i32) {
    %c0_i32 = arith.constant 0 : i32
    %c0_i32_0 = arith.constant 0 : i32
    %c0_i32_1 = arith.constant 0 : i32
    return %c0_i32, %c0_i32_0 : i32, i32
  }
  func.func @transform_6(%arg0: i32) -> (i32, i32) {
    %c0_i32 = arith.constant 0 : i32
    %c0_i32_0 = arith.constant 0 : i32
    %c0_i32_1 = arith.constant 0 : i32
    return %c0_i32, %c0_i32_0 : i32, i32
  }
  func.func @transform_7(%arg0: i32) -> (i32, i32) {
    %c0_i32 = arith.constant 0 : i32
    %c0_i32_0 = arith.constant 0 : i32
    return %arg0, %c0_i32 : i32, i32
  }
  func.func @transform_8(%arg0: i32) -> (i32, i32) {
    %c0_i32 = arith.constant 0 : i32
    %c0_i32_0 = arith.constant 0 : i32
    return %arg0, %c0_i32 : i32, i32
  }
}

module attributes {stable_mosaic.version = 14 : i64} {
  func.func @_decode_body(%arg0: i32, %arg1: memref<2000x128xf32, #tpu.memory_space<vmem>>, %arg2: memref<128x64xf32, #tpu.memory_space<vmem>>, %arg3: memref<1x64xf32, #tpu.memory_space<vmem>>, %arg4: memref<1x1x2000xf32, #tpu.memory_space<vmem>>) attributes {dimension_semantics = [#tpu.dimension_semantics<arbitrary>], iteration_bounds = array<i64: 5>, scalar_prefetch = 0 : i64, scratch_operands = 0 : i64, tpu.core_type = #tpu.core_type<tc>, window_params = [{transform_indices = @transform_0, window_bounds = array<i64: 2000, 128>}, {pipeline_mode = #tpu.pipeline_mode<synchronous>, transform_indices = @transform_1, window_bounds = array<i64: 128, 64>}, {pipeline_mode = #tpu.pipeline_mode<synchronous>, transform_indices = @transform_2, window_bounds = array<i64: 1, 64>}, {transform_indices = @transform_3, window_bounds = array<i64: 1, 1, 2000>}]} {
    %get3A = arith.constant 0 : index
    %get3A_0 = arith.constant 0 : index
    %get3A_1 = vector.load %arg1[%get3A, %get3A_0] : memref<2000x128xf32, #tpu.memory_space<vmem>>, vector<2000x128xf32>
    %get3A_2 = arith.constant 0 : index
    %get3A_3 = arith.constant 0 : index
    %get3A_4 = vector.load %arg2[%get3A_2, %get3A_3] : memref<128x64xf32, #tpu.memory_space<vmem>>, vector<128x64xf32>
    %dot_general3A = arith.constant dense<0.000000e+00> : vector<2000x64xf32>
    %dot_general3A_5 = tpu.matmul %get3A_1, %get3A_4, %dot_general3A {dimension_numbers = #tpu.dot_dimension_numbers<[1], [0], [0], [1], [0, 0, 1, 1], [], []>, transpose_lhs_hint = false} : vector<2000x128xf32>, vector<128x64xf32>, vector<2000x64xf32> -> vector<2000x64xf32>
    %max3A = arith.constant 0.000000e+00 : f32
    %max3A_6 = vector.broadcast %max3A : f32 to vector<2000x64xf32>
    %max3A_7 = arith.maximumf %dot_general3A_5, %max3A_6 : vector<2000x64xf32>
    %get3A_8 = arith.constant 0 : index
    %get3A_9 = arith.constant 0 : index
    %get3A_10 = vector.load %arg3[%get3A_8, %get3A_9] : memref<1x64xf32, #tpu.memory_space<vmem>>, vector<1x64xf32>
    %mul3A = vector.broadcast %get3A_10 : vector<1x64xf32> to vector<2000x64xf32>
    %mul3A_11 = arith.mulf %max3A_7, %mul3A : vector<2000x64xf32>
    %reduce_sum3A = arith.constant dense<0.000000e+00> : vector<2000xf32>
    %reduce_sum3A_12 = vector.multi_reduction <add>, %mul3A_11, %reduce_sum3A [1] : vector<2000x64xf32> to vector<2000xf32>
    %reshape3A = vector.shape_cast %reduce_sum3A_12 : vector<2000xf32> to vector<1x1x2000xf32>
    %swap3A = arith.constant 0 : index
    %swap3A_13 = arith.constant 0 : index
    %swap3A_14 = arith.constant 0 : index
    %swap3A_15 = vector.load %arg4[%swap3A, %swap3A_13, %swap3A_14] : memref<1x1x2000xf32, #tpu.memory_space<vmem>>, vector<1x1x2000xf32>
    tpu.vector_store %arg4[%swap3A, %swap3A_13, %swap3A_14], %reshape3A {strides = array<i32>} : memref<1x1x2000xf32, #tpu.memory_space<vmem>>, vector<1x1x2000xf32>,
    return
  }
  func.func @transform_0(%arg0: i32) -> (i32, i32) {
    %c0_i32 = arith.constant 0 : i32
    %c0_i32_0 = arith.constant 0 : i32
    return %arg0, %c0_i32 : i32, i32
  }
  func.func @transform_1(%arg0: i32) -> (i32, i32) {
    %c0_i32 = arith.constant 0 : i32
    %c0_i32_0 = arith.constant 0 : i32
    %c0_i32_1 = arith.constant 0 : i32
    return %c0_i32, %c0_i32_0 : i32, i32
  }
  func.func @transform_2(%arg0: i32) -> (i32, i32) {
    %c0_i32 = arith.constant 0 : i32
    %c0_i32_0 = arith.constant 0 : i32
    %c0_i32_1 = arith.constant 0 : i32
    return %c0_i32, %c0_i32_0 : i32, i32
  }
  func.func @transform_3(%arg0: i32) -> (i32, i32, i32) {
    %c0_i32 = arith.constant 0 : i32
    %c0_i32_0 = arith.constant 0 : i32
    %c0_i32_1 = arith.constant 0 : i32
    return %arg0, %c0_i32, %c0_i32_0 : i32, i32, i32
  }
}

</mosaic_0001>

<sc_bundles>
// kernel: closed_call.13.cloned.1.call-start
scs
__scs_entry_jumppad:
0x0: {  	(pc) =	sbr.rel $0x88, $3  }
0x1: {  	(tag) =	ssettag $0x0;
	lr =	simm.s32 $0x1  }
0x2: {  	[smem:$0x3F97] =	sst lr;
	_ =	strace $0xD0000000  }
0x3: {  	_ = 	snop  }
0x4: {  	_ = 	snop  }
0x5: {  	_ = 	snop  }
0x6: {  	_ = 	snop  }
0x7: {  	_ = 	snop  }
__scs_overlays_trampoline_lowered:
0x8: {  	[smem:$0x3FA6] =	sst s0  }
0x9: {  	[smem:$0x3FA7] =	sst s1  }
0xa: {  	[smem:$0x3FA8] =	sst s2  }
0xb: {  	[smem:$0x3FA9] =	sst s3  }
0xc: {  	[smem:$0x3FAA] =	sst s4  }
0xd: {  	[smem:$0x3FAB] =	sst s5  }
0xe: {  	[smem:$0x3FAC] =	sst s6  }
0xf: {  	[smem:$0x3FAD] =	sst s7  }
0x10: {  	[smem:$0x3FAE] =	sst s8  }
0x11: {  	[smem:$0x3FAF] =	sst s9;
	s0 =	simm.s32 @!p0 $0x0  }
0x12: {  	s1 =	sld [smem:$0x3F95];
	s0 =	simm.s32 @p0 $0x1  }
0x13: {  	[smem:$0x3FB0] =	sst s0;
	s0 =	simm.s32 @!p1 $0x0  }
0x14: {  	s2 =	sld [smem:$0x3F94];
	s0 =	simm.s32 @p1 $0x1  }
0x15: {  	[smem:$0x3FB1] =	sst s0;
	s0 =	simm.s32 @!p2 $0x0  }
0x16: {  	s3 =	sld [smem:$0x3FDB];
	s0 =	simm.s32 @p2 $0x1  }
0x17: {  	s4 =	simm.s32 $0x1BF5;
	[smem:$0x3FB3] =	sst s0  }
0x18: {  	s0 =	sld [smem:$0x3F96];
	_ =	swait.ge [sflag:s4], $0x0  }
0x19: {  	s7 =	sld [smem:$0x3F97]  }
0x1a: {  	s8 =	sadd.s32 $0xFFFFE003, lr  }
0x1b: {  	s9 =	sadd.s32 $0xFFFFFEF7, lr;
	s5 =	simm.s32 $0xFFFFFFFF;
	p2 =	slt.u32 s8, $0xFFFFF086  }
0x1c: {  	p1 =	slt.u32 s9, $0xF7A;
	s5 =	simm.s32 @!p2 $0x0  }
0x1d: {  	s5 =	simm.s32 @p1 $0x1;
	p0 =	seq.s32 s7, s2  }
0x1e: {  	s7 =	smul.u32 @!p0 $0xF7A, s2;
	p2 =	seq.s32 @!p0 s5, $0x0  }
0x1f: {  	s9 =	smul.u32 $0xF7A, s1;
	s8 =	simm.s32 @!p0 $0x1BF5;
	p2 =	por !p2, p0  }
0x20: {  	[sflag:s8] =	ssyncset.s32 @!p0 $0xFFFFF086;
	s6 =	sadd.s32 @!p0 s3, s7;
	s7 =	simm.s32 @!p0 $0x108  }
0x21: {  	s3 =	sadd.s32 s3, s9;
	s6 =	sadd.s32 @!p0 $0x88, s6;
	s7 =	simm.s32 @p2 $0x1082  }
0x22: {  	[simem:s7], [sflag:s8] =	dma.local @!p0 [hbm:s6], $0xF7A  }
0x23: {  	s9 =	sor.u32 $0xD0000000, s2;
	s6 =	simm.s32 $0x108;
	_ =	swait.ge @!p0 [sflag:s8], $0x0  }
0x24: {  	s3 =	sadd.s32 $0x88, s3;
	s6 =	simm.s32 @!p1 $0x1082;
	[sflag:s4] =	ssyncset.s32 $0xFFFFF086  }
0x25: {  	[simem:s6], [sflag:s4] =	dma.local [hbm:s3], $0xF7A  }
0x26: {  	[smem:$0x3F97] =	sst s1;
	(tag) =	ssettag s2;
	_ =	strace s9  }
0x27: {  	s1 =	sld [smem:$0x3FA7]  }
0x28: {  	s2 =	sld [smem:$0x3FA8]  }
0x29: {  	s4 =	sld [smem:$0x3FAA]  }
0x2a: {  	p0 =	seq.s32 s5, $0x0;
	s5 =	sld [smem:$0x3FAB]  }
0x2b: {  	s6 =	sld [smem:$0x3FAC]  }
0x2c: {  	s7 =	sld [smem:$0x3FAD]  }
0x2d: {  	s3 =	simm.s32 $0x108;
	s8 =	sld [smem:$0x3FAE]  }
0x2e: {  	s3 =	simm.s32 @!p0 $0x1082;
	s9 =	sld [smem:$0x3FAF]  }
0x2f: {  	lr =	sadd.s32 s0, s3;
	s0 =	sld [smem:$0x3FA6]  }
0x30: {  	s3 =	sld [smem:$0x3FA9]  }
0x31: {  	[smem:$0x3FB2] =	sst s10  }
0x32: {  	s10 =	sld [smem:$0x3FB0];
	_ =	sdelay $0x3  }
0x33: {  	p0 =	seq.s32 s10, $0x1;
	s10 =	sld [smem:$0x3FB2];
	_ =	sdelay $0x3  }
0x34: {  	[smem:$0x3FB2] =	sst s10  }
0x35: {  	s10 =	sld [smem:$0x3FB1];
	_ =	sdelay $0x3  }
0x36: {  	p1 =	seq.s32 s10, $0x1;
	s10 =	sld [smem:$0x3FB2];
	_ =	sdelay $0x3  }
0x37: {  	[smem:$0x3FB2] =	sst s10  }
0x38: {  	s10 =	sld [smem:$0x3FB3]  }
0x39: {  	_ = 	snop;
	(pc) =	sbr.ind lr, $3  }
0x3a: {  	_ = 	snop  }
0x3b: {  	_ = 	snop  }
0x3c: {  	p2 =	seq.s32 s10, $0x1;
	s10 =	sld [smem:$0x3FB2]  }
0x3d: {  	_ =	shalt  }
0x3e: {  	_ =	shalt  }
0x3f: {  	_ =	shalt  }
0x40: {  	_ =	shalt  }
0x41: {  	_ =	shalt  }
0x42: {  	_ =	shalt  }
0x43: {  	_ =	shalt  }
0x44: {  	_ =	shalt  }
0x45: {  	_ =	shalt  }
0x46: {  	_ =	shalt  }
0x47: {  	_ =	shalt  }
0x48: {  	_ =	shalt  }
0x49: {  	_ =	shalt  }
0x4a: {  	_ =	shalt  }
0x4b: {  	_ =	shalt  }
0x4c: {  	_ =	shalt  }
0x4d: {  	_ =	shalt  }
0x4e: {  	_ =	shalt  }
0x4f: {  	_ =	shalt  }
0x50: {  	_ =	shalt  }
0x51: {  	_ =	shalt  }
0x52: {  	_ =	shalt  }
0x53: {  	_ =	shalt  }
0x54: {  	_ =	shalt  }
0x55: {  	_ =	shalt  }
0x56: {  	_ =	shalt  }
0x57: {  	_ =	shalt  }
0x58: {  	_ =	shalt  }
0x59: {  	_ =	shalt  }
0x5a: {  	_ =	shalt  }
0x5b: {  	_ =	shalt  }
0x5c: {  	_ =	shalt  }
0x5d: {  	_ =	shalt  }
0x5e: {  	_ =	shalt  }
0x5f: {  	_ =	shalt  }
0x60: {  	_ =	shalt  }
0x61: {  	_ =	shalt  }
0x62: {  	_ =	shalt  }
0x63: {  	_ =	shalt  }
0x64: {  	_ =	shalt  }
0x65: {  	_ =	shalt  }
0x66: {  	_ =	shalt  }
0x67: {  	_ =	shalt  }
0x68: {  	_ =	shalt  }
0x69: {  	_ =	shalt  }
0x6a: {  	_ =	shalt  }
0x6b: {  	_ =	shalt  }
0x6c: {  	_ =	shalt  }
0x6d: {  	_ =	shalt  }
0x6e: {  	_ =	shalt  }
0x6f: {  	_ =	shalt  }
0x70: {  	_ =	shalt  }
0x71: {  	_ =	shalt  }
0x72: {  	_ =	shalt  }
0x73: {  	_ =	shalt  }
0x74: {  	_ =	shalt  }
0x75: {  	_ =	shalt  }
0x76: {  	_ =	shalt  }
0x77: {  	_ =	shalt  }
0x78: {  	_ =	shalt  }
0x79: {  	_ =	shalt  }
0x7a: {  	_ =	shalt  }
0x7b: {  	_ =	shalt  }
0x7c: {  	_ =	shalt  }
0x7d: {  	_ =	shalt  }
0x7e: {  	_ =	shalt  }
0x7f: {  	_ =	shalt  }
0x80: {  	_ =	shalt  }
0x81: {  	_ =	shalt  }
0x82: {  	_ =	shalt  }
0x83: {  	_ =	shalt  }
0x84: {  	_ =	shalt  }
0x85: {  	_ =	shalt  }
0x86: {  	_ =	shalt  }
0x87: {  	_ =	shalt  }
.Lfunc_end0:
.L_simem_size_0:
called_computation_lowered:
.L_overlay_start_0:
0x88: {  	s2 =	sld [smem:$0x3FD9]  }
0x89: {  	s3 =	sld [smem:$0x3FFE];
	_ =	sdelay $0x1  }
0x8a: {  	s1 =	srdreg.scid  }
0x8b: {  	s0 =	sand.u32 $0x1, s1  }
0x8c: {  	s16 =	sshll.u32 s0, $0xA;
	s2 =	sadd.s32 s3, s2  }
0x8d: {  	s2 =	sadd.s32 s2, s16  }
0x8e: {  	[smem:$0x3FBE] =	sst s2  }
0x8f: {  	_ = 	snop  }
0x90: {  	(tm) =	ssettm $0x1  }
0x91: {  	s17 =	sld [smem:$0x3FFB];
	_ =	sdelay $0x3  }
0x92: {  	_ =	strace s17  }
0x93: {  	s2 =	sld [smem:$0x3FFC];
	_ =	sdelay $0x3  }
0x94: {  	_ =	strace s2  }
0x95: {  	s2 =	sld [smem:$0x3FFD];
	_ =	sdelay $0x3  }
0x96: {  	_ =	strace s2  }
0x97: {  	_ =	strace $0x8FFFFFFF  }
0x98: {  	s18 =	sld [smem:$0x3FDB];
	_ =	sdelay $0x1  }
0x99: {  	s19 =	simm.s32 $_scs_section_size  }
0x9a: {  	s4 =	simm.s32 $_size__tile_overlayer_lowered;
	s5 =	simm.s32 $_tile_overlayer_lowered  }
0x9b: {  	s22 =	simm.s32 $0x1BFF;
	s21 =	sshll.u32 s5, $0x1;
	s2 =	sadd.s32 s19, s18  }
0x9c: {  	s6 =	simm.s32 $0x0;
	s20 =	sshll.u32 s4, $0x1;
	s4 =	sadd.s32 s21, s2  }
0x9d: {  	[timem:s6], [sflag:s22] =	dma.local [hbm:s4], s20  }
0x9e: {  	_ =	swait.ge [sflag:s22], s20  }
0x9f: {  	s3 =	ssub.s32 $0x0, s20;
	[sflag:s22] =	ssyncset.done $0x0  }
0xa0: {  	[sflag:s22] =	ssyncadd.s32 s3;
	_ =	sdelay $0x1  }
0xa1: {  	s23 =	simm.s32 $0x1B8B  }
0xa2: {  	_ =	swait.ge [sflag:s23], $0x1  }
0xa3: {  	[sflag:s23] =	ssyncset.done $0x0  }
0xa4: {  	s25 =	simm.s32 $0x1B8E;
	s24 =	sld [smem:$0x3FFE];
	[sflag:s23] =	ssyncadd.s32 $0xFFFFFFFF  }
0xa5: {  	s26 =	simm.s32 $execute0_lowered;
	[smem:$0x3FD2] =	sst s25  }
0xa6: {  	s4 =	sshll.u32 s26, $0x1;
	_ =	strace $0x80000046;
	[dreg:$0x1] =	wrdreg $0xFFFFFFFF  }
0xa7: {  	s28 =	simm.s32 $_size_execute0_lowered;
	s2 =	sadd.s32 s2, s4;
	[dreg:$0x0] =	wrdreg $0x0  }
0xa8: {  	s4 =	sshll.u32 s28, $0x1;
	[dreg:$0x2] =	wrdreg s2  }
0xa9: {  	[dreg:$0x3] =	wrdreg s4  }
0xaa: {  	[dreg:$0x4] =	wrdreg $0xC0  }
0xab: {  	_ =	task [dreg:s6], $0x5FFFF  }
0xac: {  	[dreg:$0x1] =	wrdreg $0xFFFFFFFF  }
0xad: {  	[dreg:$0x0] =	wrdreg $0x60  }
0xae: {  	[dreg:$0x2] =	wrdreg s24  }
0xaf: {  	[dreg:$0x3] =	wrdreg $0xC0000  }
0xb0: {  	[dreg:$0x4] =	wrdreg $0x9  }
0xb1: {  	_ =	task.clear_ibuf [dreg:s6], $0x5FFFF;
	_ =	strace $0x90000046  }
0xb2: {  	s29 =	simm.s32 $0x9;
	_ =	strace $0x80000048  }
0xb3: {  	_ =	swait.ge [sflag:s29], $0x1  }
0xb4: {  	[sflag:s29] =	ssyncadd.s32 $0xFFFFFFFF  }
0xb5: {  	_ =	strace $0x90000048  }
0xb6: {  	_ =	sfence  }
0xb7: {  	s30 =	sld [smem:$0x0];
	_ =	sdelay $0x2  }
0xb8: {  	s31 =	sshll.u32 s1, $0xD;
	s1 =	sshrl.u32 s1, $0x2  }
0xb9: {  	s3 =	sand.u32 $0x4000, s31;
	s1 =	sadd.s32 s1, s30  }
0xba: {  	s0 =	sor.u32 s3, s0;
	s1 =	sshll.u32 s1, $0x11  }
0xbb: {  	s0 =	sor.u32 s1, s0  }
0xbc: {  	s0 =	sadd.s32 $0x8F2B, s0  }
0xbd: {  	[sflag:s0] =	ssyncadd.remote.s32 $0x1  }
0xbe: {  	_ =	sfence.sel $0xFFFF  }
0xbf: {  	[dreg:$0x0] =	wrdreg $0xFFFFFFFF;
	(pc) =	sbr.abs _section_cstart, $3  }
0xc0: {  	[dreg:$0x1] =	wrdreg $0xFFFFFFFF  }
0xc1: {  	_ =	task.clear_ibuf [dreg:s6], $0x2FFFF;
	_ =	strace $0x9FFFFFFF  }
0xc2: {  	(tm) =	ssettm $0x7FFFFFFF  }
0xc3: {  	_ =	shalt  }
tec
execute0_lowered:
.L_overlay_start_1:
0x0: {  	(tag) =	ssettag $0x1  }
0x1: {  	s0 =	rddreg [dreg:$0x0]  }
0x2: {  	s2 =	rddreg [dreg:$0x1];
	s3 =	simm.s32 $0x0  }
0x3: {  	s13 =	stileid.u32;
	s6 =	srdreg.scid;
	s28 =	simm.s32 $0x400  }
0x4: {  	s29 =	simm.s32 $0x600;
	s30 =	simm.s32 $0x800;
	s31 =	simm.s32 $0xB  }
0x5: {  	[smem:$0x7FF] =	sst s3;
	s1 =	smul.u32 $0x13800, s13;
	s4 =	sadd.s32 $0x53200, s0  }
0x6: {  	s5 =	sadd.s32 $0x29200, s0;
	s6 =	sand.u32 $0x1, s6;
	s9 =	smul.u32 $0x4E000, s13  }
0x7: {  	s10 =	sadd.s32 $0xA1600, s0;
	s15 =	sadd.s32 $0x138000, s2;
	p0 =	sne.s32 s13, $0xF  }
0x8: {  	_ =	strace $0x80000047;
	s8 =	sshll.u32 s6, $0x4;
	s11 =	ssub.s32 $0x2, s6  }
0x9: {  	[dreg:$0x6] =	wrdreg s15;
	s21 =	smul.u32 $0x138800, s6;
	s6 =	simm.s32 $0x2  }
0xa: {  	s15 =	simm.s32 $0x8;
	s7 =	sshrl.u32 s1, $0x3;
	s8 =	sor.u32 s13, s8  }
0xb: {  	s12 =	sshrl.u32 s11, $0x1;
	s9 =	sshrl.u32 s9, $0x2;
	s7 =	sadd.s32 s7, s0  }
0xc: {  	s8 =	smul.u32 $0xA800, s8;
	s11 =	ssub.s32 s11, s12;
	s9 =	sadd.s32 s9, s2  }
0xd: {  	s12 =	sshll.u32 s13, $0x6;
	s0 =	sadd.s32 $0xA1400, s0;
	[dreg:$0x3] =	wrdreg s9  }
0xe: {  	s1 =	sadd.s32 s1, s21;
	s7 =	sadd.s32 $0x7A400, s7;
	[dreg:$0x7] =	wrdreg s0  }
0xf: {  	s13 =	simm.s32 $0x3;
	s26 =	smax.u32 s11, $0x1;
	[dreg:$0x4] =	wrdreg s7  }
0x10: {  	s17 =	sor.u32 $0x1C0D, s12;
	s1 =	sshrl.u32 s1, $0x3;
	[dreg:$0x14] =	wrdreg s26  }
0x11: {  	s9 =	simm.s32 $0x7;
	s20 =	sadd.s32 $0xA00, s8;
	[dreg:$0x5] =	wrdreg s17  }
0x12: {  	s12 =	simm.s32 $0xA00;
	s22 =	sadd.s32 $0xC00, s8;
	[dreg:$0xd] =	wrdreg s20  }
0x13: {  	s11 =	simm.s32 $0x9;
	s23 =	sadd.s32 $0xE00, s8;
	[dreg:$0xe] =	wrdreg s22  }
0x14: {  	s14 =	sshrl.u32 s8, $0x3;
	s24 =	sadd.s32 $0x1000, s8;
	[dreg:$0xf] =	wrdreg s23  }
0x15: {  	s25 =	sadd.s32 $0x1400, s8;
	s1 =	sadd.s32 s10, s1;
	[dreg:$0x10] =	wrdreg s24  }
0x16: {  	s26 =	simm.s32 $0x200;
	s16 =	sadd.s32 s5, s14;
	[dreg:$0x11] =	wrdreg s25  }
0x17: {  	s20 =	sadd.s32 $0x1200, s8;
	[dreg:$0x12] =	wrdreg s1;
	s1 =	simm.s32 $0xC00  }
0x18: {  	s14 =	simm.s32 $0x8400;
	s22 =	simm.s32 $0xA;
	s24 =	simm.s32 $0x4  }
0x19: {  	s8 =	simm.s32 $0x5;
	s7 =	sadd.s32 $0x40, s16;
	[dreg:$0x8] =	wrdreg s16  }
0x1a: {  	s25 =	simm.s32 $0x6;
	s18 =	sadd.s32 $0x80, s16;
	[dreg:$0x9] =	wrdreg s7  }
.Ltmp0:
0x1b: {  	s0 =	sadd.s32 $0x100, s16;
	[dreg:$0xa] =	wrdreg s18;
	(pc) =	sbr.rel .LBB2_1-.Ltmp0, $4  }
0x1c: {  	s19 =	sadd.s32 $0xC0, s16;
	[dreg:$0xc] =	wrdreg s0;
	s0 =	sshrl.u32 s21, $0x3  }
0x1d: {  	[dreg:$0xb] =	wrdreg s19;
	s19 =	simm.s32 $0xD;
	s0 =	sadd.s32 s10, s0  }
0x1e: {  	s7 =	simm.s32 $0x4800;
	s21 =	simm.s32 $0x0;
	s0 =	sadd.s32 $0x27000, s0  }
0x1f: {  	s10 =	simm.s32 $0xC;
	[dreg:$0x13] =	wrdreg s0;
	s0 =	simm.s32 $0x78  }
.LBB2_16:
0x20: {  	_ =	swait.ge [sflag:s10], $0x3C00  }
0x21: {  	[sflag:s10] =	ssyncset.done $0x0  }
0x22: {  	[sflag:s10] =	ssyncadd.s32 $0xFFFFC400  }
0x23: {  	[bflag:$0x0] =	sbarrier.arrive $0xFFFF  }
0x24: {  	s17 =	rddreg [dreg:$0x5]  }
0x25: {  	s16 =	rddreg [dreg:$0x12]  }
0x26: {  	s19 =	simm.s32 $0xD;
	s18 =	rddreg [dreg:$0x16]  }
0x27: {  	[hbm:s16], [sflag:s17] =	dma.local [spmem:s18], $0x2700  }
0x28: {  	_ =	swait.ge [sflag:s19], $0x2700  }
0x29: {  	[sflag:s19] =	ssyncset.done $0x0;
	s16 =	rddreg [dreg:$0x13]  }
0x2a: {  	s18 =	rddreg [dreg:$0x17];
	[sflag:s19] =	ssyncadd.s32 $0xFFFFD900  }
0x2b: {  	[hbm:s16], [sflag:s17] =	dma.local @!p0 [spmem:s18], $0x100  }
0x2c: {  	s16 =	simm.s32 @!p0 $0xD  }
0x2d: {  	_ =	swait.ge @!p0 [sflag:s16], $0x100  }
0x2e: {  	s21 =	rddreg [dreg:$0x15]  }
0x2f: {  	s23 =	rddreg [dreg:$0x14];
	s21 =	sadd.s32 $0x1, s21  }
0x30: {  	p1 =	sne.s32 s21, s23  }
.Ltmp1:
0x31: {  	_ = 	snop;
	(pc) =	sbr.rel @!p1 .LBB2_17-.Ltmp1, $3  }
0x32: {  	_ =	sdelay $0x1  }
0x33: {  	[sflag:s16] =	ssyncset.done @!p0 $0x0  }
0x34: {  	[sflag:s16] =	ssyncadd.s32 @!p0 $0xFFFFFF00  }
.LBB2_1:
0x35: {  	[dreg:$0x15] =	wrdreg s21  }
0x36: {  	s16 =	rddreg [dreg:$0x3]  }
0x37: {  	s21 =	rddreg [dreg:$0x4];
	s18 =	sshrl.u32 s16, $0x3  }
0x38: {  	[dreg:$0x16] =	wrdreg s18  }
0x39: {  	[spmem:s18], [sflag:s17] =	dma.local [hbm:s21], $0x2700  }
0x3a: {  	_ =	swait.ge [sflag:s19], $0x2700  }
0x3b: {  	s16 =	rddreg [dreg:$0x6]  }
0x3c: {  	[sflag:s19] =	ssyncset.done $0x0;
	s18 =	sshrl.u32 @!p0 s16, $0x3;
	s16 =	rddreg [dreg:$0x7]  }
0x3d: {  	[sflag:s19] =	ssyncadd.s32 $0xFFFFD900;
	[dreg:$0x17] =	wrdreg s18  }
0x3e: {  	[spmem:s18], [sflag:s17] =	dma.local @!p0 [hbm:s16], $0x100  }
0x3f: {  	s16 =	simm.s32 @!p0 $0xD  }
0x40: {  	_ =	swait.ge @!p0 [sflag:s16], $0x100  }
0x41: {  	[sflag:s16] =	ssyncset.done @!p0 $0x0  }
0x42: {  	[sflag:s16] =	ssyncadd.s32 @!p0 $0xFFFFFF00  }
0x43: {  	[bflag:$0x0] =	sbarrier.arrive $0xFFFF  }
0x44: {  	s23 =	rddreg [dreg:$0x8]  }
0x45: {  	[tilespmem:s3], [sflag:$0x1] =	stream.linear.gather [hbm4b:s23+s3], $0x180, $0x38;
	[tilespmem:$0x1F880] =	vst v63  }
0x46: {  	s17 =	rddreg [dreg:$0x9]  }
0x47: {  	[tilespmem:s26], [sflag:$0x2] =	stream.linear.gather [hbm4b:s17+s3], $0x180, $0x38;
	[tilespmem:$0x1F880] =	vst v63  }
0x48: {  	s18 =	rddreg [dreg:$0xa]  }
0x49: {  	[tilespmem:s28], [sflag:$0x3] =	stream.linear.gather [hbm4b:s18+s3], $0x180, $0x38;
	[tilespmem:$0x1F880] =	vst v63  }
0x4a: {  	s19 =	rddreg [dreg:$0xb]  }
0x4b: {  	[tilespmem:s29], [sflag:$0x4] =	stream.linear.gather [hbm4b:s19+s3], $0x180, $0x38;
	[tilespmem:$0x1F880] =	vst v63  }
0x4c: {  	s21 =	rddreg [dreg:$0xc];
	s23 =	simm.s32 $0x1  }
0x4d: {  	[tilespmem:s30], [sflag:$0x5] =	stream.linear.gather [hbm4b:s21+s3], $0x180, $0x38;
	[tilespmem:$0x1F880] =	vst v63  }
0x4e: {  	_ =	swait.ge [sflag:s23], $0x180  }
0x4f: {  	[sflag:s23] =	ssyncset.done $0x0  }
0x50: {  	[sflag:s23] =	ssyncadd.s32 $0xFFFFFE80  }
0x51: {  	[tilespmem:s1], [sflag:$0x7] =	stream.indirect.gather [hbm4b:s4+s0], $0x80, s3, s0, $0xb8;
	[tilespmem:$0x1F880] =	vst v63  }
0x52: {  	_ =	swait.ge [sflag:s6], $0x180  }
0x53: {  	[sflag:s6] =	ssyncset.done $0x0  }
0x54: {  	s23 =	simm.s32 $0x0;
	[sflag:s6] =	ssyncadd.s32 $0xFFFFFE80  }
0x55: {  	[tilespmem:s7], [sflag:$0x8] =	stream.indirect.gather [hbm4b:s4+s0], $0x80, s26, s0, $0xb8;
	[tilespmem:$0x1F880] =	vst v63  }
.LBB2_2:
0x56: {  	s16 =	simm.s32 $0x0  }
0x57: {  	v0 =	vmov s16  }
0x58: {  	v0 =	vand.u32 $0x7E, v0  }
0x59: {  	v0 =	vor.u32 $0x100, v0  }
0x5a: {  	v2 =	vbroadcast v0, $0x0;
	_ =	sdelay $0x1  }
0x5b: {  	_ =	swait.ge [sflag:s9], $0x3C00  }
0x5c: {  	[sflag:s9] =	ssyncset.done $0x0  }
0x5d: {  	s21 =	simm.s32 $0xC80;
	[sflag:s9] =	ssyncadd.s32 $0xFFFFC400  }
0x5e: {  	v4 =	vld [tilespmem:s21+$0xFFFFFFF0]  }
0x5f: {  	v2 =	vld.idx.msk [tilespmem:v2+s3+$0x0], $0xffff  }
0x60: {  	v5 =	vld [tilespmem:s21+$0xFFFFFF80]  }
0x61: {  	v6 =	vld [tilespmem:s21+$0xFFFFFFA0]  }
0x62: {  	v7 =	vld [tilespmem:s21+$0xFFFFFFB0]  }
0x63: {  	v3 =	vld [tilespmem:s21+$0xFFFFFFD0]  }
0x64: {  	s19 =	simm.s32 $0x1;
	v8 =	vld [tilespmem:s21+$0xFFFFFFE0];
	v4 =	vmul.f32 v2, v4  }
0x65: {  	v11 =	vmov s19;
	v9 =	vld [tilespmem:s21+$0xFFFFFF90];
	v5 =	vmul.f32 v2, v5  }
0x66: {  	v10 =	vld [tilespmem:s21+$0xFFFFFFC0];
	v6 =	vmul.f32 v2, v6;
	[tilespmem:s21+$0xFFFFFFF0] =	vst v4;
	v4 =	vand.u32 $0x7F, v11  }
0x67: {  	v7 =	vmul.f32 v2, v7;
	[tilespmem:s21+$0xFFFFFF80] =	vst v5;
	v4 =	vor.u32 $0x100, v4  }
0x68: {  	v3 =	vmul.f32 v2, v3;
	[tilespmem:s21+$0xFFFFFFA0] =	vst v6;
	v5 =	vbroadcast v4, $0x0  }
0x69: {  	[tilespmem:s21+$0xFFFFFFB0] =	vst v7;
	v6 =	vmul.f32 v2, v8  }
0x6a: {  	v1 =	vld [tilespmem:s21+$0x10];
	[tilespmem:s21+$0xFFFFFFD0] =	vst v3;
	v4 =	vmul.f32 v2, v9  }
0x6b: {  	v0 =	vld [tilespmem:s21+$0x0];
	v2 =	vmul.f32 v2, v10;
	[tilespmem:s21+$0xFFFFFFE0] =	vst v6  }
0x6c: {  	v3 =	vld [tilespmem:s21+$0x50];
	[tilespmem:s21+$0xFFFFFF90] =	vst v4  }
0x6d: {  	v4 =	vld [tilespmem:s21+$0x20];
	[tilespmem:s21+$0xFFFFFFC0] =	vst v2  }
0x6e: {  	s17 =	simm.s32 $0xC80;
	s16 =	simm.s32 $0x2;
	v2 =	vld.idx.msk [tilespmem:v5+s3+$0x0], $0xffff  }
.LBB2_3:
0x6f: {  	p1 =	slt.u32 s16, $0x76  }
0x70: {  	v5 =	vld [tilespmem:s21+$0x70];
	s17 =	sadd.s32 $0x100, s17;
	s18 =	smov.u32 s16;
	s16 =	sadd.s32 $0x2, s16  }
0x71: {  	v6 =	vld [tilespmem:s21+$0x30]  }
0x72: {  	v7 =	vld [tilespmem:s21+$0x40]  }
0x73: {  	v8 =	vld [tilespmem:s21+$0x60];
	_ =	sdelay $0x1  }
0x74: {  	v0 =	vmul.f32 v2, v0;
	v1 =	vmul.f32 v2, v1  }
0x75: {  	v9 =	vmov s18;
	v4 =	vmul.f32 v2, v4;
	v6 =	vmul.f32 v2, v6  }
0x76: {  	v9 =	vand.u32 $0x7E, v9;
	v3 =	vmul.f32 v2, v3;
	[tilespmem:s21+$0x0] =	vst v0;
	v7 =	vmul.f32 v2, v7  }
0x77: {  	v9 =	vor.u32 $0x100, v9;
	v0 =	vld [tilespmem:s17+$0x0];
	[tilespmem:s21+$0x20] =	vst v4;
	v4 =	vmul.f32 v2, v8;
	v2 =	vmul.f32 v2, v5  }
0x78: {  	v5 =	vbroadcast v9, $0x0;
	[tilespmem:s21+$0x10] =	vst v1  }
0x79: {  	v1 =	vld [tilespmem:s17+$0x10];
	[tilespmem:s21+$0x50] =	vst v3  }
0x7a: {  	v3 =	vld [tilespmem:s17+$0xFFFFFFD0];
	[tilespmem:s21+$0x70] =	vst v2  }
0x7b: {  	v2 =	vld [tilespmem:s17+$0xFFFFFFB0];
	[tilespmem:s21+$0x30] =	vst v6  }
0x7c: {  	v6 =	vld [tilespmem:s17+$0xFFFFFFE0];
	[tilespmem:s21+$0x60] =	vst v4  }
0x7d: {  	v4 =	vld [tilespmem:s17+$0xFFFFFFF0];
	[tilespmem:s21+$0x40] =	vst v7;
	s21 =	smov.u32 s17  }
0x7e: {  	v5 =	vld.idx.msk [tilespmem:v5+s3+$0x0], $0xffff  }
0x7f: {  	v7 =	vld [tilespmem:s17+$0xFFFFFF80]  }
0x80: {  	v8 =	vld [tilespmem:s17+$0xFFFFFFA0]  }
0x81: {  	v9 =	vld [tilespmem:s17+$0xFFFFFF90]  }
0x82: {  	v10 =	vld [tilespmem:s17+$0xFFFFFFC0];
	_ =	sdelay $0x1  }
0x83: {  	s18 =	sadd.s32 $0x1, s18;
	v4 =	vmul.f32 v5, v4;
	v7 =	vmul.f32 v5, v7  }
0x84: {  	v11 =	vmov s18;
	v6 =	vmul.f32 v5, v6;
	v8 =	vmul.f32 v5, v8  }
0x85: {  	v2 =	vmul.f32 v5, v2;
	v9 =	vmul.f32 v5, v9;
	[tilespmem:s17+$0xFFFFFFF0] =	vst v4;
	v4 =	vand.u32 $0x7F, v11  }
0x86: {  	v3 =	vmul.f32 v5, v3;
	[tilespmem:s17+$0xFFFFFF80] =	vst v7;
	v7 =	vmul.f32 v5, v10;
	v4 =	vor.u32 $0x100, v4  }
0x87: {  	[tilespmem:s17+$0xFFFFFFA0] =	vst v8;
	v5 =	vbroadcast v4, $0x0  }
0x88: {  	[tilespmem:s17+$0xFFFFFFB0] =	vst v2  }
.Ltmp2:
0x89: {  	[tilespmem:s17+$0xFFFFFFD0] =	vst v3;
	(pc) =	sbr.rel @p1 .LBB2_3-.Ltmp2, $4  }
0x8a: {  	[tilespmem:s17+$0xFFFFFF90] =	vst v9  }
0x8b: {  	[tilespmem:s17+$0xFFFFFFE0] =	vst v6;
	v4 =	vld [tilespmem:s17+$0x20]  }
0x8c: {  	[tilespmem:s17+$0xFFFFFFC0] =	vst v7;
	v3 =	vld [tilespmem:s17+$0x50]  }
0x8d: {  	v2 =	vld.idx.msk [tilespmem:v5+s3+$0x0], $0xffff  }
0x8e: {  	_ =	sdelay $0x2  }
0x8f: {  	v5 =	vld [tilespmem:s21+$0x70]  }
0x90: {  	v6 =	vld [tilespmem:s21+$0x30];
	v0 =	vmul.f32 v2, v0  }
0x91: {  	v7 =	vld [tilespmem:s21+$0x60];
	v4 =	vmul.f32 v2, v4  }
0x92: {  	v8 =	vld [tilespmem:s21+$0x40];
	v1 =	vmul.f32 v2, v1;
	[tilespmem:s21+$0x0] =	vst v0  }
0x93: {  	v0 =	vmul.f32 v2, v3;
	[tilespmem:s21+$0x20] =	vst v4  }
0x94: {  	v3 =	vmul.f32 v2, v5;
	[tilespmem:s21+$0x10] =	vst v1  }
0x95: {  	v1 =	vmul.f32 v2, v6;
	[tilespmem:s21+$0x50] =	vst v0  }
0x96: {  	v0 =	vmul.f32 v2, v7;
	[tilespmem:s21+$0x70] =	vst v3  }
0x97: {  	v2 =	vmul.f32 v2, v8;
	[tilespmem:s21+$0x30] =	vst v1  }
0x98: {  	p1 =	seq.s32 s23, $0x0;
	[tilespmem:s21+$0x60] =	vst v0  }
0x99: {  	s16 =	simm.s32 @!p1 $0xC;
	[tilespmem:s21+$0x40] =	vst v2  }
0x9a: {  	s21 =	smul.u32 $0xC00, s23;
	_ =	swait.ge @!p1 [sflag:s16], $0x3C00  }
0x9b: {  	[sflag:s16] =	ssyncset.done @!p1 $0x0;
	s18 =	rddreg [dreg:$0xd]  }
0x9c: {  	s17 =	simm.s32 $0x80;
	[sflag:s16] =	ssyncadd.s32 @!p1 $0xFFFFC400;
	s16 =	sadd.s32 s21, s18  }
0x9d: {  	[spmem:s2] =	stream.indirect.scatter.add.f32 [tilespmem:s1], [sflag:$0xA], $0x80, s17, s0, $0xb8;
	[tilespmem:$0x1F880] =	vst v63  }
0x9e: {  	s16 =	sshrl.u32 s16, $0x3  }
0x9f: {  	s17 =	simm.s32 $0x0;
	s16 =	sadd.s32 s5, s16  }
0xa0: {  	v0 =	vmov s17;
	[tilespmem:s12], [sflag:$0x6] =	stream.linear.gather [hbm4b:s16+s17], $0x180, $0x38;
	[tilespmem:$0x1F880] =	vst v63  }
0xa1: {  	v0 =	vand.u32 $0x7E, v0;
	_ =	swait.ge [sflag:s13], $0x180  }
0xa2: {  	v0 =	vor.u32 $0x100, v0;
	[sflag:s13] =	ssyncset.done $0x0  }
0xa3: {  	v2 =	vbroadcast v0, $0x0;
	[sflag:s13] =	ssyncadd.s32 $0xFFFFFE80  }
0xa4: {  	[tilespmem:s14], [sflag:$0x9] =	stream.indirect.gather [hbm4b:s4+s0], $0x80, s28, s0, $0xb8;
	[tilespmem:$0x1F880] =	vst v63  }
0xa5: {  	_ =	swait.ge [sflag:s15], $0x3C00  }
0xa6: {  	[sflag:s15] =	ssyncset.done $0x0  }
0xa7: {  	s16 =	simm.s32 $0x4880;
	[sflag:s15] =	ssyncadd.s32 $0xFFFFC400  }
0xa8: {  	v4 =	vld [tilespmem:s16+$0xFFFFFFF0]  }
0xa9: {  	v2 =	vld.idx.msk [tilespmem:v2+s26+$0x0], $0xffff  }
0xaa: {  	v5 =	vld [tilespmem:s16+$0xFFFFFF80]  }
0xab: {  	v6 =	vld [tilespmem:s16+$0xFFFFFFA0]  }
0xac: {  	v7 =	vld [tilespmem:s16+$0xFFFFFFB0]  }
0xad: {  	v3 =	vld [tilespmem:s16+$0xFFFFFFD0]  }
0xae: {  	s19 =	simm.s32 $0x1;
	v63 =	vld [tilespmem:s16+$0xFFFFFFE0];
	v4 =	vmul.f32 v2, v4  }
0xaf: {  	v11 =	vmov s19;
	v9 =	vld [tilespmem:s16+$0xFFFFFF90];
	v5 =	vmul.f32 v2, v5  }
0xb0: {  	v10 =	vld [tilespmem:s16+$0xFFFFFFC0];
	v6 =	vmul.f32 v2, v6;
	[tilespmem:s16+$0xFFFFFFF0] =	vst v4;
	v4 =	vand.u32 $0x7F, v11  }
0xb1: {  	v7 =	vmul.f32 v2, v7;
	[tilespmem:s16+$0xFFFFFF80] =	vst v5;
	v4 =	vor.u32 $0x100, v4  }
0xb2: {  	v3 =	vmul.f32 v2, v3;
	[tilespmem:s16+$0xFFFFFFA0] =	vst v6;
	v5 =	vbroadcast v4, $0x0  }
0xb3: {  	[tilespmem:s16+$0xFFFFFFB0] =	vst v7;
	v6 =	vmul.f32 v2, v63  }
0xb4: {  	v0 =	vld [tilespmem:s16+$0x0];
	[tilespmem:s16+$0xFFFFFFD0] =	vst v3;
	v4 =	vmul.f32 v2, v9  }
0xb5: {  	v1 =	vld [tilespmem:s16+$0x10];
	v2 =	vmul.f32 v2, v10;
	[tilespmem:s16+$0xFFFFFFE0] =	vst v6  }
0xb6: {  	v3 =	vld [tilespmem:s16+$0x50];
	[tilespmem:s16+$0xFFFFFF90] =	vst v4  }
0xb7: {  	v4 =	vld [tilespmem:s16+$0x20];
	[tilespmem:s16+$0xFFFFFFC0] =	vst v2  }
0xb8: {  	s18 =	simm.s32 $0x4880;
	s17 =	simm.s32 $0x2;
	v2 =	vld.idx.msk [tilespmem:v5+s26+$0x0], $0xffff  }
.LBB2_5:
0xb9: {  	p1 =	slt.u32 s17, $0x76  }
0xba: {  	v5 =	vld [tilespmem:s16+$0x70];
	s18 =	sadd.s32 $0x100, s18;
	s19 =	smov.u32 s17;
	s17 =	sadd.s32 $0x2, s17  }
0xbb: {  	v6 =	vld [tilespmem:s16+$0x30]  }
0xbc: {  	v7 =	vld [tilespmem:s16+$0x40]  }
0xbd: {  	v8 =	vld [tilespmem:s16+$0x60];
	_ =	sdelay $0x1  }
0xbe: {  	v0 =	vmul.f32 v2, v0;
	v1 =	vmul.f32 v2, v1  }
0xbf: {  	v9 =	vmov s19;
	v4 =	vmul.f32 v2, v4;
	v6 =	vmul.f32 v2, v6  }
0xc0: {  	v9 =	vand.u32 $0x7E, v9;
	v3 =	vmul.f32 v2, v3;
	[tilespmem:s16+$0x0] =	vst v0;
	v7 =	vmul.f32 v2, v7  }
0xc1: {  	v9 =	vor.u32 $0x100, v9;
	v0 =	vld [tilespmem:s18+$0x0];
	[tilespmem:s16+$0x20] =	vst v4;
	v4 =	vmul.f32 v2, v8;
	v2 =	vmul.f32 v2, v5  }
0xc2: {  	v5 =	vbroadcast v9, $0x0;
	[tilespmem:s16+$0x10] =	vst v1  }
0xc3: {  	v1 =	vld [tilespmem:s18+$0x10];
	[tilespmem:s16+$0x50] =	vst v3  }
0xc4: {  	v3 =	vld [tilespmem:s18+$0xFFFFFFD0];
	[tilespmem:s16+$0x70] =	vst v2  }
0xc5: {  	v2 =	vld [tilespmem:s18+$0xFFFFFFB0];
	[tilespmem:s16+$0x30] =	vst v6  }
0xc6: {  	v6 =	vld [tilespmem:s18+$0xFFFFFFE0];
	[tilespmem:s16+$0x60] =	vst v4  }
0xc7: {  	v4 =	vld [tilespmem:s18+$0xFFFFFFF0];
	[tilespmem:s16+$0x40] =	vst v7;
	s16 =	smov.u32 s18  }
0xc8: {  	v5 =	vld.idx.msk [tilespmem:v5+s26+$0x0], $0xffff  }
0xc9: {  	v7 =	vld [tilespmem:s18+$0xFFFFFF80]  }
0xca: {  	v8 =	vld [tilespmem:s18+$0xFFFFFFA0]  }
0xcb: {  	v9 =	vld [tilespmem:s18+$0xFFFFFF90]  }
0xcc: {  	v10 =	vld [tilespmem:s18+$0xFFFFFFC0];
	_ =	sdelay $0x1  }
0xcd: {  	s19 =	sadd.s32 $0x1, s19;
	v4 =	vmul.f32 v5, v4;
	v7 =	vmul.f32 v5, v7  }
0xce: {  	v11 =	vmov s19;
	v6 =	vmul.f32 v5, v6;
	v8 =	vmul.f32 v5, v8  }
0xcf: {  	v2 =	vmul.f32 v5, v2;
	v9 =	vmul.f32 v5, v9;
	[tilespmem:s18+$0xFFFFFFF0] =	vst v4;
	v4 =	vand.u32 $0x7F, v11  }
0xd0: {  	v3 =	vmul.f32 v5, v3;
	[tilespmem:s18+$0xFFFFFF80] =	vst v7;
	v7 =	vmul.f32 v5, v10;
	v4 =	vor.u32 $0x100, v4  }
0xd1: {  	[tilespmem:s18+$0xFFFFFFA0] =	vst v8;
	v5 =	vbroadcast v4, $0x0  }
0xd2: {  	[tilespmem:s18+$0xFFFFFFB0] =	vst v2  }
.Ltmp3:
0xd3: {  	[tilespmem:s18+$0xFFFFFFD0] =	vst v3;
	(pc) =	sbr.rel @p1 .LBB2_5-.Ltmp3, $4  }
0xd4: {  	[tilespmem:s18+$0xFFFFFF90] =	vst v9  }
0xd5: {  	[tilespmem:s18+$0xFFFFFFE0] =	vst v6;
	v4 =	vld [tilespmem:s18+$0x20]  }
0xd6: {  	[tilespmem:s18+$0xFFFFFFC0] =	vst v7;
	v3 =	vld [tilespmem:s18+$0x50]  }
0xd7: {  	v2 =	vld.idx.msk [tilespmem:v5+s26+$0x0], $0xffff  }
0xd8: {  	_ =	sdelay $0x2  }
0xd9: {  	v5 =	vld [tilespmem:s16+$0x70]  }
0xda: {  	v6 =	vld [tilespmem:s16+$0x30];
	v0 =	vmul.f32 v2, v0  }
0xdb: {  	v7 =	vld [tilespmem:s16+$0x60];
	v4 =	vmul.f32 v2, v4  }
0xdc: {  	v8 =	vld [tilespmem:s16+$0x40];
	v1 =	vmul.f32 v2, v1;
	[tilespmem:s16+$0x0] =	vst v0  }
0xdd: {  	v0 =	vmul.f32 v2, v3;
	[tilespmem:s16+$0x20] =	vst v4  }
0xde: {  	v3 =	vmul.f32 v2, v5;
	[tilespmem:s16+$0x10] =	vst v1  }
0xdf: {  	v1 =	vmul.f32 v2, v6;
	[tilespmem:s16+$0x50] =	vst v0  }
0xe0: {  	v0 =	vmul.f32 v2, v7;
	[tilespmem:s16+$0x70] =	vst v3  }
0xe1: {  	v2 =	vmul.f32 v2, v8;
	[tilespmem:s16+$0x30] =	vst v1  }
0xe2: {  	[tilespmem:s16+$0x60] =	vst v0  }
0xe3: {  	[tilespmem:s16+$0x40] =	vst v2  }
0xe4: {  	_ =	swait.ge [sflag:s22], $0x3C00  }
0xe5: {  	p1 =	seq.s32 s23, $0xD;
	[sflag:s22] =	ssyncset.done $0x0;
	s16 =	rddreg [dreg:$0xe]  }
0xe6: {  	s17 =	simm.s32 $0x280;
	[sflag:s22] =	ssyncadd.s32 $0xFFFFC400;
	s16 =	sadd.s32 @!p1 s21, s16  }
0xe7: {  	[spmem:s2] =	stream.indirect.scatter.add.f32 [tilespmem:s7], [sflag:$0xB], $0x80, s17, s0, $0xb8;
	[tilespmem:$0x1F880] =	vst v63  }
0xe8: {  	s16 =	sshrl.u32 @!p1 s16, $0x3  }
0xe9: {  	s18 =	simm.s32 $0x0;
	s17 =	simm.s32 @!p1 $0x0;
	s16 =	sadd.s32 @!p1 s5, s16  }
0xea: {  	v0 =	vmov s18;
	[tilespmem:s17], [sflag:$0x1] =	stream.linear.gather @!p1 [hbm4b:s16+s17], $0x180, $0x38;
	[tilespmem:$0x1F880] =	vst v63  }
0xeb: {  	v0 =	vand.u32 $0x7E, v0;
	_ =	swait.ge [sflag:s24], $0x180  }
0xec: {  	v0 =	vor.u32 $0x100, v0;
	[sflag:s24] =	ssyncset.done $0x0  }
0xed: {  	v2 =	vbroadcast v0, $0x0;
	[sflag:s24] =	ssyncadd.s32 $0xFFFFFE80  }
0xee: {  	[tilespmem:s1], [sflag:$0x7] =	stream.indirect.gather [hbm4b:s4+s0], $0x80, s29, s0, $0xb8;
	[tilespmem:$0x1F880] =	vst v63  }
0xef: {  	_ =	swait.ge [sflag:s11], $0x3C00  }
0xf0: {  	[sflag:s11] =	ssyncset.done $0x0  }
0xf1: {  	s16 =	simm.s32 $0x8480;
	[sflag:s11] =	ssyncadd.s32 $0xFFFFC400  }
0xf2: {  	v4 =	vld [tilespmem:s16+$0xFFFFFFF0]  }
0xf3: {  	v2 =	vld.idx.msk [tilespmem:v2+s28+$0x0], $0xffff  }
0xf4: {  	v5 =	vld [tilespmem:s16+$0xFFFFFF80]  }
0xf5: {  	v6 =	vld [tilespmem:s16+$0xFFFFFFA0]  }
0xf6: {  	v7 =	vld [tilespmem:s16+$0xFFFFFFB0]  }
0xf7: {  	v3 =	vld [tilespmem:s16+$0xFFFFFFD0]  }
0xf8: {  	s19 =	simm.s32 $0x1;
	v63 =	vld [tilespmem:s16+$0xFFFFFFE0];
	v4 =	vmul.f32 v2, v4  }
0xf9: {  	v11 =	vmov s19;
	v9 =	vld [tilespmem:s16+$0xFFFFFF90];
	v5 =	vmul.f32 v2, v5  }
0xfa: {  	v10 =	vld [tilespmem:s16+$0xFFFFFFC0];
	v6 =	vmul.f32 v2, v6;
	[tilespmem:s16+$0xFFFFFFF0] =	vst v4;
	v4 =	vand.u32 $0x7F, v11  }
0xfb: {  	v7 =	vmul.f32 v2, v7;
	[tilespmem:s16+$0xFFFFFF80] =	vst v5;
	v4 =	vor.u32 $0x100, v4  }
0xfc: {  	v3 =	vmul.f32 v2, v3;
	[tilespmem:s16+$0xFFFFFFA0] =	vst v6;
	v5 =	vbroadcast v4, $0x0  }
0xfd: {  	[tilespmem:s16+$0xFFFFFFB0] =	vst v7;
	v6 =	vmul.f32 v2, v63  }
0xfe: {  	v0 =	vld [tilespmem:s16+$0x0];
	[tilespmem:s16+$0xFFFFFFD0] =	vst v3;
	v4 =	vmul.f32 v2, v9  }
0xff: {  	v1 =	vld [tilespmem:s16+$0x10];
	v2 =	vmul.f32 v2, v10;
	[tilespmem:s16+$0xFFFFFFE0] =	vst v6  }
0x100: {  	v3 =	vld [tilespmem:s16+$0x50];
	[tilespmem:s16+$0xFFFFFF90] =	vst v4  }
0x101: {  	v4 =	vld [tilespmem:s16+$0x20];
	[tilespmem:s16+$0xFFFFFFC0] =	vst v2  }
0x102: {  	s18 =	simm.s32 $0x8480;
	s17 =	simm.s32 $0x2;
	v2 =	vld.idx.msk [tilespmem:v5+s28+$0x0], $0xffff  }
.LBB2_7:
0x103: {  	p2 =	slt.u32 s17, $0x76  }
0x104: {  	v5 =	vld [tilespmem:s16+$0x70];
	s18 =	sadd.s32 $0x100, s18;
	s19 =	smov.u32 s17;
	s17 =	sadd.s32 $0x2, s17  }
0x105: {  	v6 =	vld [tilespmem:s16+$0x30]  }
0x106: {  	v7 =	vld [tilespmem:s16+$0x40]  }
0x107: {  	v8 =	vld [tilespmem:s16+$0x60];
	_ =	sdelay $0x1  }
0x108: {  	v0 =	vmul.f32 v2, v0;
	v1 =	vmul.f32 v2, v1  }
0x109: {  	v9 =	vmov s19;
	v4 =	vmul.f32 v2, v4;
	v6 =	vmul.f32 v2, v6  }
0x10a: {  	v9 =	vand.u32 $0x7E, v9;
	v3 =	vmul.f32 v2, v3;
	[tilespmem:s16+$0x0] =	vst v0;
	v7 =	vmul.f32 v2, v7  }
0x10b: {  	v9 =	vor.u32 $0x100, v9;
	v0 =	vld [tilespmem:s18+$0x0];
	[tilespmem:s16+$0x20] =	vst v4;
	v4 =	vmul.f32 v2, v8;
	v2 =	vmul.f32 v2, v5  }
0x10c: {  	v5 =	vbroadcast v9, $0x0;
	[tilespmem:s16+$0x10] =	vst v1  }
0x10d: {  	v1 =	vld [tilespmem:s18+$0x10];
	[tilespmem:s16+$0x50] =	vst v3  }
0x10e: {  	v3 =	vld [tilespmem:s18+$0xFFFFFFD0];
	[tilespmem:s16+$0x70] =	vst v2  }
0x10f: {  	v2 =	vld [tilespmem:s18+$0xFFFFFFB0];
	[tilespmem:s16+$0x30] =	vst v6  }
0x110: {  	v6 =	vld [tilespmem:s18+$0xFFFFFFE0];
	[tilespmem:s16+$0x60] =	vst v4  }
0x111: {  	v4 =	vld [tilespmem:s18+$0xFFFFFFF0];
	[tilespmem:s16+$0x40] =	vst v7;
	s16 =	smov.u32 s18  }
0x112: {  	v5 =	vld.idx.msk [tilespmem:v5+s28+$0x0], $0xffff  }
0x113: {  	v7 =	vld [tilespmem:s18+$0xFFFFFF80]  }
0x114: {  	v8 =	vld [tilespmem:s18+$0xFFFFFFA0]  }
0x115: {  	v9 =	vld [tilespmem:s18+$0xFFFFFF90]  }
0x116: {  	v10 =	vld [tilespmem:s18+$0xFFFFFFC0];
	_ =	sdelay $0x1  }
0x117: {  	s19 =	sadd.s32 $0x1, s19;
	v4 =	vmul.f32 v5, v4;
	v7 =	vmul.f32 v5, v7  }
0x118: {  	v11 =	vmov s19;
	v6 =	vmul.f32 v5, v6;
	v8 =	vmul.f32 v5, v8  }
0x119: {  	v2 =	vmul.f32 v5, v2;
	v9 =	vmul.f32 v5, v9;
	[tilespmem:s18+$0xFFFFFFF0] =	vst v4;
	v4 =	vand.u32 $0x7F, v11  }
0x11a: {  	v3 =	vmul.f32 v5, v3;
	[tilespmem:s18+$0xFFFFFF80] =	vst v7;
	v7 =	vmul.f32 v5, v10;
	v4 =	vor.u32 $0x100, v4  }
0x11b: {  	[tilespmem:s18+$0xFFFFFFA0] =	vst v8;
	v5 =	vbroadcast v4, $0x0  }
0x11c: {  	[tilespmem:s18+$0xFFFFFFB0] =	vst v2  }
.Ltmp4:
0x11d: {  	[tilespmem:s18+$0xFFFFFFD0] =	vst v3;
	(pc) =	sbr.rel @p2 .LBB2_7-.Ltmp4, $4  }
0x11e: {  	[tilespmem:s18+$0xFFFFFF90] =	vst v9  }
0x11f: {  	[tilespmem:s18+$0xFFFFFFE0] =	vst v6;
	v4 =	vld [tilespmem:s18+$0x20]  }
0x120: {  	[tilespmem:s18+$0xFFFFFFC0] =	vst v7;
	v3 =	vld [tilespmem:s18+$0x50]  }
0x121: {  	v2 =	vld.idx.msk [tilespmem:v5+s28+$0x0], $0xffff  }
0x122: {  	_ =	sdelay $0x2  }
0x123: {  	v5 =	vld [tilespmem:s16+$0x70]  }
0x124: {  	v6 =	vld [tilespmem:s16+$0x30];
	v0 =	vmul.f32 v2, v0  }
0x125: {  	v7 =	vld [tilespmem:s16+$0x60];
	v4 =	vmul.f32 v2, v4  }
0x126: {  	v8 =	vld [tilespmem:s16+$0x40];
	v1 =	vmul.f32 v2, v1;
	[tilespmem:s16+$0x0] =	vst v0  }
0x127: {  	v0 =	vmul.f32 v2, v3;
	[tilespmem:s16+$0x20] =	vst v4  }
0x128: {  	v3 =	vmul.f32 v2, v5;
	[tilespmem:s16+$0x10] =	vst v1  }
0x129: {  	v1 =	vmul.f32 v2, v6;
	[tilespmem:s16+$0x50] =	vst v0  }
0x12a: {  	v0 =	vmul.f32 v2, v7;
	[tilespmem:s16+$0x70] =	vst v3  }
0x12b: {  	v2 =	vmul.f32 v2, v8;
	[tilespmem:s16+$0x30] =	vst v1  }
0x12c: {  	[tilespmem:s16+$0x60] =	vst v0  }
0x12d: {  	[tilespmem:s16+$0x40] =	vst v2  }
0x12e: {  	_ =	swait.ge [sflag:s31], $0x3C00  }
0x12f: {  	[sflag:s31] =	ssyncset.done $0x0;
	s16 =	rddreg [dreg:$0xf]  }
0x130: {  	s17 =	simm.s32 $0x480;
	[sflag:s31] =	ssyncadd.s32 $0xFFFFC400;
	s16 =	sadd.s32 @!p1 s21, s16  }
0x131: {  	[spmem:s2] =	stream.indirect.scatter.add.f32 [tilespmem:s14], [sflag:$0xC], $0x80, s17, s0, $0xb8;
	[tilespmem:$0x1F880] =	vst v63  }
0x132: {  	s16 =	sshrl.u32 @!p1 s16, $0x3  }
0x133: {  	s18 =	simm.s32 @!p1 $0x200;
	s17 =	simm.s32 @!p1 $0x0;
	s16 =	sadd.s32 @!p1 s5, s16  }
0x134: {  	[tilespmem:s18], [sflag:$0x2] =	stream.linear.gather @!p1 [hbm4b:s16+s17], $0x180, $0x38;
	[tilespmem:$0x1F880] =	vst v63  }
0x135: {  	s18 =	simm.s32 $0x0  }
0x136: {  	v0 =	vmov s18  }
0x137: {  	_ =	swait.ge [sflag:s8], $0x180;
	v0 =	vand.u32 $0x7E, v0  }
0x138: {  	[sflag:s8] =	ssyncset.done $0x0;
	v0 =	vor.u32 $0x100, v0  }
0x139: {  	[sflag:s8] =	ssyncadd.s32 $0xFFFFFE80;
	v2 =	vbroadcast v0, $0x0  }
0x13a: {  	[tilespmem:s7], [sflag:$0x8] =	stream.indirect.gather [hbm4b:s4+s0], $0x80, s30, s0, $0xb8;
	[tilespmem:$0x1F880] =	vst v63  }
0x13b: {  	_ =	swait.ge [sflag:s9], $0x3C00  }
0x13c: {  	[sflag:s9] =	ssyncset.done $0x0  }
0x13d: {  	s16 =	simm.s32 $0xC80;
	[sflag:s9] =	ssyncadd.s32 $0xFFFFC400  }
0x13e: {  	v4 =	vld [tilespmem:s16+$0xFFFFFFF0]  }
0x13f: {  	v2 =	vld.idx.msk [tilespmem:v2+s29+$0x0], $0xffff  }
0x140: {  	v5 =	vld [tilespmem:s16+$0xFFFFFF80]  }
0x141: {  	v6 =	vld [tilespmem:s16+$0xFFFFFFA0]  }
0x142: {  	v7 =	vld [tilespmem:s16+$0xFFFFFFB0]  }
0x143: {  	v3 =	vld [tilespmem:s16+$0xFFFFFFD0]  }
0x144: {  	s19 =	simm.s32 $0x1;
	v63 =	vld [tilespmem:s16+$0xFFFFFFE0];
	v4 =	vmul.f32 v2, v4  }
0x145: {  	v11 =	vmov s19;
	v9 =	vld [tilespmem:s16+$0xFFFFFF90];
	v5 =	vmul.f32 v2, v5  }
0x146: {  	v10 =	vld [tilespmem:s16+$0xFFFFFFC0];
	v6 =	vmul.f32 v2, v6;
	[tilespmem:s16+$0xFFFFFFF0] =	vst v4;
	v4 =	vand.u32 $0x7F, v11  }
0x147: {  	v7 =	vmul.f32 v2, v7;
	[tilespmem:s16+$0xFFFFFF80] =	vst v5;
	v4 =	vor.u32 $0x100, v4  }
0x148: {  	v3 =	vmul.f32 v2, v3;
	[tilespmem:s16+$0xFFFFFFA0] =	vst v6;
	v5 =	vbroadcast v4, $0x0  }
0x149: {  	[tilespmem:s16+$0xFFFFFFB0] =	vst v7;
	v6 =	vmul.f32 v2, v63  }
0x14a: {  	v0 =	vld [tilespmem:s16+$0x0];
	[tilespmem:s16+$0xFFFFFFD0] =	vst v3;
	v4 =	vmul.f32 v2, v9  }
0x14b: {  	v1 =	vld [tilespmem:s16+$0x10];
	v2 =	vmul.f32 v2, v10;
	[tilespmem:s16+$0xFFFFFFE0] =	vst v6  }
0x14c: {  	v3 =	vld [tilespmem:s16+$0x50];
	[tilespmem:s16+$0xFFFFFF90] =	vst v4  }
0x14d: {  	v4 =	vld [tilespmem:s16+$0x20];
	[tilespmem:s16+$0xFFFFFFC0] =	vst v2  }
0x14e: {  	s17 =	simm.s32 $0x2;
	s18 =	simm.s32 $0xC80;
	v2 =	vld.idx.msk [tilespmem:v5+s29+$0x0], $0xffff  }
.LBB2_9:
0x14f: {  	p2 =	slt.u32 s17, $0x76  }
0x150: {  	v5 =	vld [tilespmem:s16+$0x70];
	s18 =	sadd.s32 $0x100, s18;
	s19 =	smov.u32 s17;
	s17 =	sadd.s32 $0x2, s17  }
0x151: {  	v6 =	vld [tilespmem:s16+$0x30]  }
0x152: {  	v7 =	vld [tilespmem:s16+$0x40]  }
0x153: {  	v8 =	vld [tilespmem:s16+$0x60];
	_ =	sdelay $0x1  }
0x154: {  	v0 =	vmul.f32 v2, v0;
	v1 =	vmul.f32 v2, v1  }
0x155: {  	v9 =	vmov s19;
	v4 =	vmul.f32 v2, v4;
	v6 =	vmul.f32 v2, v6  }
0x156: {  	v9 =	vand.u32 $0x7E, v9;
	v3 =	vmul.f32 v2, v3;
	[tilespmem:s16+$0x0] =	vst v0;
	v7 =	vmul.f32 v2, v7  }
0x157: {  	v9 =	vor.u32 $0x100, v9;
	v0 =	vld [tilespmem:s18+$0x0];
	[tilespmem:s16+$0x20] =	vst v4;
	v4 =	vmul.f32 v2, v8;
	v2 =	vmul.f32 v2, v5  }
0x158: {  	v5 =	vbroadcast v9, $0x0;
	[tilespmem:s16+$0x10] =	vst v1  }
0x159: {  	v1 =	vld [tilespmem:s18+$0x10];
	[tilespmem:s16+$0x50] =	vst v3  }
0x15a: {  	v3 =	vld [tilespmem:s18+$0xFFFFFFD0];
	[tilespmem:s16+$0x70] =	vst v2  }
0x15b: {  	v2 =	vld [tilespmem:s18+$0xFFFFFFB0];
	[tilespmem:s16+$0x30] =	vst v6  }
0x15c: {  	v6 =	vld [tilespmem:s18+$0xFFFFFFE0];
	[tilespmem:s16+$0x60] =	vst v4  }
0x15d: {  	v4 =	vld [tilespmem:s18+$0xFFFFFFF0];
	[tilespmem:s16+$0x40] =	vst v7;
	s16 =	smov.u32 s18  }
0x15e: {  	v5 =	vld.idx.msk [tilespmem:v5+s29+$0x0], $0xffff  }
0x15f: {  	v7 =	vld [tilespmem:s18+$0xFFFFFF80]  }
0x160: {  	v8 =	vld [tilespmem:s18+$0xFFFFFFA0]  }
0x161: {  	v9 =	vld [tilespmem:s18+$0xFFFFFF90]  }
0x162: {  	v10 =	vld [tilespmem:s18+$0xFFFFFFC0];
	_ =	sdelay $0x1  }
0x163: {  	s19 =	sadd.s32 $0x1, s19;
	v4 =	vmul.f32 v5, v4;
	v7 =	vmul.f32 v5, v7  }
0x164: {  	v11 =	vmov s19;
	v6 =	vmul.f32 v5, v6;
	v8 =	vmul.f32 v5, v8  }
0x165: {  	v2 =	vmul.f32 v5, v2;
	v9 =	vmul.f32 v5, v9;
	[tilespmem:s18+$0xFFFFFFF0] =	vst v4;
	v4 =	vand.u32 $0x7F, v11  }
0x166: {  	v3 =	vmul.f32 v5, v3;
	[tilespmem:s18+$0xFFFFFF80] =	vst v7;
	v7 =	vmul.f32 v5, v10;
	v4 =	vor.u32 $0x100, v4  }
0x167: {  	[tilespmem:s18+$0xFFFFFFA0] =	vst v8;
	v5 =	vbroadcast v4, $0x0  }
0x168: {  	[tilespmem:s18+$0xFFFFFFB0] =	vst v2  }
.Ltmp5:
0x169: {  	[tilespmem:s18+$0xFFFFFFD0] =	vst v3;
	(pc) =	sbr.rel @p2 .LBB2_9-.Ltmp5, $4  }
0x16a: {  	[tilespmem:s18+$0xFFFFFF90] =	vst v9  }
0x16b: {  	[tilespmem:s18+$0xFFFFFFE0] =	vst v6;
	v4 =	vld [tilespmem:s18+$0x20]  }
0x16c: {  	[tilespmem:s18+$0xFFFFFFC0] =	vst v7;
	v3 =	vld [tilespmem:s18+$0x50]  }
0x16d: {  	v2 =	vld.idx.msk [tilespmem:v5+s29+$0x0], $0xffff  }
0x16e: {  	_ =	sdelay $0x2  }
0x16f: {  	v5 =	vld [tilespmem:s16+$0x70]  }
0x170: {  	v6 =	vld [tilespmem:s16+$0x30];
	v0 =	vmul.f32 v2, v0  }
0x171: {  	v7 =	vld [tilespmem:s16+$0x60];
	v4 =	vmul.f32 v2, v4  }
0x172: {  	v8 =	vld [tilespmem:s16+$0x40];
	v1 =	vmul.f32 v2, v1;
	[tilespmem:s16+$0x0] =	vst v0  }
0x173: {  	v0 =	vmul.f32 v2, v3;
	[tilespmem:s16+$0x20] =	vst v4  }
0x174: {  	v3 =	vmul.f32 v2, v5;
	[tilespmem:s16+$0x10] =	vst v1  }
0x175: {  	v1 =	vmul.f32 v2, v6;
	[tilespmem:s16+$0x50] =	vst v0  }
0x176: {  	v0 =	vmul.f32 v2, v7;
	[tilespmem:s16+$0x70] =	vst v3  }
0x177: {  	v2 =	vmul.f32 v2, v8;
	[tilespmem:s16+$0x30] =	vst v1  }
0x178: {  	[tilespmem:s16+$0x60] =	vst v0  }
0x179: {  	[tilespmem:s16+$0x40] =	vst v2  }
0x17a: {  	_ =	swait.ge [sflag:s10], $0x3C00  }
0x17b: {  	[sflag:s10] =	ssyncset.done $0x0;
	s16 =	rddreg [dreg:$0x10]  }
0x17c: {  	s17 =	simm.s32 $0x680;
	[sflag:s10] =	ssyncadd.s32 $0xFFFFC400;
	s16 =	sadd.s32 @!p1 s21, s16  }
0x17d: {  	[spmem:s2] =	stream.indirect.scatter.add.f32 [tilespmem:s1], [sflag:$0xA], $0x80, s17, s0, $0xb8;
	[tilespmem:$0x1F880] =	vst v63  }
0x17e: {  	s16 =	sshrl.u32 @!p1 s16, $0x3  }
0x17f: {  	s18 =	simm.s32 @!p1 $0x400;
	s17 =	simm.s32 @!p1 $0x0;
	s16 =	sadd.s32 @!p1 s5, s16  }
0x180: {  	[tilespmem:s18], [sflag:$0x3] =	stream.linear.gather @!p1 [hbm4b:s16+s17], $0x180, $0x38;
	[tilespmem:$0x1F880] =	vst v63  }
0x181: {  	s18 =	simm.s32 $0x0  }
0x182: {  	v0 =	vmov s18  }
0x183: {  	_ =	swait.ge [sflag:s25], $0x180;
	v0 =	vand.u32 $0x7E, v0  }
0x184: {  	[sflag:s25] =	ssyncset.done $0x0;
	v0 =	vor.u32 $0x100, v0  }
0x185: {  	[sflag:s25] =	ssyncadd.s32 $0xFFFFFE80;
	v2 =	vbroadcast v0, $0x0  }
0x186: {  	[tilespmem:s14], [sflag:$0x9] =	stream.indirect.gather [hbm4b:s4+s0], $0x80, s12, s0, $0xb8;
	[tilespmem:$0x1F880] =	vst v63  }
0x187: {  	_ =	swait.ge [sflag:s15], $0x3C00  }
0x188: {  	[sflag:s15] =	ssyncset.done $0x0  }
0x189: {  	s16 =	simm.s32 $0x4880;
	[sflag:s15] =	ssyncadd.s32 $0xFFFFC400  }
0x18a: {  	v4 =	vld [tilespmem:s16+$0xFFFFFFF0]  }
0x18b: {  	v2 =	vld.idx.msk [tilespmem:v2+s30+$0x0], $0xffff  }
0x18c: {  	v5 =	vld [tilespmem:s16+$0xFFFFFF80]  }
0x18d: {  	v6 =	vld [tilespmem:s16+$0xFFFFFFA0]  }
0x18e: {  	v7 =	vld [tilespmem:s16+$0xFFFFFFB0]  }
0x18f: {  	v3 =	vld [tilespmem:s16+$0xFFFFFFD0]  }
0x190: {  	s19 =	simm.s32 $0x1;
	v63 =	vld [tilespmem:s16+$0xFFFFFFE0];
	v4 =	vmul.f32 v2, v4  }
0x191: {  	v11 =	vmov s19;
	v9 =	vld [tilespmem:s16+$0xFFFFFF90];
	v5 =	vmul.f32 v2, v5  }
0x192: {  	v10 =	vld [tilespmem:s16+$0xFFFFFFC0];
	v6 =	vmul.f32 v2, v6;
	[tilespmem:s16+$0xFFFFFFF0] =	vst v4;
	v4 =	vand.u32 $0x7F, v11  }
0x193: {  	v7 =	vmul.f32 v2, v7;
	[tilespmem:s16+$0xFFFFFF80] =	vst v5;
	v4 =	vor.u32 $0x100, v4  }
0x194: {  	v3 =	vmul.f32 v2, v3;
	[tilespmem:s16+$0xFFFFFFA0] =	vst v6;
	v5 =	vbroadcast v4, $0x0  }
0x195: {  	[tilespmem:s16+$0xFFFFFFB0] =	vst v7;
	v6 =	vmul.f32 v2, v63  }
0x196: {  	v0 =	vld [tilespmem:s16+$0x0];
	[tilespmem:s16+$0xFFFFFFD0] =	vst v3;
	v4 =	vmul.f32 v2, v9  }
0x197: {  	v1 =	vld [tilespmem:s16+$0x10];
	v2 =	vmul.f32 v2, v10;
	[tilespmem:s16+$0xFFFFFFE0] =	vst v6  }
0x198: {  	v3 =	vld [tilespmem:s16+$0x50];
	[tilespmem:s16+$0xFFFFFF90] =	vst v4  }
0x199: {  	v4 =	vld [tilespmem:s16+$0x20];
	[tilespmem:s16+$0xFFFFFFC0] =	vst v2  }
0x19a: {  	s17 =	simm.s32 $0x2;
	s18 =	simm.s32 $0x4880;
	v2 =	vld.idx.msk [tilespmem:v5+s30+$0x0], $0xffff  }
.LBB2_11:
0x19b: {  	p2 =	slt.u32 s17, $0x76  }
0x19c: {  	v5 =	vld [tilespmem:s16+$0x70];
	s18 =	sadd.s32 $0x100, s18;
	s19 =	smov.u32 s17;
	s17 =	sadd.s32 $0x2, s17  }
0x19d: {  	v6 =	vld [tilespmem:s16+$0x30]  }
0x19e: {  	v7 =	vld [tilespmem:s16+$0x40]  }
0x19f: {  	v8 =	vld [tilespmem:s16+$0x60];
	_ =	sdelay $0x1  }
0x1a0: {  	v0 =	vmul.f32 v2, v0;
	v1 =	vmul.f32 v2, v1  }
0x1a1: {  	v9 =	vmov s19;
	v4 =	vmul.f32 v2, v4;
	v6 =	vmul.f32 v2, v6  }
0x1a2: {  	v9 =	vand.u32 $0x7E, v9;
	v3 =	vmul.f32 v2, v3;
	[tilespmem:s16+$0x0] =	vst v0;
	v7 =	vmul.f32 v2, v7  }
0x1a3: {  	v9 =	vor.u32 $0x100, v9;
	v0 =	vld [tilespmem:s18+$0x0];
	[tilespmem:s16+$0x20] =	vst v4;
	v4 =	vmul.f32 v2, v8;
	v2 =	vmul.f32 v2, v5  }
0x1a4: {  	v5 =	vbroadcast v9, $0x0;
	[tilespmem:s16+$0x10] =	vst v1  }
0x1a5: {  	v1 =	vld [tilespmem:s18+$0x10];
	[tilespmem:s16+$0x50] =	vst v3  }
0x1a6: {  	v3 =	vld [tilespmem:s18+$0xFFFFFFD0];
	[tilespmem:s16+$0x70] =	vst v2  }
0x1a7: {  	v2 =	vld [tilespmem:s18+$0xFFFFFFB0];
	[tilespmem:s16+$0x30] =	vst v6  }
0x1a8: {  	v6 =	vld [tilespmem:s18+$0xFFFFFFE0];
	[tilespmem:s16+$0x60] =	vst v4  }
0x1a9: {  	v4 =	vld [tilespmem:s18+$0xFFFFFFF0];
	[tilespmem:s16+$0x40] =	vst v7;
	s16 =	smov.u32 s18  }
0x1aa: {  	v5 =	vld.idx.msk [tilespmem:v5+s30+$0x0], $0xffff  }
0x1ab: {  	v7 =	vld [tilespmem:s18+$0xFFFFFF80]  }
0x1ac: {  	v8 =	vld [tilespmem:s18+$0xFFFFFFA0]  }
0x1ad: {  	v9 =	vld [tilespmem:s18+$0xFFFFFF90]  }
0x1ae: {  	v10 =	vld [tilespmem:s18+$0xFFFFFFC0];
	_ =	sdelay $0x1  }
0x1af: {  	s19 =	sadd.s32 $0x1, s19;
	v4 =	vmul.f32 v5, v4;
	v7 =	vmul.f32 v5, v7  }
0x1b0: {  	v11 =	vmov s19;
	v6 =	vmul.f32 v5, v6;
	v8 =	vmul.f32 v5, v8  }
0x1b1: {  	v2 =	vmul.f32 v5, v2;
	v9 =	vmul.f32 v5, v9;
	[tilespmem:s18+$0xFFFFFFF0] =	vst v4;
	v4 =	vand.u32 $0x7F, v11  }
0x1b2: {  	v3 =	vmul.f32 v5, v3;
	[tilespmem:s18+$0xFFFFFF80] =	vst v7;
	v7 =	vmul.f32 v5, v10;
	v4 =	vor.u32 $0x100, v4  }
0x1b3: {  	[tilespmem:s18+$0xFFFFFFA0] =	vst v8;
	v5 =	vbroadcast v4, $0x0  }
0x1b4: {  	[tilespmem:s18+$0xFFFFFFB0] =	vst v2  }
.Ltmp6:
0x1b5: {  	[tilespmem:s18+$0xFFFFFFD0] =	vst v3;
	(pc) =	sbr.rel @p2 .LBB2_11-.Ltmp6, $4  }
0x1b6: {  	[tilespmem:s18+$0xFFFFFF90] =	vst v9  }
0x1b7: {  	[tilespmem:s18+$0xFFFFFFE0] =	vst v6;
	v4 =	vld [tilespmem:s18+$0x20]  }
0x1b8: {  	[tilespmem:s18+$0xFFFFFFC0] =	vst v7;
	v3 =	vld [tilespmem:s18+$0x50]  }
0x1b9: {  	v2 =	vld.idx.msk [tilespmem:v5+s30+$0x0], $0xffff  }
0x1ba: {  	_ =	sdelay $0x2  }
0x1bb: {  	v5 =	vld [tilespmem:s16+$0x70]  }
0x1bc: {  	v6 =	vld [tilespmem:s16+$0x30];
	v0 =	vmul.f32 v2, v0  }
0x1bd: {  	v7 =	vld [tilespmem:s16+$0x60];
	v4 =	vmul.f32 v2, v4  }
0x1be: {  	v8 =	vld [tilespmem:s16+$0x40];
	v1 =	vmul.f32 v2, v1;
	[tilespmem:s16+$0x0] =	vst v0  }
0x1bf: {  	v0 =	vmul.f32 v2, v3;
	[tilespmem:s16+$0x20] =	vst v4  }
0x1c0: {  	v3 =	vmul.f32 v2, v5;
	[tilespmem:s16+$0x10] =	vst v1  }
0x1c1: {  	v1 =	vmul.f32 v2, v6;
	[tilespmem:s16+$0x50] =	vst v0  }
0x1c2: {  	v0 =	vmul.f32 v2, v7;
	[tilespmem:s16+$0x70] =	vst v3  }
0x1c3: {  	v2 =	vmul.f32 v2, v8;
	[tilespmem:s16+$0x30] =	vst v1  }
0x1c4: {  	[tilespmem:s16+$0x60] =	vst v0  }
0x1c5: {  	[tilespmem:s16+$0x40] =	vst v2  }
0x1c6: {  	_ =	swait.ge [sflag:s22], $0x3C00  }
0x1c7: {  	s18 =	simm.s32 $0x880;
	s16 =	sadd.s32 @!p1 s21, s20;
	[sflag:s22] =	ssyncset.done $0x0  }
0x1c8: {  	s17 =	simm.s32 @!p1 $0x0;
	s16 =	sshrl.u32 @!p1 s16, $0x3;
	[sflag:s22] =	ssyncadd.s32 $0xFFFFC400  }
0x1c9: {  	[spmem:s2] =	stream.indirect.scatter.add.f32 [tilespmem:s7], [sflag:$0xB], $0x80, s18, s0, $0xb8;
	[tilespmem:$0x1F880] =	vst v63  }
0x1ca: {  	s19 =	simm.s32 $0x0;
	s16 =	sadd.s32 @!p1 s5, s16;
	s18 =	simm.s32 @!p1 $0x600  }
0x1cb: {  	[tilespmem:s18], [sflag:$0x4] =	stream.linear.gather @!p1 [hbm4b:s16+s17], $0x180, $0x38;
	[tilespmem:$0x1F880] =	vst v63  }
0x1cc: {  	v0 =	vmov s19;
	s16 =	simm.s32 @!p1 $0x1  }
0x1cd: {  	v0 =	vand.u32 $0x7E, v0;
	_ =	swait.ge @!p1 [sflag:s16], $0x180  }
0x1ce: {  	v0 =	vor.u32 $0x100, v0;
	[sflag:s16] =	ssyncset.done @!p1 $0x0  }
0x1cf: {  	v2 =	vbroadcast v0, $0x0;
	s18 =	simm.s32 @!p1 $0xC00;
	[sflag:s16] =	ssyncadd.s32 @!p1 $0xFFFFFE80;
	s16 =	simm.s32 @!p1 $0x78  }
0x1d0: {  	[tilespmem:s18], [sflag:$0x7] =	stream.indirect.gather @!p1 [hbm4b:s4+s16], $0x80, s17, s16, $0xb8;
	[tilespmem:$0x1F880] =	vst v63  }
0x1d1: {  	_ =	swait.ge [sflag:s11], $0x3C00  }
0x1d2: {  	[sflag:s11] =	ssyncset.done $0x0  }
0x1d3: {  	s16 =	simm.s32 $0x8480;
	[sflag:s11] =	ssyncadd.s32 $0xFFFFC400  }
0x1d4: {  	v4 =	vld [tilespmem:s16+$0xFFFFFFF0]  }
0x1d5: {  	v2 =	vld.idx.msk [tilespmem:v2+s12+$0x0], $0xffff  }
0x1d6: {  	v5 =	vld [tilespmem:s16+$0xFFFFFF80]  }
0x1d7: {  	v6 =	vld [tilespmem:s16+$0xFFFFFFA0]  }
0x1d8: {  	v7 =	vld [tilespmem:s16+$0xFFFFFFB0]  }
0x1d9: {  	v3 =	vld [tilespmem:s16+$0xFFFFFFD0]  }
0x1da: {  	s19 =	simm.s32 $0x1;
	v63 =	vld [tilespmem:s16+$0xFFFFFFE0];
	v4 =	vmul.f32 v2, v4  }
0x1db: {  	v11 =	vmov s19;
	v9 =	vld [tilespmem:s16+$0xFFFFFF90];
	v5 =	vmul.f32 v2, v5  }
0x1dc: {  	v10 =	vld [tilespmem:s16+$0xFFFFFFC0];
	v6 =	vmul.f32 v2, v6;
	[tilespmem:s16+$0xFFFFFFF0] =	vst v4;
	v4 =	vand.u32 $0x7F, v11  }
0x1dd: {  	v7 =	vmul.f32 v2, v7;
	[tilespmem:s16+$0xFFFFFF80] =	vst v5;
	v4 =	vor.u32 $0x100, v4  }
0x1de: {  	v3 =	vmul.f32 v2, v3;
	[tilespmem:s16+$0xFFFFFFA0] =	vst v6;
	v5 =	vbroadcast v4, $0x0  }
0x1df: {  	[tilespmem:s16+$0xFFFFFFB0] =	vst v7;
	v6 =	vmul.f32 v2, v63  }
0x1e0: {  	v0 =	vld [tilespmem:s16+$0x0];
	[tilespmem:s16+$0xFFFFFFD0] =	vst v3;
	v4 =	vmul.f32 v2, v9  }
0x1e1: {  	v1 =	vld [tilespmem:s16+$0x10];
	v2 =	vmul.f32 v2, v10;
	[tilespmem:s16+$0xFFFFFFE0] =	vst v6  }
0x1e2: {  	v3 =	vld [tilespmem:s16+$0x50];
	[tilespmem:s16+$0xFFFFFF90] =	vst v4  }
0x1e3: {  	v4 =	vld [tilespmem:s16+$0x20];
	[tilespmem:s16+$0xFFFFFFC0] =	vst v2  }
0x1e4: {  	s17 =	simm.s32 $0x2;
	s18 =	simm.s32 $0x8480;
	v2 =	vld.idx.msk [tilespmem:v5+s12+$0x0], $0xffff  }
.LBB2_13:
0x1e5: {  	p2 =	slt.u32 s17, $0x76  }
0x1e6: {  	v5 =	vld [tilespmem:s16+$0x70];
	s18 =	sadd.s32 $0x100, s18;
	s19 =	smov.u32 s17;
	s17 =	sadd.s32 $0x2, s17  }
0x1e7: {  	v6 =	vld [tilespmem:s16+$0x30]  }
0x1e8: {  	v7 =	vld [tilespmem:s16+$0x40]  }
0x1e9: {  	v8 =	vld [tilespmem:s16+$0x60];
	_ =	sdelay $0x1  }
0x1ea: {  	v0 =	vmul.f32 v2, v0;
	v1 =	vmul.f32 v2, v1  }
0x1eb: {  	v9 =	vmov s19;
	v4 =	vmul.f32 v2, v4;
	v6 =	vmul.f32 v2, v6  }
0x1ec: {  	v9 =	vand.u32 $0x7E, v9;
	v3 =	vmul.f32 v2, v3;
	[tilespmem:s16+$0x0] =	vst v0;
	v7 =	vmul.f32 v2, v7  }
0x1ed: {  	v9 =	vor.u32 $0x100, v9;
	v0 =	vld [tilespmem:s18+$0x0];
	[tilespmem:s16+$0x20] =	vst v4;
	v4 =	vmul.f32 v2, v8;
	v2 =	vmul.f32 v2, v5  }
0x1ee: {  	v5 =	vbroadcast v9, $0x0;
	[tilespmem:s16+$0x10] =	vst v1  }
0x1ef: {  	v1 =	vld [tilespmem:s18+$0x10];
	[tilespmem:s16+$0x50] =	vst v3  }
0x1f0: {  	v3 =	vld [tilespmem:s18+$0xFFFFFFD0];
	[tilespmem:s16+$0x70] =	vst v2  }
0x1f1: {  	v2 =	vld [tilespmem:s18+$0xFFFFFFB0];
	[tilespmem:s16+$0x30] =	vst v6  }
0x1f2: {  	v6 =	vld [tilespmem:s18+$0xFFFFFFE0];
	[tilespmem:s16+$0x60] =	vst v4  }
0x1f3: {  	v4 =	vld [tilespmem:s18+$0xFFFFFFF0];
	[tilespmem:s16+$0x40] =	vst v7;
	s16 =	smov.u32 s18  }
0x1f4: {  	v5 =	vld.idx.msk [tilespmem:v5+s12+$0x0], $0xffff  }
0x1f5: {  	v7 =	vld [tilespmem:s18+$0xFFFFFF80]  }
0x1f6: {  	v8 =	vld [tilespmem:s18+$0xFFFFFFA0]  }
0x1f7: {  	v9 =	vld [tilespmem:s18+$0xFFFFFF90]  }
0x1f8: {  	v10 =	vld [tilespmem:s18+$0xFFFFFFC0];
	_ =	sdelay $0x1  }
0x1f9: {  	s19 =	sadd.s32 $0x1, s19;
	v4 =	vmul.f32 v5, v4;
	v7 =	vmul.f32 v5, v7  }
0x1fa: {  	v11 =	vmov s19;
	v6 =	vmul.f32 v5, v6;
	v8 =	vmul.f32 v5, v8  }
0x1fb: {  	v2 =	vmul.f32 v5, v2;
	v9 =	vmul.f32 v5, v9;
	[tilespmem:s18+$0xFFFFFFF0] =	vst v4;
	v4 =	vand.u32 $0x7F, v11  }
0x1fc: {  	v3 =	vmul.f32 v5, v3;
	[tilespmem:s18+$0xFFFFFF80] =	vst v7;
	v7 =	vmul.f32 v5, v10;
	v4 =	vor.u32 $0x100, v4  }
0x1fd: {  	[tilespmem:s18+$0xFFFFFFA0] =	vst v8;
	v5 =	vbroadcast v4, $0x0  }
0x1fe: {  	[tilespmem:s18+$0xFFFFFFB0] =	vst v2  }
.Ltmp7:
0x1ff: {  	[tilespmem:s18+$0xFFFFFFD0] =	vst v3;
	(pc) =	sbr.rel @p2 .LBB2_13-.Ltmp7, $4  }
0x200: {  	[tilespmem:s18+$0xFFFFFF90] =	vst v9  }
0x201: {  	[tilespmem:s18+$0xFFFFFFE0] =	vst v6;
	v4 =	vld [tilespmem:s18+$0x20]  }
0x202: {  	[tilespmem:s18+$0xFFFFFFC0] =	vst v7;
	v3 =	vld [tilespmem:s18+$0x50]  }
0x203: {  	v2 =	vld.idx.msk [tilespmem:v5+s12+$0x0], $0xffff  }
0x204: {  	_ =	sdelay $0x2  }
0x205: {  	v5 =	vld [tilespmem:s16+$0x70]  }
0x206: {  	v6 =	vld [tilespmem:s16+$0x30];
	v0 =	vmul.f32 v2, v0  }
0x207: {  	v7 =	vld [tilespmem:s16+$0x60];
	v4 =	vmul.f32 v2, v4  }
0x208: {  	v8 =	vld [tilespmem:s16+$0x40];
	v1 =	vmul.f32 v2, v1;
	[tilespmem:s16+$0x0] =	vst v0  }
0x209: {  	v59 =	vmul.f32 v2, v3;
	[tilespmem:s16+$0x20] =	vst v4  }
0x20a: {  	v60 =	vmul.f32 v2, v5;
	[tilespmem:s16+$0x10] =	vst v1  }
0x20b: {  	v61 =	vmul.f32 v2, v6;
	[tilespmem:s16+$0x50] =	vst v59  }
0x20c: {  	v62 =	vmul.f32 v2, v7;
	[tilespmem:s16+$0x70] =	vst v60  }
0x20d: {  	v63 =	vmul.f32 v2, v8;
	[tilespmem:s16+$0x30] =	vst v61  }
0x20e: {  	[tilespmem:s16+$0x60] =	vst v62  }
.Ltmp8:
0x20f: {  	[tilespmem:s16+$0x40] =	vst v63;
	(pc) =	sbr.rel @p1 .LBB2_16-.Ltmp8, $4  }
0x210: {  	_ =	swait.ge [sflag:s31], $0x3C00  }
0x211: {  	[sflag:s31] =	ssyncset.done $0x0  }
0x212: {  	s19 =	simm.s32 $0xA80;
	[sflag:s31] =	ssyncadd.s32 $0xFFFFC400  }
0x213: {  	[spmem:s2] =	stream.indirect.scatter.add.f32 [tilespmem:s14], [sflag:$0xC], $0x80, s19, s0, $0xb8;
	[tilespmem:$0x1F880] =	vst v63  }
0x214: {  	s16 =	rddreg [dreg:$0x11]  }
0x215: {  	s16 =	sadd.s32 s21, s16  }
0x216: {  	s16 =	sshrl.u32 s16, $0x3  }
0x217: {  	s16 =	sadd.s32 s5, s16  }
0x218: {  	[tilespmem:s30], [sflag:$0x5] =	stream.linear.gather [hbm4b:s16+s3], $0x180, $0x38;
	[tilespmem:$0x1F880] =	vst v63  }
.Ltmp9:
0x219: {  	_ = 	snop;
	(pc) =	sbr.rel .LBB2_2-.Ltmp9, $4  }
0x21a: {  	_ =	swait.ge [sflag:s6], $0x180  }
0x21b: {  	[sflag:s6] =	ssyncset.done $0x0  }
0x21c: {  	s23 =	sadd.s32 $0x1, s23;
	[sflag:s6] =	ssyncadd.s32 $0xFFFFFE80  }
0x21d: {  	[tilespmem:s7], [sflag:$0x8] =	stream.indirect.gather [hbm4b:s4+s0], $0x80, s26, s0, $0xb8;
	[tilespmem:$0x1F880] =	vst v63  }
.LBB2_17:
0x21e: {  	_ =	sfence.sel $0x180000  }
0x21f: {  	[bflag:$0x0] =	sbarrier.arrive $0xFFFF  }
0x220: {  	_ =	strace $0x90000047  }
0x221: {  	s0 =	stileid.u32;
	[bflag:$0x2] =	sbarrier.arrive $0xFFFF  }
0x222: {  	p0 =	sne.s32 s0, $0x0;
	s0 =	rddreg [dreg:$0x2]  }
0x223: {  	s0 =	sadd.s32 @!p0 $0x100000, s0  }
0x224: {  	[sflag:s0] =	ssyncadd.tile.s32 @!p0 $0x1;
	_ =	shalt  }
.Lfunc_end2:
_tile_overlayer_lowered:
.L_overlay_start_2:
0x225: {  	(tag) =	ssettag $0x2  }
0x226: {  	s0 =	rddreg [dreg:$0x0];
	s2 =	stileid.u32  }
0x227: {  	s1 =	rddreg [dreg:$0x1];
	p0 =	sne.s32 s2, $0x0  }
0x228: {  	s3 =	rddreg [dreg:$0x2];
	[bflag:$0x3] =	sbarrier.arrive $0xFFFF;
	s2 =	simm.s32 @!p0 $0x1C0D  }
0x229: {  	[timem:s3], [sflag:s2] =	dma.local @!p0 [hbm:s0], s1  }
0x22a: {  	s0 =	simm.s32 @!p0 $0xD  }
0x22b: {  	_ =	swait.ge @!p0 [sflag:s0], s1  }
0x22c: {  	s1 =	ssub.s32 @!p0 $0x0, s1;
	[sflag:s0] =	ssyncset.done @!p0 $0x0  }
0x22d: {  	[sflag:s0] =	ssyncadd.s32 @!p0 s1  }
0x22e: {  	[bflag:$0x3] =	sbarrier.arrive $0xFFFF  }
0x22f: {  	_ =	shalt  }

</sc_bundles>
